<compile_context>
chip_gen: v7x
topology: tpu7x:2x2x1
jax: 0.10.2.dev20260603
libtpu: 0.0.44.dev20260713+nightly
codegen_flags: <defaults>
</compile_context>

<pallas_src>
import functools

import jax
import jax.numpy as jnp
from jax import lax
from jax.experimental import pallas as pl
from jax.experimental.pallas import tpu as pltpu
from jax.experimental.pallas import tpu_sc as plsc

N = 10000
E = 320000
IN = 128
H = 8
D = 16
HD = H * D
OUT = 64
NEG_SLOPE = 0.2

NC = 2
NS = 16
NW = NC * NS
L = 16

CHUNK = 64
CPW = 158
E_PAD = NW * CPW * CHUNK
E_ALLOC = E_PAD + CHUNK
NPAD = 10240
RPT = NPAD // NS
BLK = 1280

def _dyn_gather(v, idx):
    dn = lax.GatherDimensionNumbers(
        offset_dims=(), collapsed_slice_dims=(0,), start_index_map=(0,))
    return lax.gather(v, idx[:, None], dn, (1,),
                      mode=lax.GatherScatterMode.PROMISE_IN_BOUNDS)


AW = HD + L


def _edge_kernel(src_hbm, dst_hbm, h_hbm, la_hbm, lb_hbm, acc_hbm, s_hbm,
                 sidx0, didx0, slr0, dlr0, hrows0, wbuf0,
                 sidx1, didx1, slr1, dlr1, hrows1, wbuf1,
                 acc_sh, s_sh, sem0, sem1):
    cid = lax.axis_index("c")
    sid = lax.axis_index("s")
    wid = cid * NS + sid

    zv = jnp.zeros((L,), jnp.float32)

    @pl.loop(0, CHUNK)
    def _(i):
        for cc in range(H):
            hrows0[i, pl.ds(cc * L, L)] = zv
        wbuf0[i, :] = zv

    row0 = sid * RPT
    for k in range(RPT // CHUNK):
        pltpu.sync_copy(hrows0, acc_sh.at[pl.ds(row0 + k * CHUNK, CHUNK)])
        pltpu.sync_copy(wbuf0, s_sh.at[pl.ds(row0 + k * CHUNK, CHUNK)])

    plsc.subcore_barrier()

    def fetch_idx(j, si, di):
        base = (wid * CPW + j) * CHUNK
        pltpu.sync_copy(src_hbm.at[pl.ds(base, CHUNK)], si)
        pltpu.sync_copy(dst_hbm.at[pl.ds(base, CHUNK)], di)

    def fire(si, di, hr, sl, dl, sem):
        pltpu.async_copy(h_hbm.at[si], hr, sem)
        pltpu.async_copy(la_hbm.at[si], sl, sem)
        pltpu.async_copy(lb_hbm.at[di], dl, sem)

    def drain(si, di, hr, sl, dl, sem):
        pltpu.make_async_copy(h_hbm.at[si], hr, sem).wait()
        pltpu.make_async_copy(la_hbm.at[si], sl, sem).wait()
        pltpu.make_async_copy(lb_hbm.at[di], dl, sem).wait()

    def compute(sl, dl, hr, wb, di):
        @plsc.parallel_loop(0, CHUNK, 1, unroll=4)
        def _(e):
            e16 = sl[e, :] + dl[e, :]
            lk = jnp.where(e16 > 0, e16, NEG_SLOPE * e16)
            w = jnp.exp(lk)
            wb[e, :] = w
            for hh in range(H):
                wh = _dyn_gather(w, jnp.full((L,), hh, jnp.int32))
                slc = pl.ds(hh * L, L)
                hr[e, slc] = hr[e, slc] * wh

        pltpu.sync_copy(wb, s_sh.at[di], add=True)
        pltpu.sync_copy(hr, acc_sh.at[di], add=True)

    fetch_idx(0, sidx0, didx0)
    fire(sidx0, didx0, hrows0, slr0, dlr0, sem0)

    @pl.loop(0, CPW // 2)
    def _(t):
        j = t * 2
        fetch_idx(j + 1, sidx1, didx1)
        fire(sidx1, didx1, hrows1, slr1, dlr1, sem1)
        drain(sidx0, didx0, hrows0, slr0, dlr0, sem0)
        compute(slr0, dlr0, hrows0, wbuf0, didx0)
        fetch_idx(j + 2, sidx0, didx0)
        fire(sidx0, didx0, hrows0, slr0, dlr0, sem0)
        drain(sidx1, didx1, hrows1, slr1, dlr1, sem1)
        compute(slr1, dlr1, hrows1, wbuf1, didx1)

    drain(sidx0, didx0, hrows0, slr0, dlr0, sem0)

    plsc.subcore_barrier()

    for k in range(RPT // CHUNK):
        r = row0 + k * CHUNK
        pltpu.sync_copy(acc_sh.at[pl.ds(r, CHUNK)], hrows0)
        pltpu.sync_copy(hrows0, acc_hbm.at[cid, pl.ds(r, CHUNK)])
        pltpu.sync_copy(s_sh.at[pl.ds(r, CHUNK)], wbuf0)
        pltpu.sync_copy(wbuf0, s_hbm.at[cid, pl.ds(r, CHUNK)])


@functools.cache
def _edge_call():
  mesh = plsc.VectorSubcoreMesh(
      core_axis_name="c", subcore_axis_name="s", num_cores=NC, num_subcores=NS)
  return pl.kernel(
    _edge_kernel,
    out_type=(
        jax.ShapeDtypeStruct((NC, NPAD, HD), jnp.float32),
        jax.ShapeDtypeStruct((NC, NPAD, L), jnp.float32),
    ),
    mesh=mesh,
    scratch_types=[
        pltpu.VMEM((CHUNK,), jnp.int32),
        pltpu.VMEM((CHUNK,), jnp.int32),
        pltpu.VMEM((CHUNK, L), jnp.float32),
        pltpu.VMEM((CHUNK, L), jnp.float32),
        pltpu.VMEM((CHUNK, HD), jnp.float32),
        pltpu.VMEM((CHUNK, L), jnp.float32),
        pltpu.VMEM((CHUNK,), jnp.int32),
        pltpu.VMEM((CHUNK,), jnp.int32),
        pltpu.VMEM((CHUNK, L), jnp.float32),
        pltpu.VMEM((CHUNK, L), jnp.float32),
        pltpu.VMEM((CHUNK, HD), jnp.float32),
        pltpu.VMEM((CHUNK, L), jnp.float32),
        pltpu.VMEM_SHARED((NPAD, HD), jnp.float32),
        pltpu.VMEM_SHARED((NPAD, L), jnp.float32),
        pltpu.SemaphoreType.DMA,
        pltpu.SemaphoreType.DMA,
    ],
    compiler_params=pltpu.CompilerParams(use_tc_tiling_on_sc=False),
  )


def _pre_kernel(x_ref, w_ref, alr_ref, h_ref, la_ref, lb_ref):
    i = pl.program_id(0)
    rows = i * BLK + lax.broadcasted_iota(jnp.int32, (BLK, 1), 0)
    valid = rows < N
    h = jnp.dot(x_ref[...], w_ref[...], preferred_element_type=jnp.float32)
    h = jnp.where(valid, h, 0.0)
    lr = jnp.dot(h, alr_ref[...], preferred_element_type=jnp.float32)
    lr = jnp.where(valid, lr, 0.0)
    h_ref[...] = h
    la_ref[...] = lr[:, :L]
    lb_ref[...] = lr[:, L:]


def _normalize(acc_ref, s_ref, p_ref, b_ref):
    t = acc_ref[0] + acc_ref[1]
    s = s_ref[0] + s_ref[1]
    s = jnp.where(s > 0, s, 1.0)
    srep = jnp.dot(s, p_ref[...], preferred_element_type=jnp.float32)
    return t / srep + b_ref[...]


def _mid_body(acc_ref, s_ref, p_ref, b_ref, gm_ref, bt_ref, w_ref, alr_ref,
              b2_ref, h_ref, la_ref, lb_ref):
    i = pl.program_id(0)
    rows = i * BLK + lax.broadcasted_iota(jnp.int32, (BLK, 1), 0)
    valid = rows < N
    y = _normalize(acc_ref, s_ref, p_ref, b_ref)
    mu = jnp.mean(y, axis=-1, keepdims=True)
    var = jnp.mean((y - mu) ** 2, axis=-1, keepdims=True)
    z = (y - mu) * lax.rsqrt(var + 1e-5) * gm_ref[...] + bt_ref[...]
    z = jnp.maximum(z, 0.0)
    h = jnp.dot(z, w_ref[...], preferred_element_type=jnp.float32) + b2_ref[...]
    h = jnp.where(valid, h, 0.0)
    lr = jnp.dot(h, alr_ref[...], preferred_element_type=jnp.float32)
    lr = jnp.where(valid, lr, 0.0)
    h_ref[...] = h
    la_ref[...] = lr[:, :L]
    lb_ref[...] = lr[:, L:]


def _row_spec(width):
    return pl.BlockSpec((BLK, width), lambda i: (i, 0))


def _full_spec(shape):
    nd = len(shape)
    return pl.BlockSpec(shape, lambda i, _n=nd: (0,) * _n)


def _acc_spec(width):
    return pl.BlockSpec((NC, BLK, width), lambda i: (0, i, 0))


_pre_call = pl.pallas_call(
    _pre_kernel,
    grid=(NPAD // BLK,),
    in_specs=[_row_spec(IN), _full_spec((IN, HD)), _full_spec((HD, 2 * L))],
    out_specs=(_row_spec(HD), _row_spec(L), _row_spec(L)),
    out_shape=(jax.ShapeDtypeStruct((NPAD, HD), jnp.float32),
               jax.ShapeDtypeStruct((NPAD, L), jnp.float32),
               jax.ShapeDtypeStruct((NPAD, L), jnp.float32)),
)

_mid_call = pl.pallas_call(
    _mid_body,
    grid=(NPAD // BLK,),
    in_specs=[_acc_spec(HD), _acc_spec(L), _full_spec((L, HD)),
              _full_spec((1, HD)), _full_spec((1, HD)), _full_spec((1, HD)),
              _full_spec((HD, HD)), _full_spec((HD, 2 * L)),
              _full_spec((1, HD))],
    out_specs=(_row_spec(HD), _row_spec(L), _row_spec(L)),
    out_shape=(jax.ShapeDtypeStruct((NPAD, HD), jnp.float32),
               jax.ShapeDtypeStruct((NPAD, L), jnp.float32),
               jax.ShapeDtypeStruct((NPAD, L), jnp.float32)),
)


def _block_alr(al, ar):
    eye = jnp.eye(H, dtype=jnp.float32)
    bl = (eye[:, None, :] * al[:, :, None]).reshape(HD, H)
    br = (eye[:, None, :] * ar[:, :, None]).reshape(HD, H)
    z = jnp.zeros((HD, H), jnp.float32)
    return jnp.concatenate([bl, z, br, z], axis=1)


@jax.jit
def kernel(g, feats, W0, al0, ar0, b0, gm0, bt0, W1, al1, ar1, b1, gm1, bt1,
           Wp, bp):
    src = jnp.concatenate(
        [g[0], jnp.full((E_ALLOC - E,), N, jnp.int32)]).astype(jnp.int32)
    dst = jnp.concatenate(
        [g[1], jnp.full((E_ALLOC - E,), N, jnp.int32)]).astype(jnp.int32)

    xpad = jnp.zeros((NPAD, IN), jnp.float32).at[:N].set(feats)

    p = jnp.zeros((L, HD), jnp.float32)
    eye = jnp.eye(H, dtype=jnp.float32)
    p = p.at[:H].set(jnp.repeat(eye, D, axis=1))

    alr0 = _block_alr(al0, ar0)
    alr1 = _block_alr(al1, ar1)

    wp_pad = jnp.zeros((HD, HD), jnp.float32).at[:, :OUT].set(Wp)
    bp_pad = jnp.zeros((HD,), jnp.float32).at[:OUT].set(bp)
    ws = jnp.stack([W1, wp_pad])
    alrs = jnp.stack([alr1, jnp.zeros((HD, 2 * L), jnp.float32)])
    bs = jnp.stack([b0[None, :], b1[None, :]])
    gms = jnp.stack([gm0[None, :], gm1[None, :]])
    bts = jnp.stack([bt0[None, :], bt1[None, :]])
    b2s = jnp.stack([jnp.zeros((1, HD), jnp.float32), bp_pad[None, :]])

    h0, la0, lb0 = _pre_call(xpad, W0, alr0)

    def body(carry, x):
        h, la, lb = carry
        w_i, alr_i, b_i, gm_i, bt_i, b2_i = x
        acc, s = _edge_call()(src, dst, h, la, lb)
        h2, la2, lb2 = _mid_call(acc, s, p, b_i, gm_i, bt_i, w_i, alr_i, b2_i)
        return (h2, la2, lb2), None

    (hf, _, _), _ = lax.scan(body, (h0, la0, lb0), (ws, alrs, bs, gms, bts, b2s))
    return hf[:N, :OUT]

# --- scband reference (transcript-rebuilt; emitter-appended) ---
"""Pipeline reference for scband-gat-20091857011528 (READ-ONLY COPY).

The authoritative reference and input builder live on the scoring server;
editing this copy changes nothing except your own understanding.
"""

import jax, jax.numpy as jnp
import numpy as np

N = 10000
E = 320000
IN = 128
H = 8
D = 16
HD = H * D
OUT = 64
NEG_SLOPE = 0.2


def setup_inputs(seed: int = 0) -> dict:
    key = jax.random.key(seed)
    ks = jax.random.split(key, 20)
    feats = jax.random.normal(ks[0], (N, IN), dtype=jnp.float32)
    g = jax.random.randint(ks[1], (2, E), 0, N, dtype=jnp.int32)
    s = 0.1
    return {
        'g': g, 'feats': feats,
        'W0': jax.random.normal(ks[2], (IN, HD), jnp.float32) * s,
        'al0': jax.random.normal(ks[3], (H, D), jnp.float32) * s,
        'ar0': jax.random.normal(ks[4], (H, D), jnp.float32) * s,
        'b0': jnp.zeros((HD,), jnp.float32),
        'gm0': jnp.ones((HD,), jnp.float32),
        'bt0': jnp.zeros((HD,), jnp.float32),
        'W1': jax.random.normal(ks[5], (HD, HD), jnp.float32) * s,
        'al1': jax.random.normal(ks[6], (H, D), jnp.float32) * s,
        'ar1': jax.random.normal(ks[7], (H, D), jnp.float32) * s,
        'b1': jnp.zeros((HD,), jnp.float32),
        'gm1': jnp.ones((HD,), jnp.float32),
        'bt1': jnp.zeros((HD,), jnp.float32),
        'Wp': jax.random.normal(ks[8], (HD, OUT), jnp.float32) * s,
        'bp': jnp.zeros((OUT,), jnp.float32),
    }


def _gat_conv(x, src, dst, W, al, ar, b):
    h = (x @ W).reshape(N, H, D)
    el = (h * al[None, :, :]).sum(-1)  # [N, H]
    er = (h * ar[None, :, :]).sum(-1)  # [N, H]
    e = el[src] + er[dst]              # [E, H]
    e = jnp.where(e > 0, e, NEG_SLOPE * e)
    m = jax.ops.segment_max(e, dst, num_segments=N)
    m = jnp.where(jnp.isfinite(m), m, 0.0)
    m = jax.lax.stop_gradient(m)
    ex = jnp.exp(e - m[dst])
    s = jax.ops.segment_sum(ex, dst, num_segments=N)
    denom = jnp.where(s[dst] > 0, s[dst], 1.0)
    alpha = ex / denom                 # [E, H]
    msg = h[src] * alpha[:, :, None]   # [E, H, D]
    out = jax.ops.segment_sum(msg, dst, num_segments=N)
    return out.reshape(N, HD) + b[None, :]


def _layernorm(x, gamma, beta):
    mu = x.mean(-1, keepdims=True)
    var = ((x - mu) ** 2).mean(-1, keepdims=True)
    return (x - mu) / jnp.sqrt(var + 1e-5) * gamma[None, :] + beta[None, :]


def reference(g, feats, W0, al0, ar0, b0, gm0, bt0, W1, al1, ar1, b1, gm1, bt1, Wp, bp):
    src = g[0]
    dst = g[1]
    h = _gat_conv(feats, src, dst, W0, al0, ar0, b0)
    h = jax.nn.relu(_layernorm(h, gm0, bt0))
    h = _gat_conv(h, src, dst, W1, al1, ar1, b1)
    h = jax.nn.relu(_layernorm(h, gm1, bt1))
    return h @ Wp + bp[None, :]

if __name__ == "__main__":
    import jax
    _d = setup_inputs()
    print(jax.jit(kernel)(*tuple(_d.values())))

</pallas_src>

<mosaic_0001>
#map = affine_map<(d0, d1) -> (0)>
#map1 = affine_map<(d0, d1) -> (0, 0)>
#map2 = affine_map<(d0, d1) -> (0, 0, 0)>
module attributes {stable_mosaic.version = 14 : i64} {
  func.func @_edge_kernel(%arg0: i32, %arg1: i32, %arg2: memref<323648xi32, #tpu.memory_space<hbm>>, %arg3: memref<323648xi32, #tpu.memory_space<hbm>>, %arg4: memref<10240x128xf32, #tpu.memory_space<hbm>>, %arg5: memref<10240x16xf32, #tpu.memory_space<hbm>>, %arg6: memref<10240x16xf32, #tpu.memory_space<hbm>>, %arg7: memref<2x10240x128xf32, #tpu.memory_space<hbm>>, %arg8: memref<2x10240x16xf32, #tpu.memory_space<hbm>>, %arg9: memref<64xi32, #tpu.memory_space<vmem>>, %arg10: memref<64xi32, #tpu.memory_space<vmem>>, %arg11: memref<64x16xf32, #tpu.memory_space<vmem>>, %arg12: memref<64x16xf32, #tpu.memory_space<vmem>>, %arg13: memref<64x128xf32, #tpu.memory_space<vmem>>, %arg14: memref<64x16xf32, #tpu.memory_space<vmem>>, %arg15: memref<64xi32, #tpu.memory_space<vmem>>, %arg16: memref<64xi32, #tpu.memory_space<vmem>>, %arg17: memref<64x16xf32, #tpu.memory_space<vmem>>, %arg18: memref<64x16xf32, #tpu.memory_space<vmem>>, %arg19: memref<64x128xf32, #tpu.memory_space<vmem>>, %arg20: memref<64x16xf32, #tpu.memory_space<vmem>>, %arg21: memref<10240x128xf32, #tpu.memory_space<vmem_shared>>, %arg22: memref<10240x16xf32, #tpu.memory_space<vmem_shared>>, %arg23: memref<!tpu.dma_semaphore, #tpu.memory_space<semaphore_mem>>, %arg24: memref<!tpu.dma_semaphore, #tpu.memory_space<semaphore_mem>>) attributes {dimension_semantics = [#tpu.dimension_semantics<core_parallel>, #tpu.dimension_semantics<subcore_parallel>], iteration_bounds = array<i64: 2, 16>, scalar_prefetch = 0 : i64, scratch_operands = 16 : i64, tpu.core_type = #tpu.core_type<sc_vector_subcore>, window_params = [{transform_indices = #map}, {transform_indices = #map}, {transform_indices = #map1}, {transform_indices = #map1}, {transform_indices = #map1}, {transform_indices = #map2}, {transform_indices = #map2}]} {
    %mul3A = arith.constant 16 : i32
    %mul3A_0 = arith.muli %arg0, %mul3A : i32
    %add3A = arith.addi %mul3A_0, %arg1 : i32
    %broadcast_in_dim3A = arith.constant 0.000000e+00 : f32
    %broadcast_in_dim3A_1 = vector.broadcast %broadcast_in_dim3A : f32 to vector<16xf32>
    %scan3A = arith.constant 0 : i32
    %scan3A_2 = arith.constant 64 : i32
    %scan3A_3 = arith.addi %scan3A, %scan3A_2 : i32
    %scan3A_4 = arith.constant 1 : i32
    scf.for %scan3A_96 = %scan3A to %scan3A_3 step %scan3A_4  : i32 {
      %mul3A_97 = arith.constant 1 : i32
      %mul3A_98 = arith.muli %scan3A_96, %mul3A_97 : i32
      %add3A_99 = arith.constant 0 : i32
      %add3A_100 = arith.addi %add3A_99, %mul3A_98 : i32
      %swap3A = arith.index_cast %add3A_100 : i32 to index
      %swap3A_101 = arith.constant 0 : index
      %swap3A_102 = tpu.vector_load %arg13[%swap3A, %swap3A_101] {strides = array<i32>} : memref<64x128xf32, #tpu.memory_space<vmem>>, vector<1x16xf32>,
      %swap3A_103 = vector.shape_cast %swap3A_102 : vector<1x16xf32> to vector<16xf32>
      %swap3A_104 = vector.shape_cast %broadcast_in_dim3A_1 : vector<16xf32> to vector<1x16xf32>
      tpu.vector_store %arg13[%swap3A, %swap3A_101], %swap3A_104 {strides = array<i32>} : memref<64x128xf32, #tpu.memory_space<vmem>>, vector<1x16xf32>,
      %swap3A_105 = arith.index_cast %add3A_100 : i32 to index
      %swap3A_106 = arith.constant 16 : index
      %swap3A_107 = tpu.vector_load %arg13[%swap3A_105, %swap3A_106] {strides = array<i32>} : memref<64x128xf32, #tpu.memory_space<vmem>>, vector<1x16xf32>,
      %swap3A_108 = vector.shape_cast %swap3A_107 : vector<1x16xf32> to vector<16xf32>
      %swap3A_109 = vector.shape_cast %broadcast_in_dim3A_1 : vector<16xf32> to vector<1x16xf32>
      tpu.vector_store %arg13[%swap3A_105, %swap3A_106], %swap3A_109 {strides = array<i32>} : memref<64x128xf32, #tpu.memory_space<vmem>>, vector<1x16xf32>,
      %swap3A_110 = arith.index_cast %add3A_100 : i32 to index
      %swap3A_111 = arith.constant 32 : index
      %swap3A_112 = tpu.vector_load %arg13[%swap3A_110, %swap3A_111] {strides = array<i32>} : memref<64x128xf32, #tpu.memory_space<vmem>>, vector<1x16xf32>,
      %swap3A_113 = vector.shape_cast %swap3A_112 : vector<1x16xf32> to vector<16xf32>
      %swap3A_114 = vector.shape_cast %broadcast_in_dim3A_1 : vector<16xf32> to vector<1x16xf32>
      tpu.vector_store %arg13[%swap3A_110, %swap3A_111], %swap3A_114 {strides = array<i32>} : memref<64x128xf32, #tpu.memory_space<vmem>>, vector<1x16xf32>,
      %swap3A_115 = arith.index_cast %add3A_100 : i32 to index
      %swap3A_116 = arith.constant 48 : index
      %swap3A_117 = tpu.vector_load %arg13[%swap3A_115, %swap3A_116] {strides = array<i32>} : memref<64x128xf32, #tpu.memory_space<vmem>>, vector<1x16xf32>,
      %swap3A_118 = vector.shape_cast %swap3A_117 : vector<1x16xf32> to vector<16xf32>
      %swap3A_119 = vector.shape_cast %broadcast_in_dim3A_1 : vector<16xf32> to vector<1x16xf32>
      tpu.vector_store %arg13[%swap3A_115, %swap3A_116], %swap3A_119 {strides = array<i32>} : memref<64x128xf32, #tpu.memory_space<vmem>>, vector<1x16xf32>,
      %swap3A_120 = arith.index_cast %add3A_100 : i32 to index
      %swap3A_121 = arith.constant 64 : index
      %swap3A_122 = tpu.vector_load %arg13[%swap3A_120, %swap3A_121] {strides = array<i32>} : memref<64x128xf32, #tpu.memory_space<vmem>>, vector<1x16xf32>,
      %swap3A_123 = vector.shape_cast %swap3A_122 : vector<1x16xf32> to vector<16xf32>
      %swap3A_124 = vector.shape_cast %broadcast_in_dim3A_1 : vector<16xf32> to vector<1x16xf32>
      tpu.vector_store %arg13[%swap3A_120, %swap3A_121], %swap3A_124 {strides = array<i32>} : memref<64x128xf32, #tpu.memory_space<vmem>>, vector<1x16xf32>,
      %swap3A_125 = arith.index_cast %add3A_100 : i32 to index
      %swap3A_126 = arith.constant 80 : index
      %swap3A_127 = tpu.vector_load %arg13[%swap3A_125, %swap3A_126] {strides = array<i32>} : memref<64x128xf32, #tpu.memory_space<vmem>>, vector<1x16xf32>,
      %swap3A_128 = vector.shape_cast %swap3A_127 : vector<1x16xf32> to vector<16xf32>
      %swap3A_129 = vector.shape_cast %broadcast_in_dim3A_1 : vector<16xf32> to vector<1x16xf32>
      tpu.vector_store %arg13[%swap3A_125, %swap3A_126], %swap3A_129 {strides = array<i32>} : memref<64x128xf32, #tpu.memory_space<vmem>>, vector<1x16xf32>,
      %swap3A_130 = arith.index_cast %add3A_100 : i32 to index
      %swap3A_131 = arith.constant 96 : index
      %swap3A_132 = tpu.vector_load %arg13[%swap3A_130, %swap3A_131] {strides = array<i32>} : memref<64x128xf32, #tpu.memory_space<vmem>>, vector<1x16xf32>,
      %swap3A_133 = vector.shape_cast %swap3A_132 : vector<1x16xf32> to vector<16xf32>
      %swap3A_134 = vector.shape_cast %broadcast_in_dim3A_1 : vector<16xf32> to vector<1x16xf32>
      tpu.vector_store %arg13[%swap3A_130, %swap3A_131], %swap3A_134 {strides = array<i32>} : memref<64x128xf32, #tpu.memory_space<vmem>>, vector<1x16xf32>,
      %swap3A_135 = arith.index_cast %add3A_100 : i32 to index
      %swap3A_136 = arith.constant 112 : index
      %swap3A_137 = tpu.vector_load %arg13[%swap3A_135, %swap3A_136] {strides = array<i32>} : memref<64x128xf32, #tpu.memory_space<vmem>>, vector<1x16xf32>,
      %swap3A_138 = vector.shape_cast %swap3A_137 : vector<1x16xf32> to vector<16xf32>
      %swap3A_139 = vector.shape_cast %broadcast_in_dim3A_1 : vector<16xf32> to vector<1x16xf32>
      tpu.vector_store %arg13[%swap3A_135, %swap3A_136], %swap3A_139 {strides = array<i32>} : memref<64x128xf32, #tpu.memory_space<vmem>>, vector<1x16xf32>,
      %swap3A_140 = arith.index_cast %add3A_100 : i32 to index
      %swap3A_141 = arith.constant 0 : index
      %swap3A_142 = tpu.vector_load %arg14[%swap3A_140, %swap3A_141] {strides = array<i32>} : memref<64x16xf32, #tpu.memory_space<vmem>>, vector<1x16xf32>,
      %swap3A_143 = vector.shape_cast %swap3A_142 : vector<1x16xf32> to vector<16xf32>
      %swap3A_144 = vector.shape_cast %broadcast_in_dim3A_1 : vector<16xf32> to vector<1x16xf32>
      tpu.vector_store %arg14[%swap3A_140, %swap3A_141], %swap3A_144 {strides = array<i32>} : memref<64x16xf32, #tpu.memory_space<vmem>>, vector<1x16xf32>,
    }
    %scan3A_5 = arith.constant 64 : i32
    %mul3A_6 = arith.constant 640 : i32
    %mul3A_7 = arith.muli %arg1, %mul3A_6 : i32
    %add3A_8 = arith.constant 0 : i32
    %add3A_9 = arith.addi %mul3A_7, %add3A_8 : i32
    "tpu.region"() ({
      %run_scoped3A = tpu.sem_alloc : memref<!tpu.dma_semaphore, #tpu.memory_space<semaphore_mem>>
      %dma_start3A_96 = arith.constant 0 : i32
      %dma_start3A_97 = tpu.memref_slice %arg21[%add3A_9, %dma_start3A_96] : memref<10240x128xf32, #tpu.memory_space<vmem_shared>> -> memref<64x128xf32, #tpu.memory_space<vmem_shared>>
      %dma_start3A_98 = arith.constant 0 : i32
      %dma_start3A_99 = tpu.memref_slice %arg21[%add3A_9, %dma_start3A_98] : memref<10240x128xf32, #tpu.memory_space<vmem_shared>> -> memref<64x128xf32, #tpu.memory_space<vmem_shared>>
      tpu.enqueue_dma source(%arg13 : memref<64x128xf32, #tpu.memory_space<vmem>>) target(%dma_start3A_99 : memref<64x128xf32, #tpu.memory_space<vmem_shared>>) target_semaphore(%run_scoped3A : memref<!tpu.dma_semaphore, #tpu.memory_space<semaphore_mem>>)
      %dma_wait3A_100 = arith.constant 0 : i32
      %dma_wait3A_101 = tpu.memref_slice %arg21[%add3A_9, %dma_wait3A_100] : memref<10240x128xf32, #tpu.memory_space<vmem_shared>> -> memref<64x128xf32, #tpu.memory_space<vmem_shared>>
      %dma_wait3A_102 = arith.constant 0 : i32
      %dma_wait3A_103 = tpu.memref_slice %arg21[%add3A_9, %dma_wait3A_102] : memref<10240x128xf32, #tpu.memory_space<vmem_shared>> -> memref<64x128xf32, #tpu.memory_space<vmem_shared>>
      tpu.wait_dma2 semaphore(%run_scoped3A : memref<!tpu.dma_semaphore, #tpu.memory_space<semaphore_mem>>) src(%arg13 : memref<64x128xf32, #tpu.memory_space<vmem>>) dst(%dma_wait3A_103 : memref<64x128xf32, #tpu.memory_space<vmem_shared>>)
      tpu.yield
    }) : () -> ()
    %add3A_10 = arith.constant 0 : i32
    %add3A_11 = arith.addi %mul3A_7, %add3A_10 : i32
    "tpu.region"() ({
      %run_scoped3A = tpu.sem_alloc : memref<!tpu.dma_semaphore, #tpu.memory_space<semaphore_mem>>
      %dma_start3A_96 = arith.constant 0 : i32
      %dma_start3A_97 = tpu.memref_slice %arg22[%add3A_11, %dma_start3A_96] : memref<10240x16xf32, #tpu.memory_space<vmem_shared>> -> memref<64x16xf32, #tpu.memory_space<vmem_shared>>
      %dma_start3A_98 = arith.constant 0 : i32
      %dma_start3A_99 = tpu.memref_slice %arg22[%add3A_11, %dma_start3A_98] : memref<10240x16xf32, #tpu.memory_space<vmem_shared>> -> memref<64x16xf32, #tpu.memory_space<vmem_shared>>
      tpu.enqueue_dma source(%arg14 : memref<64x16xf32, #tpu.memory_space<vmem>>) target(%dma_start3A_99 : memref<64x16xf32, #tpu.memory_space<vmem_shared>>) target_semaphore(%run_scoped3A : memref<!tpu.dma_semaphore, #tpu.memory_space<semaphore_mem>>)
      %dma_wait3A_100 = arith.constant 0 : i32
      %dma_wait3A_101 = tpu.memref_slice %arg22[%add3A_11, %dma_wait3A_100] : memref<10240x16xf32, #tpu.memory_space<vmem_shared>> -> memref<64x16xf32, #tpu.memory_space<vmem_shared>>
      %dma_wait3A_102 = arith.constant 0 : i32
      %dma_wait3A_103 = tpu.memref_slice %arg22[%add3A_11, %dma_wait3A_102] : memref<10240x16xf32, #tpu.memory_space<vmem_shared>> -> memref<64x16xf32, #tpu.memory_space<vmem_shared>>
      tpu.wait_dma2 semaphore(%run_scoped3A : memref<!tpu.dma_semaphore, #tpu.memory_space<semaphore_mem>>) src(%arg14 : memref<64x16xf32, #tpu.memory_space<vmem>>) dst(%dma_wait3A_103 : memref<64x16xf32, #tpu.memory_space<vmem_shared>>)
      tpu.yield
    }) : () -> ()
    %add3A_12 = arith.constant 64 : i32
    %add3A_13 = arith.addi %mul3A_7, %add3A_12 : i32
    "tpu.region"() ({
      %run_scoped3A = tpu.sem_alloc : memref<!tpu.dma_semaphore, #tpu.memory_space<semaphore_mem>>
      %dma_start3A_96 = arith.constant 0 : i32
      %dma_start3A_97 = tpu.memref_slice %arg21[%add3A_13, %dma_start3A_96] : memref<10240x128xf32, #tpu.memory_space<vmem_shared>> -> memref<64x128xf32, #tpu.memory_space<vmem_shared>>
      %dma_start3A_98 = arith.constant 0 : i32
      %dma_start3A_99 = tpu.memref_slice %arg21[%add3A_13, %dma_start3A_98] : memref<10240x128xf32, #tpu.memory_space<vmem_shared>> -> memref<64x128xf32, #tpu.memory_space<vmem_shared>>
      tpu.enqueue_dma source(%arg13 : memref<64x128xf32, #tpu.memory_space<vmem>>) target(%dma_start3A_99 : memref<64x128xf32, #tpu.memory_space<vmem_shared>>) target_semaphore(%run_scoped3A : memref<!tpu.dma_semaphore, #tpu.memory_space<semaphore_mem>>)
      %dma_wait3A_100 = arith.constant 0 : i32
      %dma_wait3A_101 = tpu.memref_slice %arg21[%add3A_13, %dma_wait3A_100] : memref<10240x128xf32, #tpu.memory_space<vmem_shared>> -> memref<64x128xf32, #tpu.memory_space<vmem_shared>>
      %dma_wait3A_102 = arith.constant 0 : i32
      %dma_wait3A_103 = tpu.memref_slice %arg21[%add3A_13, %dma_wait3A_102] : memref<10240x128xf32, #tpu.memory_space<vmem_shared>> -> memref<64x128xf32, #tpu.memory_space<vmem_shared>>
      tpu.wait_dma2 semaphore(%run_scoped3A : memref<!tpu.dma_semaphore, #tpu.memory_space<semaphore_mem>>) src(%arg13 : memref<64x128xf32, #tpu.memory_space<vmem>>) dst(%dma_wait3A_103 : memref<64x128xf32, #tpu.memory_space<vmem_shared>>)
      tpu.yield
    }) : () -> ()
    %add3A_14 = arith.constant 64 : i32
    %add3A_15 = arith.addi %mul3A_7, %add3A_14 : i32
    "tpu.region"() ({
      %run_scoped3A = tpu.sem_alloc : memref<!tpu.dma_semaphore, #tpu.memory_space<semaphore_mem>>
      %dma_start3A_96 = arith.constant 0 : i32
      %dma_start3A_97 = tpu.memref_slice %arg22[%add3A_15, %dma_start3A_96] : memref<10240x16xf32, #tpu.memory_space<vmem_shared>> -> memref<64x16xf32, #tpu.memory_space<vmem_shared>>
      %dma_start3A_98 = arith.constant 0 : i32
      %dma_start3A_99 = tpu.memref_slice %arg22[%add3A_15, %dma_start3A_98] : memref<10240x16xf32, #tpu.memory_space<vmem_shared>> -> memref<64x16xf32, #tpu.memory_space<vmem_shared>>
      tpu.enqueue_dma source(%arg14 : memref<64x16xf32, #tpu.memory_space<vmem>>) target(%dma_start3A_99 : memref<64x16xf32, #tpu.memory_space<vmem_shared>>) target_semaphore(%run_scoped3A : memref<!tpu.dma_semaphore, #tpu.memory_space<semaphore_mem>>)
      %dma_wait3A_100 = arith.constant 0 : i32
      %dma_wait3A_101 = tpu.memref_slice %arg22[%add3A_15, %dma_wait3A_100] : memref<10240x16xf32, #tpu.memory_space<vmem_shared>> -> memref<64x16xf32, #tpu.memory_space<vmem_shared>>
      %dma_wait3A_102 = arith.constant 0 : i32
      %dma_wait3A_103 = tpu.memref_slice %arg22[%add3A_15, %dma_wait3A_102] : memref<10240x16xf32, #tpu.memory_space<vmem_shared>> -> memref<64x16xf32, #tpu.memory_space<vmem_shared>>
      tpu.wait_dma2 semaphore(%run_scoped3A : memref<!tpu.dma_semaphore, #tpu.memory_space<semaphore_mem>>) src(%arg14 : memref<64x16xf32, #tpu.memory_space<vmem>>) dst(%dma_wait3A_103 : memref<64x16xf32, #tpu.memory_space<vmem_shared>>)
      tpu.yield
    }) : () -> ()
    %add3A_16 = arith.constant 128 : i32
    %add3A_17 = arith.addi %mul3A_7, %add3A_16 : i32
    "tpu.region"() ({
      %run_scoped3A = tpu.sem_alloc : memref<!tpu.dma_semaphore, #tpu.memory_space<semaphore_mem>>
      %dma_start3A_96 = arith.constant 0 : i32
      %dma_start3A_97 = tpu.memref_slice %arg21[%add3A_17, %dma_start3A_96] : memref<10240x128xf32, #tpu.memory_space<vmem_shared>> -> memref<64x128xf32, #tpu.memory_space<vmem_shared>>
      %dma_start3A_98 = arith.constant 0 : i32
      %dma_start3A_99 = tpu.memref_slice %arg21[%add3A_17, %dma_start3A_98] : memref<10240x128xf32, #tpu.memory_space<vmem_shared>> -> memref<64x128xf32, #tpu.memory_space<vmem_shared>>
      tpu.enqueue_dma source(%arg13 : memref<64x128xf32, #tpu.memory_space<vmem>>) target(%dma_start3A_99 : memref<64x128xf32, #tpu.memory_space<vmem_shared>>) target_semaphore(%run_scoped3A : memref<!tpu.dma_semaphore, #tpu.memory_space<semaphore_mem>>)
      %dma_wait3A_100 = arith.constant 0 : i32
      %dma_wait3A_101 = tpu.memref_slice %arg21[%add3A_17, %dma_wait3A_100] : memref<10240x128xf32, #tpu.memory_space<vmem_shared>> -> memref<64x128xf32, #tpu.memory_space<vmem_shared>>
      %dma_wait3A_102 = arith.constant 0 : i32
      %dma_wait3A_103 = tpu.memref_slice %arg21[%add3A_17, %dma_wait3A_102] : memref<10240x128xf32, #tpu.memory_space<vmem_shared>> -> memref<64x128xf32, #tpu.memory_space<vmem_shared>>
      tpu.wait_dma2 semaphore(%run_scoped3A : memref<!tpu.dma_semaphore, #tpu.memory_space<semaphore_mem>>) src(%arg13 : memref<64x128xf32, #tpu.memory_space<vmem>>) dst(%dma_wait3A_103 : memref<64x128xf32, #tpu.memory_space<vmem_shared>>)
      tpu.yield
    }) : () -> ()
    %add3A_18 = arith.constant 128 : i32
    %add3A_19 = arith.addi %mul3A_7, %add3A_18 : i32
    "tpu.region"() ({
      %run_scoped3A = tpu.sem_alloc : memref<!tpu.dma_semaphore, #tpu.memory_space<semaphore_mem>>
      %dma_start3A_96 = arith.constant 0 : i32
      %dma_start3A_97 = tpu.memref_slice %arg22[%add3A_19, %dma_start3A_96] : memref<10240x16xf32, #tpu.memory_space<vmem_shared>> -> memref<64x16xf32, #tpu.memory_space<vmem_shared>>
      %dma_start3A_98 = arith.constant 0 : i32
      %dma_start3A_99 = tpu.memref_slice %arg22[%add3A_19, %dma_start3A_98] : memref<10240x16xf32, #tpu.memory_space<vmem_shared>> -> memref<64x16xf32, #tpu.memory_space<vmem_shared>>
      tpu.enqueue_dma source(%arg14 : memref<64x16xf32, #tpu.memory_space<vmem>>) target(%dma_start3A_99 : memref<64x16xf32, #tpu.memory_space<vmem_shared>>) target_semaphore(%run_scoped3A : memref<!tpu.dma_semaphore, #tpu.memory_space<semaphore_mem>>)
      %dma_wait3A_100 = arith.constant 0 : i32
      %dma_wait3A_101 = tpu.memref_slice %arg22[%add3A_19, %dma_wait3A_100] : memref<10240x16xf32, #tpu.memory_space<vmem_shared>> -> memref<64x16xf32, #tpu.memory_space<vmem_shared>>
      %dma_wait3A_102 = arith.constant 0 : i32
      %dma_wait3A_103 = tpu.memref_slice %arg22[%add3A_19, %dma_wait3A_102] : memref<10240x16xf32, #tpu.memory_space<vmem_shared>> -> memref<64x16xf32, #tpu.memory_space<vmem_shared>>
      tpu.wait_dma2 semaphore(%run_scoped3A : memref<!tpu.dma_semaphore, #tpu.memory_space<semaphore_mem>>) src(%arg14 : memref<64x16xf32, #tpu.memory_space<vmem>>) dst(%dma_wait3A_103 : memref<64x16xf32, #tpu.memory_space<vmem_shared>>)
      tpu.yield
    }) : () -> ()
    %add3A_20 = arith.constant 192 : i32
    %add3A_21 = arith.addi %mul3A_7, %add3A_20 : i32
    "tpu.region"() ({
      %run_scoped3A = tpu.sem_alloc : memref<!tpu.dma_semaphore, #tpu.memory_space<semaphore_mem>>
      %dma_start3A_96 = arith.constant 0 : i32
      %dma_start3A_97 = tpu.memref_slice %arg21[%add3A_21, %dma_start3A_96] : memref<10240x128xf32, #tpu.memory_space<vmem_shared>> -> memref<64x128xf32, #tpu.memory_space<vmem_shared>>
      %dma_start3A_98 = arith.constant 0 : i32
      %dma_start3A_99 = tpu.memref_slice %arg21[%add3A_21, %dma_start3A_98] : memref<10240x128xf32, #tpu.memory_space<vmem_shared>> -> memref<64x128xf32, #tpu.memory_space<vmem_shared>>
      tpu.enqueue_dma source(%arg13 : memref<64x128xf32, #tpu.memory_space<vmem>>) target(%dma_start3A_99 : memref<64x128xf32, #tpu.memory_space<vmem_shared>>) target_semaphore(%run_scoped3A : memref<!tpu.dma_semaphore, #tpu.memory_space<semaphore_mem>>)
      %dma_wait3A_100 = arith.constant 0 : i32
      %dma_wait3A_101 = tpu.memref_slice %arg21[%add3A_21, %dma_wait3A_100] : memref<10240x128xf32, #tpu.memory_space<vmem_shared>> -> memref<64x128xf32, #tpu.memory_space<vmem_shared>>
      %dma_wait3A_102 = arith.constant 0 : i32
      %dma_wait3A_103 = tpu.memref_slice %arg21[%add3A_21, %dma_wait3A_102] : memref<10240x128xf32, #tpu.memory_space<vmem_shared>> -> memref<64x128xf32, #tpu.memory_space<vmem_shared>>
      tpu.wait_dma2 semaphore(%run_scoped3A : memref<!tpu.dma_semaphore, #tpu.memory_space<semaphore_mem>>) src(%arg13 : memref<64x128xf32, #tpu.memory_space<vmem>>) dst(%dma_wait3A_103 : memref<64x128xf32, #tpu.memory_space<vmem_shared>>)
      tpu.yield
    }) : () -> ()
    %add3A_22 = arith.constant 192 : i32
    %add3A_23 = arith.addi %mul3A_7, %add3A_22 : i32
    "tpu.region"() ({
      %run_scoped3A = tpu.sem_alloc : memref<!tpu.dma_semaphore, #tpu.memory_space<semaphore_mem>>
      %dma_start3A_96 = arith.constant 0 : i32
      %dma_start3A_97 = tpu.memref_slice %arg22[%add3A_23, %dma_start3A_96] : memref<10240x16xf32, #tpu.memory_space<vmem_shared>> -> memref<64x16xf32, #tpu.memory_space<vmem_shared>>
      %dma_start3A_98 = arith.constant 0 : i32
      %dma_start3A_99 = tpu.memref_slice %arg22[%add3A_23, %dma_start3A_98] : memref<10240x16xf32, #tpu.memory_space<vmem_shared>> -> memref<64x16xf32, #tpu.memory_space<vmem_shared>>
      tpu.enqueue_dma source(%arg14 : memref<64x16xf32, #tpu.memory_space<vmem>>) target(%dma_start3A_99 : memref<64x16xf32, #tpu.memory_space<vmem_shared>>) target_semaphore(%run_scoped3A : memref<!tpu.dma_semaphore, #tpu.memory_space<semaphore_mem>>)
      %dma_wait3A_100 = arith.constant 0 : i32
      %dma_wait3A_101 = tpu.memref_slice %arg22[%add3A_23, %dma_wait3A_100] : memref<10240x16xf32, #tpu.memory_space<vmem_shared>> -> memref<64x16xf32, #tpu.memory_space<vmem_shared>>
      %dma_wait3A_102 = arith.constant 0 : i32
      %dma_wait3A_103 = tpu.memref_slice %arg22[%add3A_23, %dma_wait3A_102] : memref<10240x16xf32, #tpu.memory_space<vmem_shared>> -> memref<64x16xf32, #tpu.memory_space<vmem_shared>>
      tpu.wait_dma2 semaphore(%run_scoped3A : memref<!tpu.dma_semaphore, #tpu.memory_space<semaphore_mem>>) src(%arg14 : memref<64x16xf32, #tpu.memory_space<vmem>>) dst(%dma_wait3A_103 : memref<64x16xf32, #tpu.memory_space<vmem_shared>>)
      tpu.yield
    }) : () -> ()
    %add3A_24 = arith.constant 256 : i32
    %add3A_25 = arith.addi %mul3A_7, %add3A_24 : i32
    "tpu.region"() ({
      %run_scoped3A = tpu.sem_alloc : memref<!tpu.dma_semaphore, #tpu.memory_space<semaphore_mem>>
      %dma_start3A_96 = arith.constant 0 : i32
      %dma_start3A_97 = tpu.memref_slice %arg21[%add3A_25, %dma_start3A_96] : memref<10240x128xf32, #tpu.memory_space<vmem_shared>> -> memref<64x128xf32, #tpu.memory_space<vmem_shared>>
      %dma_start3A_98 = arith.constant 0 : i32
      %dma_start3A_99 = tpu.memref_slice %arg21[%add3A_25, %dma_start3A_98] : memref<10240x128xf32, #tpu.memory_space<vmem_shared>> -> memref<64x128xf32, #tpu.memory_space<vmem_shared>>
      tpu.enqueue_dma source(%arg13 : memref<64x128xf32, #tpu.memory_space<vmem>>) target(%dma_start3A_99 : memref<64x128xf32, #tpu.memory_space<vmem_shared>>) target_semaphore(%run_scoped3A : memref<!tpu.dma_semaphore, #tpu.memory_space<semaphore_mem>>)
      %dma_wait3A_100 = arith.constant 0 : i32
      %dma_wait3A_101 = tpu.memref_slice %arg21[%add3A_25, %dma_wait3A_100] : memref<10240x128xf32, #tpu.memory_space<vmem_shared>> -> memref<64x128xf32, #tpu.memory_space<vmem_shared>>
      %dma_wait3A_102 = arith.constant 0 : i32
      %dma_wait3A_103 = tpu.memref_slice %arg21[%add3A_25, %dma_wait3A_102] : memref<10240x128xf32, #tpu.memory_space<vmem_shared>> -> memref<64x128xf32, #tpu.memory_space<vmem_shared>>
      tpu.wait_dma2 semaphore(%run_scoped3A : memref<!tpu.dma_semaphore, #tpu.memory_space<semaphore_mem>>) src(%arg13 : memref<64x128xf32, #tpu.memory_space<vmem>>) dst(%dma_wait3A_103 : memref<64x128xf32, #tpu.memory_space<vmem_shared>>)
      tpu.yield
    }) : () -> ()
    %add3A_26 = arith.constant 256 : i32
    %add3A_27 = arith.addi %mul3A_7, %add3A_26 : i32
    "tpu.region"() ({
      %run_scoped3A = tpu.sem_alloc : memref<!tpu.dma_semaphore, #tpu.memory_space<semaphore_mem>>
      %dma_start3A_96 = arith.constant 0 : i32
      %dma_start3A_97 = tpu.memref_slice %arg22[%add3A_27, %dma_start3A_96] : memref<10240x16xf32, #tpu.memory_space<vmem_shared>> -> memref<64x16xf32, #tpu.memory_space<vmem_shared>>
      %dma_start3A_98 = arith.constant 0 : i32
      %dma_start3A_99 = tpu.memref_slice %arg22[%add3A_27, %dma_start3A_98] : memref<10240x16xf32, #tpu.memory_space<vmem_shared>> -> memref<64x16xf32, #tpu.memory_space<vmem_shared>>
      tpu.enqueue_dma source(%arg14 : memref<64x16xf32, #tpu.memory_space<vmem>>) target(%dma_start3A_99 : memref<64x16xf32, #tpu.memory_space<vmem_shared>>) target_semaphore(%run_scoped3A : memref<!tpu.dma_semaphore, #tpu.memory_space<semaphore_mem>>)
      %dma_wait3A_100 = arith.constant 0 : i32
      %dma_wait3A_101 = tpu.memref_slice %arg22[%add3A_27, %dma_wait3A_100] : memref<10240x16xf32, #tpu.memory_space<vmem_shared>> -> memref<64x16xf32, #tpu.memory_space<vmem_shared>>
      %dma_wait3A_102 = arith.constant 0 : i32
      %dma_wait3A_103 = tpu.memref_slice %arg22[%add3A_27, %dma_wait3A_102] : memref<10240x16xf32, #tpu.memory_space<vmem_shared>> -> memref<64x16xf32, #tpu.memory_space<vmem_shared>>
      tpu.wait_dma2 semaphore(%run_scoped3A : memref<!tpu.dma_semaphore, #tpu.memory_space<semaphore_mem>>) src(%arg14 : memref<64x16xf32, #tpu.memory_space<vmem>>) dst(%dma_wait3A_103 : memref<64x16xf32, #tpu.memory_space<vmem_shared>>)
      tpu.yield
    }) : () -> ()
    %add3A_28 = arith.constant 320 : i32
    %add3A_29 = arith.addi %mul3A_7, %add3A_28 : i32
    "tpu.region"() ({
      %run_scoped3A = tpu.sem_alloc : memref<!tpu.dma_semaphore, #tpu.memory_space<semaphore_mem>>
      %dma_start3A_96 = arith.constant 0 : i32
      %dma_start3A_97 = tpu.memref_slice %arg21[%add3A_29, %dma_start3A_96] : memref<10240x128xf32, #tpu.memory_space<vmem_shared>> -> memref<64x128xf32, #tpu.memory_space<vmem_shared>>
      %dma_start3A_98 = arith.constant 0 : i32
      %dma_start3A_99 = tpu.memref_slice %arg21[%add3A_29, %dma_start3A_98] : memref<10240x128xf32, #tpu.memory_space<vmem_shared>> -> memref<64x128xf32, #tpu.memory_space<vmem_shared>>
      tpu.enqueue_dma source(%arg13 : memref<64x128xf32, #tpu.memory_space<vmem>>) target(%dma_start3A_99 : memref<64x128xf32, #tpu.memory_space<vmem_shared>>) target_semaphore(%run_scoped3A : memref<!tpu.dma_semaphore, #tpu.memory_space<semaphore_mem>>)
      %dma_wait3A_100 = arith.constant 0 : i32
      %dma_wait3A_101 = tpu.memref_slice %arg21[%add3A_29, %dma_wait3A_100] : memref<10240x128xf32, #tpu.memory_space<vmem_shared>> -> memref<64x128xf32, #tpu.memory_space<vmem_shared>>
      %dma_wait3A_102 = arith.constant 0 : i32
      %dma_wait3A_103 = tpu.memref_slice %arg21[%add3A_29, %dma_wait3A_102] : memref<10240x128xf32, #tpu.memory_space<vmem_shared>> -> memref<64x128xf32, #tpu.memory_space<vmem_shared>>
      tpu.wait_dma2 semaphore(%run_scoped3A : memref<!tpu.dma_semaphore, #tpu.memory_space<semaphore_mem>>) src(%arg13 : memref<64x128xf32, #tpu.memory_space<vmem>>) dst(%dma_wait3A_103 : memref<64x128xf32, #tpu.memory_space<vmem_shared>>)
      tpu.yield
    }) : () -> ()
    %add3A_30 = arith.constant 320 : i32
    %add3A_31 = arith.addi %mul3A_7, %add3A_30 : i32
    "tpu.region"() ({
      %run_scoped3A = tpu.sem_alloc : memref<!tpu.dma_semaphore, #tpu.memory_space<semaphore_mem>>
      %dma_start3A_96 = arith.constant 0 : i32
      %dma_start3A_97 = tpu.memref_slice %arg22[%add3A_31, %dma_start3A_96] : memref<10240x16xf32, #tpu.memory_space<vmem_shared>> -> memref<64x16xf32, #tpu.memory_space<vmem_shared>>
      %dma_start3A_98 = arith.constant 0 : i32
      %dma_start3A_99 = tpu.memref_slice %arg22[%add3A_31, %dma_start3A_98] : memref<10240x16xf32, #tpu.memory_space<vmem_shared>> -> memref<64x16xf32, #tpu.memory_space<vmem_shared>>
      tpu.enqueue_dma source(%arg14 : memref<64x16xf32, #tpu.memory_space<vmem>>) target(%dma_start3A_99 : memref<64x16xf32, #tpu.memory_space<vmem_shared>>) target_semaphore(%run_scoped3A : memref<!tpu.dma_semaphore, #tpu.memory_space<semaphore_mem>>)
      %dma_wait3A_100 = arith.constant 0 : i32
      %dma_wait3A_101 = tpu.memref_slice %arg22[%add3A_31, %dma_wait3A_100] : memref<10240x16xf32, #tpu.memory_space<vmem_shared>> -> memref<64x16xf32, #tpu.memory_space<vmem_shared>>
      %dma_wait3A_102 = arith.constant 0 : i32
      %dma_wait3A_103 = tpu.memref_slice %arg22[%add3A_31, %dma_wait3A_102] : memref<10240x16xf32, #tpu.memory_space<vmem_shared>> -> memref<64x16xf32, #tpu.memory_space<vmem_shared>>
      tpu.wait_dma2 semaphore(%run_scoped3A : memref<!tpu.dma_semaphore, #tpu.memory_space<semaphore_mem>>) src(%arg14 : memref<64x16xf32, #tpu.memory_space<vmem>>) dst(%dma_wait3A_103 : memref<64x16xf32, #tpu.memory_space<vmem_shared>>)
      tpu.yield
    }) : () -> ()
    %add3A_32 = arith.constant 384 : i32
    %add3A_33 = arith.addi %mul3A_7, %add3A_32 : i32
    "tpu.region"() ({
      %run_scoped3A = tpu.sem_alloc : memref<!tpu.dma_semaphore, #tpu.memory_space<semaphore_mem>>
      %dma_start3A_96 = arith.constant 0 : i32
      %dma_start3A_97 = tpu.memref_slice %arg21[%add3A_33, %dma_start3A_96] : memref<10240x128xf32, #tpu.memory_space<vmem_shared>> -> memref<64x128xf32, #tpu.memory_space<vmem_shared>>
      %dma_start3A_98 = arith.constant 0 : i32
      %dma_start3A_99 = tpu.memref_slice %arg21[%add3A_33, %dma_start3A_98] : memref<10240x128xf32, #tpu.memory_space<vmem_shared>> -> memref<64x128xf32, #tpu.memory_space<vmem_shared>>
      tpu.enqueue_dma source(%arg13 : memref<64x128xf32, #tpu.memory_space<vmem>>) target(%dma_start3A_99 : memref<64x128xf32, #tpu.memory_space<vmem_shared>>) target_semaphore(%run_scoped3A : memref<!tpu.dma_semaphore, #tpu.memory_space<semaphore_mem>>)
      %dma_wait3A_100 = arith.constant 0 : i32
      %dma_wait3A_101 = tpu.memref_slice %arg21[%add3A_33, %dma_wait3A_100] : memref<10240x128xf32, #tpu.memory_space<vmem_shared>> -> memref<64x128xf32, #tpu.memory_space<vmem_shared>>
      %dma_wait3A_102 = arith.constant 0 : i32
      %dma_wait3A_103 = tpu.memref_slice %arg21[%add3A_33, %dma_wait3A_102] : memref<10240x128xf32, #tpu.memory_space<vmem_shared>> -> memref<64x128xf32, #tpu.memory_space<vmem_shared>>
      tpu.wait_dma2 semaphore(%run_scoped3A : memref<!tpu.dma_semaphore, #tpu.memory_space<semaphore_mem>>) src(%arg13 : memref<64x128xf32, #tpu.memory_space<vmem>>) dst(%dma_wait3A_103 : memref<64x128xf32, #tpu.memory_space<vmem_shared>>)
      tpu.yield
    }) : () -> ()
    %add3A_34 = arith.constant 384 : i32
    %add3A_35 = arith.addi %mul3A_7, %add3A_34 : i32
    "tpu.region"() ({
      %run_scoped3A = tpu.sem_alloc : memref<!tpu.dma_semaphore, #tpu.memory_space<semaphore_mem>>
      %dma_start3A_96 = arith.constant 0 : i32
      %dma_start3A_97 = tpu.memref_slice %arg22[%add3A_35, %dma_start3A_96] : memref<10240x16xf32, #tpu.memory_space<vmem_shared>> -> memref<64x16xf32, #tpu.memory_space<vmem_shared>>
      %dma_start3A_98 = arith.constant 0 : i32
      %dma_start3A_99 = tpu.memref_slice %arg22[%add3A_35, %dma_start3A_98] : memref<10240x16xf32, #tpu.memory_space<vmem_shared>> -> memref<64x16xf32, #tpu.memory_space<vmem_shared>>
      tpu.enqueue_dma source(%arg14 : memref<64x16xf32, #tpu.memory_space<vmem>>) target(%dma_start3A_99 : memref<64x16xf32, #tpu.memory_space<vmem_shared>>) target_semaphore(%run_scoped3A : memref<!tpu.dma_semaphore, #tpu.memory_space<semaphore_mem>>)
      %dma_wait3A_100 = arith.constant 0 : i32
      %dma_wait3A_101 = tpu.memref_slice %arg22[%add3A_35, %dma_wait3A_100] : memref<10240x16xf32, #tpu.memory_space<vmem_shared>> -> memref<64x16xf32, #tpu.memory_space<vmem_shared>>
      %dma_wait3A_102 = arith.constant 0 : i32
      %dma_wait3A_103 = tpu.memref_slice %arg22[%add3A_35, %dma_wait3A_102] : memref<10240x16xf32, #tpu.memory_space<vmem_shared>> -> memref<64x16xf32, #tpu.memory_space<vmem_shared>>
      tpu.wait_dma2 semaphore(%run_scoped3A : memref<!tpu.dma_semaphore, #tpu.memory_space<semaphore_mem>>) src(%arg14 : memref<64x16xf32, #tpu.memory_space<vmem>>) dst(%dma_wait3A_103 : memref<64x16xf32, #tpu.memory_space<vmem_shared>>)
      tpu.yield
    }) : () -> ()
    %add3A_36 = arith.constant 448 : i32
    %add3A_37 = arith.addi %mul3A_7, %add3A_36 : i32
    "tpu.region"() ({
      %run_scoped3A = tpu.sem_alloc : memref<!tpu.dma_semaphore, #tpu.memory_space<semaphore_mem>>
      %dma_start3A_96 = arith.constant 0 : i32
      %dma_start3A_97 = tpu.memref_slice %arg21[%add3A_37, %dma_start3A_96] : memref<10240x128xf32, #tpu.memory_space<vmem_shared>> -> memref<64x128xf32, #tpu.memory_space<vmem_shared>>
      %dma_start3A_98 = arith.constant 0 : i32
      %dma_start3A_99 = tpu.memref_slice %arg21[%add3A_37, %dma_start3A_98] : memref<10240x128xf32, #tpu.memory_space<vmem_shared>> -> memref<64x128xf32, #tpu.memory_space<vmem_shared>>
      tpu.enqueue_dma source(%arg13 : memref<64x128xf32, #tpu.memory_space<vmem>>) target(%dma_start3A_99 : memref<64x128xf32, #tpu.memory_space<vmem_shared>>) target_semaphore(%run_scoped3A : memref<!tpu.dma_semaphore, #tpu.memory_space<semaphore_mem>>)
      %dma_wait3A_100 = arith.constant 0 : i32
      %dma_wait3A_101 = tpu.memref_slice %arg21[%add3A_37, %dma_wait3A_100] : memref<10240x128xf32, #tpu.memory_space<vmem_shared>> -> memref<64x128xf32, #tpu.memory_space<vmem_shared>>
      %dma_wait3A_102 = arith.constant 0 : i32
      %dma_wait3A_103 = tpu.memref_slice %arg21[%add3A_37, %dma_wait3A_102] : memref<10240x128xf32, #tpu.memory_space<vmem_shared>> -> memref<64x128xf32, #tpu.memory_space<vmem_shared>>
      tpu.wait_dma2 semaphore(%run_scoped3A : memref<!tpu.dma_semaphore, #tpu.memory_space<semaphore_mem>>) src(%arg13 : memref<64x128xf32, #tpu.memory_space<vmem>>) dst(%dma_wait3A_103 : memref<64x128xf32, #tpu.memory_space<vmem_shared>>)
      tpu.yield
    }) : () -> ()
    %add3A_38 = arith.constant 448 : i32
    %add3A_39 = arith.addi %mul3A_7, %add3A_38 : i32
    "tpu.region"() ({
      %run_scoped3A = tpu.sem_alloc : memref<!tpu.dma_semaphore, #tpu.memory_space<semaphore_mem>>
      %dma_start3A_96 = arith.constant 0 : i32
      %dma_start3A_97 = tpu.memref_slice %arg22[%add3A_39, %dma_start3A_96] : memref<10240x16xf32, #tpu.memory_space<vmem_shared>> -> memref<64x16xf32, #tpu.memory_space<vmem_shared>>
      %dma_start3A_98 = arith.constant 0 : i32
      %dma_start3A_99 = tpu.memref_slice %arg22[%add3A_39, %dma_start3A_98] : memref<10240x16xf32, #tpu.memory_space<vmem_shared>> -> memref<64x16xf32, #tpu.memory_space<vmem_shared>>
      tpu.enqueue_dma source(%arg14 : memref<64x16xf32, #tpu.memory_space<vmem>>) target(%dma_start3A_99 : memref<64x16xf32, #tpu.memory_space<vmem_shared>>) target_semaphore(%run_scoped3A : memref<!tpu.dma_semaphore, #tpu.memory_space<semaphore_mem>>)
      %dma_wait3A_100 = arith.constant 0 : i32
      %dma_wait3A_101 = tpu.memref_slice %arg22[%add3A_39, %dma_wait3A_100] : memref<10240x16xf32, #tpu.memory_space<vmem_shared>> -> memref<64x16xf32, #tpu.memory_space<vmem_shared>>
      %dma_wait3A_102 = arith.constant 0 : i32
      %dma_wait3A_103 = tpu.memref_slice %arg22[%add3A_39, %dma_wait3A_102] : memref<10240x16xf32, #tpu.memory_space<vmem_shared>> -> memref<64x16xf32, #tpu.memory_space<vmem_shared>>
      tpu.wait_dma2 semaphore(%run_scoped3A : memref<!tpu.dma_semaphore, #tpu.memory_space<semaphore_mem>>) src(%arg14 : memref<64x16xf32, #tpu.memory_space<vmem>>) dst(%dma_wait3A_103 : memref<64x16xf32, #tpu.memory_space<vmem_shared>>)
      tpu.yield
    }) : () -> ()
    %add3A_40 = arith.constant 512 : i32
    %add3A_41 = arith.addi %mul3A_7, %add3A_40 : i32
    "tpu.region"() ({
      %run_scoped3A = tpu.sem_alloc : memref<!tpu.dma_semaphore, #tpu.memory_space<semaphore_mem>>
      %dma_start3A_96 = arith.constant 0 : i32
      %dma_start3A_97 = tpu.memref_slice %arg21[%add3A_41, %dma_start3A_96] : memref<10240x128xf32, #tpu.memory_space<vmem_shared>> -> memref<64x128xf32, #tpu.memory_space<vmem_shared>>
      %dma_start3A_98 = arith.constant 0 : i32
      %dma_start3A_99 = tpu.memref_slice %arg21[%add3A_41, %dma_start3A_98] : memref<10240x128xf32, #tpu.memory_space<vmem_shared>> -> memref<64x128xf32, #tpu.memory_space<vmem_shared>>
      tpu.enqueue_dma source(%arg13 : memref<64x128xf32, #tpu.memory_space<vmem>>) target(%dma_start3A_99 : memref<64x128xf32, #tpu.memory_space<vmem_shared>>) target_semaphore(%run_scoped3A : memref<!tpu.dma_semaphore, #tpu.memory_space<semaphore_mem>>)
      %dma_wait3A_100 = arith.constant 0 : i32
      %dma_wait3A_101 = tpu.memref_slice %arg21[%add3A_41, %dma_wait3A_100] : memref<10240x128xf32, #tpu.memory_space<vmem_shared>> -> memref<64x128xf32, #tpu.memory_space<vmem_shared>>
      %dma_wait3A_102 = arith.constant 0 : i32
      %dma_wait3A_103 = tpu.memref_slice %arg21[%add3A_41, %dma_wait3A_102] : memref<10240x128xf32, #tpu.memory_space<vmem_shared>> -> memref<64x128xf32, #tpu.memory_space<vmem_shared>>
      tpu.wait_dma2 semaphore(%run_scoped3A : memref<!tpu.dma_semaphore, #tpu.memory_space<semaphore_mem>>) src(%arg13 : memref<64x128xf32, #tpu.memory_space<vmem>>) dst(%dma_wait3A_103 : memref<64x128xf32, #tpu.memory_space<vmem_shared>>)
      tpu.yield
    }) : () -> ()
    %add3A_42 = arith.constant 512 : i32
    %add3A_43 = arith.addi %mul3A_7, %add3A_42 : i32
    "tpu.region"() ({
      %run_scoped3A = tpu.sem_alloc : memref<!tpu.dma_semaphore, #tpu.memory_space<semaphore_mem>>
      %dma_start3A_96 = arith.constant 0 : i32
      %dma_start3A_97 = tpu.memref_slice %arg22[%add3A_43, %dma_start3A_96] : memref<10240x16xf32, #tpu.memory_space<vmem_shared>> -> memref<64x16xf32, #tpu.memory_space<vmem_shared>>
      %dma_start3A_98 = arith.constant 0 : i32
      %dma_start3A_99 = tpu.memref_slice %arg22[%add3A_43, %dma_start3A_98] : memref<10240x16xf32, #tpu.memory_space<vmem_shared>> -> memref<64x16xf32, #tpu.memory_space<vmem_shared>>
      tpu.enqueue_dma source(%arg14 : memref<64x16xf32, #tpu.memory_space<vmem>>) target(%dma_start3A_99 : memref<64x16xf32, #tpu.memory_space<vmem_shared>>) target_semaphore(%run_scoped3A : memref<!tpu.dma_semaphore, #tpu.memory_space<semaphore_mem>>)
      %dma_wait3A_100 = arith.constant 0 : i32
      %dma_wait3A_101 = tpu.memref_slice %arg22[%add3A_43, %dma_wait3A_100] : memref<10240x16xf32, #tpu.memory_space<vmem_shared>> -> memref<64x16xf32, #tpu.memory_space<vmem_shared>>
      %dma_wait3A_102 = arith.constant 0 : i32
      %dma_wait3A_103 = tpu.memref_slice %arg22[%add3A_43, %dma_wait3A_102] : memref<10240x16xf32, #tpu.memory_space<vmem_shared>> -> memref<64x16xf32, #tpu.memory_space<vmem_shared>>
      tpu.wait_dma2 semaphore(%run_scoped3A : memref<!tpu.dma_semaphore, #tpu.memory_space<semaphore_mem>>) src(%arg14 : memref<64x16xf32, #tpu.memory_space<vmem>>) dst(%dma_wait3A_103 : memref<64x16xf32, #tpu.memory_space<vmem_shared>>)
      tpu.yield
    }) : () -> ()
    %add3A_44 = arith.constant 576 : i32
    %add3A_45 = arith.addi %mul3A_7, %add3A_44 : i32
    "tpu.region"() ({
      %run_scoped3A = tpu.sem_alloc : memref<!tpu.dma_semaphore, #tpu.memory_space<semaphore_mem>>
      %dma_start3A_96 = arith.constant 0 : i32
      %dma_start3A_97 = tpu.memref_slice %arg21[%add3A_45, %dma_start3A_96] : memref<10240x128xf32, #tpu.memory_space<vmem_shared>> -> memref<64x128xf32, #tpu.memory_space<vmem_shared>>
      %dma_start3A_98 = arith.constant 0 : i32
      %dma_start3A_99 = tpu.memref_slice %arg21[%add3A_45, %dma_start3A_98] : memref<10240x128xf32, #tpu.memory_space<vmem_shared>> -> memref<64x128xf32, #tpu.memory_space<vmem_shared>>
      tpu.enqueue_dma source(%arg13 : memref<64x128xf32, #tpu.memory_space<vmem>>) target(%dma_start3A_99 : memref<64x128xf32, #tpu.memory_space<vmem_shared>>) target_semaphore(%run_scoped3A : memref<!tpu.dma_semaphore, #tpu.memory_space<semaphore_mem>>)
      %dma_wait3A_100 = arith.constant 0 : i32
      %dma_wait3A_101 = tpu.memref_slice %arg21[%add3A_45, %dma_wait3A_100] : memref<10240x128xf32, #tpu.memory_space<vmem_shared>> -> memref<64x128xf32, #tpu.memory_space<vmem_shared>>
      %dma_wait3A_102 = arith.constant 0 : i32
      %dma_wait3A_103 = tpu.memref_slice %arg21[%add3A_45, %dma_wait3A_102] : memref<10240x128xf32, #tpu.memory_space<vmem_shared>> -> memref<64x128xf32, #tpu.memory_space<vmem_shared>>
      tpu.wait_dma2 semaphore(%run_scoped3A : memref<!tpu.dma_semaphore, #tpu.memory_space<semaphore_mem>>) src(%arg13 : memref<64x128xf32, #tpu.memory_space<vmem>>) dst(%dma_wait3A_103 : memref<64x128xf32, #tpu.memory_space<vmem_shared>>)
      tpu.yield
    }) : () -> ()
    %add3A_46 = arith.constant 576 : i32
    %add3A_47 = arith.addi %mul3A_7, %add3A_46 : i32
    "tpu.region"() ({
      %run_scoped3A = tpu.sem_alloc : memref<!tpu.dma_semaphore, #tpu.memory_space<semaphore_mem>>
      %dma_start3A_96 = arith.constant 0 : i32
      %dma_start3A_97 = tpu.memref_slice %arg22[%add3A_47, %dma_start3A_96] : memref<10240x16xf32, #tpu.memory_space<vmem_shared>> -> memref<64x16xf32, #tpu.memory_space<vmem_shared>>
      %dma_start3A_98 = arith.constant 0 : i32
      %dma_start3A_99 = tpu.memref_slice %arg22[%add3A_47, %dma_start3A_98] : memref<10240x16xf32, #tpu.memory_space<vmem_shared>> -> memref<64x16xf32, #tpu.memory_space<vmem_shared>>
      tpu.enqueue_dma source(%arg14 : memref<64x16xf32, #tpu.memory_space<vmem>>) target(%dma_start3A_99 : memref<64x16xf32, #tpu.memory_space<vmem_shared>>) target_semaphore(%run_scoped3A : memref<!tpu.dma_semaphore, #tpu.memory_space<semaphore_mem>>)
      %dma_wait3A_100 = arith.constant 0 : i32
      %dma_wait3A_101 = tpu.memref_slice %arg22[%add3A_47, %dma_wait3A_100] : memref<10240x16xf32, #tpu.memory_space<vmem_shared>> -> memref<64x16xf32, #tpu.memory_space<vmem_shared>>
      %dma_wait3A_102 = arith.constant 0 : i32
      %dma_wait3A_103 = tpu.memref_slice %arg22[%add3A_47, %dma_wait3A_102] : memref<10240x16xf32, #tpu.memory_space<vmem_shared>> -> memref<64x16xf32, #tpu.memory_space<vmem_shared>>
      tpu.wait_dma2 semaphore(%run_scoped3A : memref<!tpu.dma_semaphore, #tpu.memory_space<semaphore_mem>>) src(%arg14 : memref<64x16xf32, #tpu.memory_space<vmem>>) dst(%dma_wait3A_103 : memref<64x16xf32, #tpu.memory_space<vmem_shared>>)
      tpu.yield
    }) : () -> ()
    %barrier3A = arith.constant 0 : index
    tpu.barrier barrier_id(%barrier3A)
    %mul3A_48 = arith.constant 158 : i32
    %mul3A_49 = arith.muli %add3A, %mul3A_48 : i32
    %add3A_50 = arith.constant 0 : i32
    %add3A_51 = arith.addi %mul3A_49, %add3A_50 : i32
    %mul3A_52 = arith.constant 64 : i32
    %mul3A_53 = arith.muli %add3A_51, %mul3A_52 : i32
    "tpu.region"() ({
      %run_scoped3A = tpu.sem_alloc : memref<!tpu.dma_semaphore, #tpu.memory_space<semaphore_mem>>
      %dma_start3A_96 = tpu.memref_slice %arg2[%mul3A_53] : memref<323648xi32, #tpu.memory_space<hbm>> -> memref<64xi32, #tpu.memory_space<hbm>>
      %dma_start3A_97 = tpu.memref_slice %arg2[%mul3A_53] : memref<323648xi32, #tpu.memory_space<hbm>> -> memref<64xi32, #tpu.memory_space<hbm>>
      tpu.enqueue_dma source(%dma_start3A_97 : memref<64xi32, #tpu.memory_space<hbm>>) target(%arg9 : memref<64xi32, #tpu.memory_space<vmem>>) target_semaphore(%run_scoped3A : memref<!tpu.dma_semaphore, #tpu.memory_space<semaphore_mem>>)
      %dma_wait3A_98 = tpu.memref_slice %arg2[%mul3A_53] : memref<323648xi32, #tpu.memory_space<hbm>> -> memref<64xi32, #tpu.memory_space<hbm>>
      %dma_wait3A_99 = tpu.memref_slice %arg2[%mul3A_53] : memref<323648xi32, #tpu.memory_space<hbm>> -> memref<64xi32, #tpu.memory_space<hbm>>
      tpu.wait_dma2 semaphore(%run_scoped3A : memref<!tpu.dma_semaphore, #tpu.memory_space<semaphore_mem>>) src(%dma_wait3A_99 : memref<64xi32, #tpu.memory_space<hbm>>) dst(%arg9 : memref<64xi32, #tpu.memory_space<vmem>>)
      tpu.yield
    }) : () -> ()
    "tpu.region"() ({
      %run_scoped3A = tpu.sem_alloc : memref<!tpu.dma_semaphore, #tpu.memory_space<semaphore_mem>>
      %dma_start3A_96 = tpu.memref_slice %arg3[%mul3A_53] : memref<323648xi32, #tpu.memory_space<hbm>> -> memref<64xi32, #tpu.memory_space<hbm>>
      %dma_start3A_97 = tpu.memref_slice %arg3[%mul3A_53] : memref<323648xi32, #tpu.memory_space<hbm>> -> memref<64xi32, #tpu.memory_space<hbm>>
      tpu.enqueue_dma source(%dma_start3A_97 : memref<64xi32, #tpu.memory_space<hbm>>) target(%arg10 : memref<64xi32, #tpu.memory_space<vmem>>) target_semaphore(%run_scoped3A : memref<!tpu.dma_semaphore, #tpu.memory_space<semaphore_mem>>)
      %dma_wait3A_98 = tpu.memref_slice %arg3[%mul3A_53] : memref<323648xi32, #tpu.memory_space<hbm>> -> memref<64xi32, #tpu.memory_space<hbm>>
      %dma_wait3A_99 = tpu.memref_slice %arg3[%mul3A_53] : memref<323648xi32, #tpu.memory_space<hbm>> -> memref<64xi32, #tpu.memory_space<hbm>>
      tpu.wait_dma2 semaphore(%run_scoped3A : memref<!tpu.dma_semaphore, #tpu.memory_space<semaphore_mem>>) src(%dma_wait3A_99 : memref<64xi32, #tpu.memory_space<hbm>>) dst(%arg10 : memref<64xi32, #tpu.memory_space<vmem>>)
      tpu.yield
    }) : () -> ()
    %dma_start3A = arith.constant 0 : i32
    %dma_start3A_54 = arith.constant 0 : i32
    %dma_start3A_55 = tpu.memref_slice %arg4[%dma_start3A, %dma_start3A_54] : memref<10240x128xf32, #tpu.memory_space<hbm>> -> memref<10240x128xf32, #tpu.memory_space<hbm>>
    tpu.enqueue_indirect_dma source(%dma_start3A_55 : memref<10240x128xf32, #tpu.memory_space<hbm>>) target(%arg13 : memref<64x128xf32, #tpu.memory_space<vmem>>) offsets(%arg9 : memref<64xi32, #tpu.memory_space<vmem>>) semaphore(%arg23 : memref<!tpu.dma_semaphore, #tpu.memory_space<semaphore_mem>>)
    %dma_start3A_56 = arith.constant 0 : i32
    %dma_start3A_57 = arith.constant 0 : i32
    %dma_start3A_58 = tpu.memref_slice %arg5[%dma_start3A_56, %dma_start3A_57] : memref<10240x16xf32, #tpu.memory_space<hbm>> -> memref<10240x16xf32, #tpu.memory_space<hbm>>
    tpu.enqueue_indirect_dma source(%dma_start3A_58 : memref<10240x16xf32, #tpu.memory_space<hbm>>) target(%arg11 : memref<64x16xf32, #tpu.memory_space<vmem>>) offsets(%arg9 : memref<64xi32, #tpu.memory_space<vmem>>) semaphore(%arg23 : memref<!tpu.dma_semaphore, #tpu.memory_space<semaphore_mem>>)
    %dma_start3A_59 = arith.constant 0 : i32
    %dma_start3A_60 = arith.constant 0 : i32
    %dma_start3A_61 = tpu.memref_slice %arg6[%dma_start3A_59, %dma_start3A_60] : memref<10240x16xf32, #tpu.memory_space<hbm>> -> memref<10240x16xf32, #tpu.memory_space<hbm>>
    tpu.enqueue_indirect_dma source(%dma_start3A_61 : memref<10240x16xf32, #tpu.memory_space<hbm>>) target(%arg12 : memref<64x16xf32, #tpu.memory_space<vmem>>) offsets(%arg10 : memref<64xi32, #tpu.memory_space<vmem>>) semaphore(%arg23 : memref<!tpu.dma_semaphore, #tpu.memory_space<semaphore_mem>>)
    %scan3A_62 = arith.constant 0 : i32
    %scan3A_63 = arith.constant 79 : i32
    %scan3A_64 = arith.addi %scan3A_62, %scan3A_63 : i32
    %scan3A_65 = arith.constant 1 : i32
    scf.for %scan3A_96 = %scan3A_62 to %scan3A_64 step %scan3A_65  : i32 {
      %mul3A_97 = arith.constant 1 : i32
      %mul3A_98 = arith.muli %scan3A_96, %mul3A_97 : i32
      %add3A_99 = arith.constant 0 : i32
      %add3A_100 = arith.addi %add3A_99, %mul3A_98 : i32
      %mul3A_101 = arith.constant 2 : i32
      %mul3A_102 = arith.muli %add3A_100, %mul3A_101 : i32
      %add3A_103 = arith.constant 1 : i32
      %add3A_104 = arith.addi %mul3A_102, %add3A_103 : i32
      %mul3A_105 = arith.constant 158 : i32
      %mul3A_106 = arith.muli %add3A, %mul3A_105 : i32
      %add3A_107 = arith.addi %mul3A_106, %add3A_104 : i32
      %mul3A_108 = arith.constant 64 : i32
      %mul3A_109 = arith.muli %add3A_107, %mul3A_108 : i32
      "tpu.region"() ({
        %run_scoped3A = tpu.sem_alloc : memref<!tpu.dma_semaphore, #tpu.memory_space<semaphore_mem>>
        %dma_start3A_158 = tpu.memref_slice %arg2[%mul3A_109] : memref<323648xi32, #tpu.memory_space<hbm>> -> memref<64xi32, #tpu.memory_space<hbm>>
        %dma_start3A_159 = tpu.memref_slice %arg2[%mul3A_109] : memref<323648xi32, #tpu.memory_space<hbm>> -> memref<64xi32, #tpu.memory_space<hbm>>
        tpu.enqueue_dma source(%dma_start3A_159 : memref<64xi32, #tpu.memory_space<hbm>>) target(%arg15 : memref<64xi32, #tpu.memory_space<vmem>>) target_semaphore(%run_scoped3A : memref<!tpu.dma_semaphore, #tpu.memory_space<semaphore_mem>>)
        %dma_wait3A_160 = tpu.memref_slice %arg2[%mul3A_109] : memref<323648xi32, #tpu.memory_space<hbm>> -> memref<64xi32, #tpu.memory_space<hbm>>
        %dma_wait3A_161 = tpu.memref_slice %arg2[%mul3A_109] : memref<323648xi32, #tpu.memory_space<hbm>> -> memref<64xi32, #tpu.memory_space<hbm>>
        tpu.wait_dma2 semaphore(%run_scoped3A : memref<!tpu.dma_semaphore, #tpu.memory_space<semaphore_mem>>) src(%dma_wait3A_161 : memref<64xi32, #tpu.memory_space<hbm>>) dst(%arg15 : memref<64xi32, #tpu.memory_space<vmem>>)
        tpu.yield
      }) : () -> ()
      "tpu.region"() ({
        %run_scoped3A = tpu.sem_alloc : memref<!tpu.dma_semaphore, #tpu.memory_space<semaphore_mem>>
        %dma_start3A_158 = tpu.memref_slice %arg3[%mul3A_109] : memref<323648xi32, #tpu.memory_space<hbm>> -> memref<64xi32, #tpu.memory_space<hbm>>
        %dma_start3A_159 = tpu.memref_slice %arg3[%mul3A_109] : memref<323648xi32, #tpu.memory_space<hbm>> -> memref<64xi32, #tpu.memory_space<hbm>>
        tpu.enqueue_dma source(%dma_start3A_159 : memref<64xi32, #tpu.memory_space<hbm>>) target(%arg16 : memref<64xi32, #tpu.memory_space<vmem>>) target_semaphore(%run_scoped3A : memref<!tpu.dma_semaphore, #tpu.memory_space<semaphore_mem>>)
        %dma_wait3A_160 = tpu.memref_slice %arg3[%mul3A_109] : memref<323648xi32, #tpu.memory_space<hbm>> -> memref<64xi32, #tpu.memory_space<hbm>>
        %dma_wait3A_161 = tpu.memref_slice %arg3[%mul3A_109] : memref<323648xi32, #tpu.memory_space<hbm>> -> memref<64xi32, #tpu.memory_space<hbm>>
        tpu.wait_dma2 semaphore(%run_scoped3A : memref<!tpu.dma_semaphore, #tpu.memory_space<semaphore_mem>>) src(%dma_wait3A_161 : memref<64xi32, #tpu.memory_space<hbm>>) dst(%arg16 : memref<64xi32, #tpu.memory_space<vmem>>)
        tpu.yield
      }) : () -> ()
      %dma_start3A_110 = arith.constant 0 : i32
      %dma_start3A_111 = arith.constant 0 : i32
      %dma_start3A_112 = tpu.memref_slice %arg4[%dma_start3A_110, %dma_start3A_111] : memref<10240x128xf32, #tpu.memory_space<hbm>> -> memref<10240x128xf32, #tpu.memory_space<hbm>>
      tpu.enqueue_indirect_dma source(%dma_start3A_112 : memref<10240x128xf32, #tpu.memory_space<hbm>>) target(%arg19 : memref<64x128xf32, #tpu.memory_space<vmem>>) offsets(%arg15 : memref<64xi32, #tpu.memory_space<vmem>>) semaphore(%arg24 : memref<!tpu.dma_semaphore, #tpu.memory_space<semaphore_mem>>)
      %dma_start3A_113 = arith.constant 0 : i32
      %dma_start3A_114 = arith.constant 0 : i32
      %dma_start3A_115 = tpu.memref_slice %arg5[%dma_start3A_113, %dma_start3A_114] : memref<10240x16xf32, #tpu.memory_space<hbm>> -> memref<10240x16xf32, #tpu.memory_space<hbm>>
      tpu.enqueue_indirect_dma source(%dma_start3A_115 : memref<10240x16xf32, #tpu.memory_space<hbm>>) target(%arg17 : memref<64x16xf32, #tpu.memory_space<vmem>>) offsets(%arg15 : memref<64xi32, #tpu.memory_space<vmem>>) semaphore(%arg24 : memref<!tpu.dma_semaphore, #tpu.memory_space<semaphore_mem>>)
      %dma_start3A_116 = arith.constant 0 : i32
      %dma_start3A_117 = arith.constant 0 : i32
      %dma_start3A_118 = tpu.memref_slice %arg6[%dma_start3A_116, %dma_start3A_117] : memref<10240x16xf32, #tpu.memory_space<hbm>> -> memref<10240x16xf32, #tpu.memory_space<hbm>>
      tpu.enqueue_indirect_dma source(%dma_start3A_118 : memref<10240x16xf32, #tpu.memory_space<hbm>>) target(%arg18 : memref<64x16xf32, #tpu.memory_space<vmem>>) offsets(%arg16 : memref<64xi32, #tpu.memory_space<vmem>>) semaphore(%arg24 : memref<!tpu.dma_semaphore, #tpu.memory_space<semaphore_mem>>)
      %dma_wait3A_119 = arith.constant 0 : i32
      %dma_wait3A_120 = arith.constant 0 : i32
      %dma_wait3A_121 = tpu.memref_slice %arg4[%dma_wait3A_119, %dma_wait3A_120] : memref<10240x128xf32, #tpu.memory_space<hbm>> -> memref<10240x128xf32, #tpu.memory_space<hbm>>
      tpu.wait_indirect_dma semaphore(%arg23 : memref<!tpu.dma_semaphore, #tpu.memory_space<semaphore_mem>>) src(%dma_wait3A_121 : memref<10240x128xf32, #tpu.memory_space<hbm>>) dst(%arg13 : memref<64x128xf32, #tpu.memory_space<vmem>>)
      %dma_wait3A_122 = arith.constant 0 : i32
      %dma_wait3A_123 = arith.constant 0 : i32
      %dma_wait3A_124 = tpu.memref_slice %arg5[%dma_wait3A_122, %dma_wait3A_123] : memref<10240x16xf32, #tpu.memory_space<hbm>> -> memref<10240x16xf32, #tpu.memory_space<hbm>>
      tpu.wait_indirect_dma semaphore(%arg23 : memref<!tpu.dma_semaphore, #tpu.memory_space<semaphore_mem>>) src(%dma_wait3A_124 : memref<10240x16xf32, #tpu.memory_space<hbm>>) dst(%arg11 : memref<64x16xf32, #tpu.memory_space<vmem>>)
      %dma_wait3A_125 = arith.constant 0 : i32
      %dma_wait3A_126 = arith.constant 0 : i32
      %dma_wait3A_127 = tpu.memref_slice %arg6[%dma_wait3A_125, %dma_wait3A_126] : memref<10240x16xf32, #tpu.memory_space<hbm>> -> memref<10240x16xf32, #tpu.memory_space<hbm>>
      tpu.wait_indirect_dma semaphore(%arg23 : memref<!tpu.dma_semaphore, #tpu.memory_space<semaphore_mem>>) src(%dma_wait3A_127 : memref<10240x16xf32, #tpu.memory_space<hbm>>) dst(%arg12 : memref<64x16xf32, #tpu.memory_space<vmem>>)
      %parallel_loop3A = arith.constant 0 : i32
      %parallel_loop3A_128 = arith.constant 64 : i32
      %parallel_loop3A_129 = arith.constant 1 : i32
      scf.for %parallel_loop3A_158 = %parallel_loop3A to %parallel_loop3A_128 step %parallel_loop3A_129  : i32 {
        %parallel_loop3A_159 = arith.index_cast %parallel_loop3A_158 : i32 to index
        %parallel_loop3A_160 = arith.constant 0 : index
        %parallel_loop3A_161 = tpu.vector_load %arg11[%parallel_loop3A_159, %parallel_loop3A_160] {strides = array<i32>} : memref<64x16xf32, #tpu.memory_space<vmem>>, vector<1x16xf32>,
        %parallel_loop3A_162 = vector.shape_cast %parallel_loop3A_161 : vector<1x16xf32> to vector<16xf32>
        %parallel_loop3A_163 = arith.index_cast %parallel_loop3A_158 : i32 to index
        %parallel_loop3A_164 = arith.constant 0 : index
        %parallel_loop3A_165 = tpu.vector_load %arg12[%parallel_loop3A_163, %parallel_loop3A_164] {strides = array<i32>} : memref<64x16xf32, #tpu.memory_space<vmem>>, vector<1x16xf32>,
        %parallel_loop3A_166 = vector.shape_cast %parallel_loop3A_165 : vector<1x16xf32> to vector<16xf32>
        %parallel_loop3A_167 = arith.addf %parallel_loop3A_162, %parallel_loop3A_166 : vector<16xf32>
        %parallel_loop3A_168 = arith.constant 0.000000e+00 : f32
        %parallel_loop3A_169 = vector.broadcast %parallel_loop3A_168 : f32 to vector<16xf32>
        %parallel_loop3A_170 = arith.cmpf ogt, %parallel_loop3A_167, %parallel_loop3A_169 : vector<16xf32>
        %parallel_loop3A_171 = arith.constant 2.000000e-01 : f32
        %parallel_loop3A_172 = vector.broadcast %parallel_loop3A_171 : f32 to vector<16xf32>
        %parallel_loop3A_173 = arith.mulf %parallel_loop3A_172, %parallel_loop3A_167 : vector<16xf32>
        %parallel_loop3A_174 = arith.select %parallel_loop3A_170, %parallel_loop3A_167, %parallel_loop3A_173 : vector<16xi1>, vector<16xf32>
        %parallel_loop3A_175 = math.exp %parallel_loop3A_174 : vector<16xf32>
        %parallel_loop3A_176 = arith.index_cast %parallel_loop3A_158 : i32 to index
        %parallel_loop3A_177 = arith.constant 0 : index
        %parallel_loop3A_178 = tpu.vector_load %arg14[%parallel_loop3A_176, %parallel_loop3A_177] {strides = array<i32>} : memref<64x16xf32, #tpu.memory_space<vmem>>, vector<1x16xf32>,
        %parallel_loop3A_179 = vector.shape_cast %parallel_loop3A_178 : vector<1x16xf32> to vector<16xf32>
        %parallel_loop3A_180 = vector.shape_cast %parallel_loop3A_175 : vector<16xf32> to vector<1x16xf32>
        tpu.vector_store %arg14[%parallel_loop3A_176, %parallel_loop3A_177], %parallel_loop3A_180 {strides = array<i32>} : memref<64x16xf32, #tpu.memory_space<vmem>>, vector<1x16xf32>,
        %parallel_loop3A_181 = arith.constant 0 : i32
        %parallel_loop3A_182 = vector.broadcast %parallel_loop3A_181 : i32 to vector<16xi32>
        %parallel_loop3A_183 = vector.shape_cast %parallel_loop3A_182 : vector<16xi32> to vector<16x1xi32>
        %parallel_loop3A_184 = vector.shape_cast %parallel_loop3A_183 : vector<16x1xi32> to vector<16xi32>
        %parallel_loop3A_185 = tpu.dynamic_gather %parallel_loop3A_175[%parallel_loop3A_184] in [0] : vector<16xf32>, vector<16xi32> -> vector<16xf32>
        %parallel_loop3A_186 = arith.index_cast %parallel_loop3A_158 : i32 to index
        %parallel_loop3A_187 = arith.constant 0 : index
        %parallel_loop3A_188 = tpu.vector_load %arg13[%parallel_loop3A_186, %parallel_loop3A_187] {strides = array<i32>} : memref<64x128xf32, #tpu.memory_space<vmem>>, vector<1x16xf32>,
        %parallel_loop3A_189 = vector.shape_cast %parallel_loop3A_188 : vector<1x16xf32> to vector<16xf32>
        %parallel_loop3A_190 = arith.mulf %parallel_loop3A_189, %parallel_loop3A_185 : vector<16xf32>
        %parallel_loop3A_191 = arith.index_cast %parallel_loop3A_158 : i32 to index
        %parallel_loop3A_192 = arith.constant 0 : index
        %parallel_loop3A_193 = tpu.vector_load %arg13[%parallel_loop3A_191, %parallel_loop3A_192] {strides = array<i32>} : memref<64x128xf32, #tpu.memory_space<vmem>>, vector<1x16xf32>,
        %parallel_loop3A_194 = vector.shape_cast %parallel_loop3A_193 : vector<1x16xf32> to vector<16xf32>
        %parallel_loop3A_195 = vector.shape_cast %parallel_loop3A_190 : vector<16xf32> to vector<1x16xf32>
        tpu.vector_store %arg13[%parallel_loop3A_191, %parallel_loop3A_192], %parallel_loop3A_195 {strides = array<i32>} : memref<64x128xf32, #tpu.memory_space<vmem>>, vector<1x16xf32>,
        %parallel_loop3A_196 = arith.constant 1 : i32
        %parallel_loop3A_197 = vector.broadcast %parallel_loop3A_196 : i32 to vector<16xi32>
        %parallel_loop3A_198 = vector.shape_cast %parallel_loop3A_197 : vector<16xi32> to vector<16x1xi32>
        %parallel_loop3A_199 = vector.shape_cast %parallel_loop3A_198 : vector<16x1xi32> to vector<16xi32>
        %parallel_loop3A_200 = tpu.dynamic_gather %parallel_loop3A_175[%parallel_loop3A_199] in [0] : vector<16xf32>, vector<16xi32> -> vector<16xf32>
        %parallel_loop3A_201 = arith.index_cast %parallel_loop3A_158 : i32 to index
        %parallel_loop3A_202 = arith.constant 16 : index
        %parallel_loop3A_203 = tpu.vector_load %arg13[%parallel_loop3A_201, %parallel_loop3A_202] {strides = array<i32>} : memref<64x128xf32, #tpu.memory_space<vmem>>, vector<1x16xf32>,
        %parallel_loop3A_204 = vector.shape_cast %parallel_loop3A_203 : vector<1x16xf32> to vector<16xf32>
        %parallel_loop3A_205 = arith.mulf %parallel_loop3A_204, %parallel_loop3A_200 : vector<16xf32>
        %parallel_loop3A_206 = arith.index_cast %parallel_loop3A_158 : i32 to index
        %parallel_loop3A_207 = arith.constant 16 : index
        %parallel_loop3A_208 = tpu.vector_load %arg13[%parallel_loop3A_206, %parallel_loop3A_207] {strides = array<i32>} : memref<64x128xf32, #tpu.memory_space<vmem>>, vector<1x16xf32>,
        %parallel_loop3A_209 = vector.shape_cast %parallel_loop3A_208 : vector<1x16xf32> to vector<16xf32>
        %parallel_loop3A_210 = vector.shape_cast %parallel_loop3A_205 : vector<16xf32> to vector<1x16xf32>
        tpu.vector_store %arg13[%parallel_loop3A_206, %parallel_loop3A_207], %parallel_loop3A_210 {strides = array<i32>} : memref<64x128xf32, #tpu.memory_space<vmem>>, vector<1x16xf32>,
        %parallel_loop3A_211 = arith.constant 2 : i32
        %parallel_loop3A_212 = vector.broadcast %parallel_loop3A_211 : i32 to vector<16xi32>
        %parallel_loop3A_213 = vector.shape_cast %parallel_loop3A_212 : vector<16xi32> to vector<16x1xi32>
        %parallel_loop3A_214 = vector.shape_cast %parallel_loop3A_213 : vector<16x1xi32> to vector<16xi32>
        %parallel_loop3A_215 = tpu.dynamic_gather %parallel_loop3A_175[%parallel_loop3A_214] in [0] : vector<16xf32>, vector<16xi32> -> vector<16xf32>
        %parallel_loop3A_216 = arith.index_cast %parallel_loop3A_158 : i32 to index
        %parallel_loop3A_217 = arith.constant 32 : index
        %parallel_loop3A_218 = tpu.vector_load %arg13[%parallel_loop3A_216, %parallel_loop3A_217] {strides = array<i32>} : memref<64x128xf32, #tpu.memory_space<vmem>>, vector<1x16xf32>,
        %parallel_loop3A_219 = vector.shape_cast %parallel_loop3A_218 : vector<1x16xf32> to vector<16xf32>
        %parallel_loop3A_220 = arith.mulf %parallel_loop3A_219, %parallel_loop3A_215 : vector<16xf32>
        %parallel_loop3A_221 = arith.index_cast %parallel_loop3A_158 : i32 to index
        %parallel_loop3A_222 = arith.constant 32 : index
        %parallel_loop3A_223 = tpu.vector_load %arg13[%parallel_loop3A_221, %parallel_loop3A_222] {strides = array<i32>} : memref<64x128xf32, #tpu.memory_space<vmem>>, vector<1x16xf32>,
        %parallel_loop3A_224 = vector.shape_cast %parallel_loop3A_223 : vector<1x16xf32> to vector<16xf32>
        %parallel_loop3A_225 = vector.shape_cast %parallel_loop3A_220 : vector<16xf32> to vector<1x16xf32>
        tpu.vector_store %arg13[%parallel_loop3A_221, %parallel_loop3A_222], %parallel_loop3A_225 {strides = array<i32>} : memref<64x128xf32, #tpu.memory_space<vmem>>, vector<1x16xf32>,
        %parallel_loop3A_226 = arith.constant 3 : i32
        %parallel_loop3A_227 = vector.broadcast %parallel_loop3A_226 : i32 to vector<16xi32>
        %parallel_loop3A_228 = vector.shape_cast %parallel_loop3A_227 : vector<16xi32> to vector<16x1xi32>
        %parallel_loop3A_229 = vector.shape_cast %parallel_loop3A_228 : vector<16x1xi32> to vector<16xi32>
        %parallel_loop3A_230 = tpu.dynamic_gather %parallel_loop3A_175[%parallel_loop3A_229] in [0] : vector<16xf32>, vector<16xi32> -> vector<16xf32>
        %parallel_loop3A_231 = arith.index_cast %parallel_loop3A_158 : i32 to index
        %parallel_loop3A_232 = arith.constant 48 : index
        %parallel_loop3A_233 = tpu.vector_load %arg13[%parallel_loop3A_231, %parallel_loop3A_232] {strides = array<i32>} : memref<64x128xf32, #tpu.memory_space<vmem>>, vector<1x16xf32>,
        %parallel_loop3A_234 = vector.shape_cast %parallel_loop3A_233 : vector<1x16xf32> to vector<16xf32>
        %parallel_loop3A_235 = arith.mulf %parallel_loop3A_234, %parallel_loop3A_230 : vector<16xf32>
        %parallel_loop3A_236 = arith.index_cast %parallel_loop3A_158 : i32 to index
        %parallel_loop3A_237 = arith.constant 48 : index
        %parallel_loop3A_238 = tpu.vector_load %arg13[%parallel_loop3A_236, %parallel_loop3A_237] {strides = array<i32>} : memref<64x128xf32, #tpu.memory_space<vmem>>, vector<1x16xf32>,
        %parallel_loop3A_239 = vector.shape_cast %parallel_loop3A_238 : vector<1x16xf32> to vector<16xf32>
        %parallel_loop3A_240 = vector.shape_cast %parallel_loop3A_235 : vector<16xf32> to vector<1x16xf32>
        tpu.vector_store %arg13[%parallel_loop3A_236, %parallel_loop3A_237], %parallel_loop3A_240 {strides = array<i32>} : memref<64x128xf32, #tpu.memory_space<vmem>>, vector<1x16xf32>,
        %parallel_loop3A_241 = arith.constant 4 : i32
        %parallel_loop3A_242 = vector.broadcast %parallel_loop3A_241 : i32 to vector<16xi32>
        %parallel_loop3A_243 = vector.shape_cast %parallel_loop3A_242 : vector<16xi32> to vector<16x1xi32>
        %parallel_loop3A_244 = vector.shape_cast %parallel_loop3A_243 : vector<16x1xi32> to vector<16xi32>
        %parallel_loop3A_245 = tpu.dynamic_gather %parallel_loop3A_175[%parallel_loop3A_244] in [0] : vector<16xf32>, vector<16xi32> -> vector<16xf32>
        %parallel_loop3A_246 = arith.index_cast %parallel_loop3A_158 : i32 to index
        %parallel_loop3A_247 = arith.constant 64 : index
        %parallel_loop3A_248 = tpu.vector_load %arg13[%parallel_loop3A_246, %parallel_loop3A_247] {strides = array<i32>} : memref<64x128xf32, #tpu.memory_space<vmem>>, vector<1x16xf32>,
        %parallel_loop3A_249 = vector.shape_cast %parallel_loop3A_248 : vector<1x16xf32> to vector<16xf32>
        %parallel_loop3A_250 = arith.mulf %parallel_loop3A_249, %parallel_loop3A_245 : vector<16xf32>
        %parallel_loop3A_251 = arith.index_cast %parallel_loop3A_158 : i32 to index
        %parallel_loop3A_252 = arith.constant 64 : index
        %parallel_loop3A_253 = tpu.vector_load %arg13[%parallel_loop3A_251, %parallel_loop3A_252] {strides = array<i32>} : memref<64x128xf32, #tpu.memory_space<vmem>>, vector<1x16xf32>,
        %parallel_loop3A_254 = vector.shape_cast %parallel_loop3A_253 : vector<1x16xf32> to vector<16xf32>
        %parallel_loop3A_255 = vector.shape_cast %parallel_loop3A_250 : vector<16xf32> to vector<1x16xf32>
        tpu.vector_store %arg13[%parallel_loop3A_251, %parallel_loop3A_252], %parallel_loop3A_255 {strides = array<i32>} : memref<64x128xf32, #tpu.memory_space<vmem>>, vector<1x16xf32>,
        %parallel_loop3A_256 = arith.constant 5 : i32
        %parallel_loop3A_257 = vector.broadcast %parallel_loop3A_256 : i32 to vector<16xi32>
        %parallel_loop3A_258 = vector.shape_cast %parallel_loop3A_257 : vector<16xi32> to vector<16x1xi32>
        %parallel_loop3A_259 = vector.shape_cast %parallel_loop3A_258 : vector<16x1xi32> to vector<16xi32>
        %parallel_loop3A_260 = tpu.dynamic_gather %parallel_loop3A_175[%parallel_loop3A_259] in [0] : vector<16xf32>, vector<16xi32> -> vector<16xf32>
        %parallel_loop3A_261 = arith.index_cast %parallel_loop3A_158 : i32 to index
        %parallel_loop3A_262 = arith.constant 80 : index
        %parallel_loop3A_263 = tpu.vector_load %arg13[%parallel_loop3A_261, %parallel_loop3A_262] {strides = array<i32>} : memref<64x128xf32, #tpu.memory_space<vmem>>, vector<1x16xf32>,
        %parallel_loop3A_264 = vector.shape_cast %parallel_loop3A_263 : vector<1x16xf32> to vector<16xf32>
        %parallel_loop3A_265 = arith.mulf %parallel_loop3A_264, %parallel_loop3A_260 : vector<16xf32>
        %parallel_loop3A_266 = arith.index_cast %parallel_loop3A_158 : i32 to index
        %parallel_loop3A_267 = arith.constant 80 : index
        %parallel_loop3A_268 = tpu.vector_load %arg13[%parallel_loop3A_266, %parallel_loop3A_267] {strides = array<i32>} : memref<64x128xf32, #tpu.memory_space<vmem>>, vector<1x16xf32>,
        %parallel_loop3A_269 = vector.shape_cast %parallel_loop3A_268 : vector<1x16xf32> to vector<16xf32>
        %parallel_loop3A_270 = vector.shape_cast %parallel_loop3A_265 : vector<16xf32> to vector<1x16xf32>
        tpu.vector_store %arg13[%parallel_loop3A_266, %parallel_loop3A_267], %parallel_loop3A_270 {strides = array<i32>} : memref<64x128xf32, #tpu.memory_space<vmem>>, vector<1x16xf32>,
        %parallel_loop3A_271 = arith.constant 6 : i32
        %parallel_loop3A_272 = vector.broadcast %parallel_loop3A_271 : i32 to vector<16xi32>
        %parallel_loop3A_273 = vector.shape_cast %parallel_loop3A_272 : vector<16xi32> to vector<16x1xi32>
        %parallel_loop3A_274 = vector.shape_cast %parallel_loop3A_273 : vector<16x1xi32> to vector<16xi32>
        %parallel_loop3A_275 = tpu.dynamic_gather %parallel_loop3A_175[%parallel_loop3A_274] in [0] : vector<16xf32>, vector<16xi32> -> vector<16xf32>
        %parallel_loop3A_276 = arith.index_cast %parallel_loop3A_158 : i32 to index
        %parallel_loop3A_277 = arith.constant 96 : index
        %parallel_loop3A_278 = tpu.vector_load %arg13[%parallel_loop3A_276, %parallel_loop3A_277] {strides = array<i32>} : memref<64x128xf32, #tpu.memory_space<vmem>>, vector<1x16xf32>,
        %parallel_loop3A_279 = vector.shape_cast %parallel_loop3A_278 : vector<1x16xf32> to vector<16xf32>
        %parallel_loop3A_280 = arith.mulf %parallel_loop3A_279, %parallel_loop3A_275 : vector<16xf32>
        %parallel_loop3A_281 = arith.index_cast %parallel_loop3A_158 : i32 to index
        %parallel_loop3A_282 = arith.constant 96 : index
        %parallel_loop3A_283 = tpu.vector_load %arg13[%parallel_loop3A_281, %parallel_loop3A_282] {strides = array<i32>} : memref<64x128xf32, #tpu.memory_space<vmem>>, vector<1x16xf32>,
        %parallel_loop3A_284 = vector.shape_cast %parallel_loop3A_283 : vector<1x16xf32> to vector<16xf32>
        %parallel_loop3A_285 = vector.shape_cast %parallel_loop3A_280 : vector<16xf32> to vector<1x16xf32>
        tpu.vector_store %arg13[%parallel_loop3A_281, %parallel_loop3A_282], %parallel_loop3A_285 {strides = array<i32>} : memref<64x128xf32, #tpu.memory_space<vmem>>, vector<1x16xf32>,
        %parallel_loop3A_286 = arith.constant 7 : i32
        %parallel_loop3A_287 = vector.broadcast %parallel_loop3A_286 : i32 to vector<16xi32>
        %parallel_loop3A_288 = vector.shape_cast %parallel_loop3A_287 : vector<16xi32> to vector<16x1xi32>
        %parallel_loop3A_289 = vector.shape_cast %parallel_loop3A_288 : vector<16x1xi32> to vector<16xi32>
        %parallel_loop3A_290 = tpu.dynamic_gather %parallel_loop3A_175[%parallel_loop3A_289] in [0] : vector<16xf32>, vector<16xi32> -> vector<16xf32>
        %parallel_loop3A_291 = arith.index_cast %parallel_loop3A_158 : i32 to index
        %parallel_loop3A_292 = arith.constant 112 : index
        %parallel_loop3A_293 = tpu.vector_load %arg13[%parallel_loop3A_291, %parallel_loop3A_292] {strides = array<i32>} : memref<64x128xf32, #tpu.memory_space<vmem>>, vector<1x16xf32>,
        %parallel_loop3A_294 = vector.shape_cast %parallel_loop3A_293 : vector<1x16xf32> to vector<16xf32>
        %parallel_loop3A_295 = arith.mulf %parallel_loop3A_294, %parallel_loop3A_290 : vector<16xf32>
        %parallel_loop3A_296 = arith.index_cast %parallel_loop3A_158 : i32 to index
        %parallel_loop3A_297 = arith.constant 112 : index
        %parallel_loop3A_298 = tpu.vector_load %arg13[%parallel_loop3A_296, %parallel_loop3A_297] {strides = array<i32>} : memref<64x128xf32, #tpu.memory_space<vmem>>, vector<1x16xf32>,
        %parallel_loop3A_299 = vector.shape_cast %parallel_loop3A_298 : vector<1x16xf32> to vector<16xf32>
        %parallel_loop3A_300 = vector.shape_cast %parallel_loop3A_295 : vector<16xf32> to vector<1x16xf32>
        tpu.vector_store %arg13[%parallel_loop3A_296, %parallel_loop3A_297], %parallel_loop3A_300 {strides = array<i32>} : memref<64x128xf32, #tpu.memory_space<vmem>>, vector<1x16xf32>,
      } {sc.loop_unroll_factor = 4 : i64, sc.parallel_access}
      "tpu.region"() ({
        %run_scoped3A = tpu.sem_alloc : memref<!tpu.dma_semaphore, #tpu.memory_space<semaphore_mem>>
        %dma_start3A_158 = arith.constant 0 : i32
        %dma_start3A_159 = arith.constant 0 : i32
        %dma_start3A_160 = tpu.memref_slice %arg22[%dma_start3A_158, %dma_start3A_159] : memref<10240x16xf32, #tpu.memory_space<vmem_shared>> -> memref<10240x16xf32, #tpu.memory_space<vmem_shared>>
        tpu.enqueue_indirect_dma source(%arg14 : memref<64x16xf32, #tpu.memory_space<vmem>>) target(%dma_start3A_160 : memref<10240x16xf32, #tpu.memory_space<vmem_shared>>) offsets(%arg10 : memref<64xi32, #tpu.memory_space<vmem>>) semaphore(%run_scoped3A : memref<!tpu.dma_semaphore, #tpu.memory_space<semaphore_mem>>) {add = true}
        %dma_wait3A_161 = arith.constant 0 : i32
        %dma_wait3A_162 = arith.constant 0 : i32
        %dma_wait3A_163 = tpu.memref_slice %arg22[%dma_wait3A_161, %dma_wait3A_162] : memref<10240x16xf32, #tpu.memory_space<vmem_shared>> -> memref<10240x16xf32, #tpu.memory_space<vmem_shared>>
        tpu.wait_indirect_dma semaphore(%run_scoped3A : memref<!tpu.dma_semaphore, #tpu.memory_space<semaphore_mem>>) src(%arg14 : memref<64x16xf32, #tpu.memory_space<vmem>>) dst(%dma_wait3A_163 : memref<10240x16xf32, #tpu.memory_space<vmem_shared>>)
        tpu.yield
      }) : () -> ()
      "tpu.region"() ({
        %run_scoped3A = tpu.sem_alloc : memref<!tpu.dma_semaphore, #tpu.memory_space<semaphore_mem>>
        %dma_start3A_158 = arith.constant 0 : i32
        %dma_start3A_159 = arith.constant 0 : i32
        %dma_start3A_160 = tpu.memref_slice %arg21[%dma_start3A_158, %dma_start3A_159] : memref<10240x128xf32, #tpu.memory_space<vmem_shared>> -> memref<10240x128xf32, #tpu.memory_space<vmem_shared>>
        tpu.enqueue_indirect_dma source(%arg13 : memref<64x128xf32, #tpu.memory_space<vmem>>) target(%dma_start3A_160 : memref<10240x128xf32, #tpu.memory_space<vmem_shared>>) offsets(%arg10 : memref<64xi32, #tpu.memory_space<vmem>>) semaphore(%run_scoped3A : memref<!tpu.dma_semaphore, #tpu.memory_space<semaphore_mem>>) {add = true}
        %dma_wait3A_161 = arith.constant 0 : i32
        %dma_wait3A_162 = arith.constant 0 : i32
        %dma_wait3A_163 = tpu.memref_slice %arg21[%dma_wait3A_161, %dma_wait3A_162] : memref<10240x128xf32, #tpu.memory_space<vmem_shared>> -> memref<10240x128xf32, #tpu.memory_space<vmem_shared>>
        tpu.wait_indirect_dma semaphore(%run_scoped3A : memref<!tpu.dma_semaphore, #tpu.memory_space<semaphore_mem>>) src(%arg13 : memref<64x128xf32, #tpu.memory_space<vmem>>) dst(%dma_wait3A_163 : memref<10240x128xf32, #tpu.memory_space<vmem_shared>>)
        tpu.yield
      }) : () -> ()
      %add3A_130 = arith.constant 2 : i32
      %add3A_131 = arith.addi %mul3A_102, %add3A_130 : i32
      %mul3A_132 = arith.constant 158 : i32
      %mul3A_133 = arith.muli %add3A, %mul3A_132 : i32
      %add3A_134 = arith.addi %mul3A_133, %add3A_131 : i32
      %mul3A_135 = arith.constant 64 : i32
      %mul3A_136 = arith.muli %add3A_134, %mul3A_135 : i32
      "tpu.region"() ({
        %run_scoped3A = tpu.sem_alloc : memref<!tpu.dma_semaphore, #tpu.memory_space<semaphore_mem>>
        %dma_start3A_158 = tpu.memref_slice %arg2[%mul3A_136] : memref<323648xi32, #tpu.memory_space<hbm>> -> memref<64xi32, #tpu.memory_space<hbm>>
        %dma_start3A_159 = tpu.memref_slice %arg2[%mul3A_136] : memref<323648xi32, #tpu.memory_space<hbm>> -> memref<64xi32, #tpu.memory_space<hbm>>
        tpu.enqueue_dma source(%dma_start3A_159 : memref<64xi32, #tpu.memory_space<hbm>>) target(%arg9 : memref<64xi32, #tpu.memory_space<vmem>>) target_semaphore(%run_scoped3A : memref<!tpu.dma_semaphore, #tpu.memory_space<semaphore_mem>>)
        %dma_wait3A_160 = tpu.memref_slice %arg2[%mul3A_136] : memref<323648xi32, #tpu.memory_space<hbm>> -> memref<64xi32, #tpu.memory_space<hbm>>
        %dma_wait3A_161 = tpu.memref_slice %arg2[%mul3A_136] : memref<323648xi32, #tpu.memory_space<hbm>> -> memref<64xi32, #tpu.memory_space<hbm>>
        tpu.wait_dma2 semaphore(%run_scoped3A : memref<!tpu.dma_semaphore, #tpu.memory_space<semaphore_mem>>) src(%dma_wait3A_161 : memref<64xi32, #tpu.memory_space<hbm>>) dst(%arg9 : memref<64xi32, #tpu.memory_space<vmem>>)
        tpu.yield
      }) : () -> ()
      "tpu.region"() ({
        %run_scoped3A = tpu.sem_alloc : memref<!tpu.dma_semaphore, #tpu.memory_space<semaphore_mem>>
        %dma_start3A_158 = tpu.memref_slice %arg3[%mul3A_136] : memref<323648xi32, #tpu.memory_space<hbm>> -> memref<64xi32, #tpu.memory_space<hbm>>
        %dma_start3A_159 = tpu.memref_slice %arg3[%mul3A_136] : memref<323648xi32, #tpu.memory_space<hbm>> -> memref<64xi32, #tpu.memory_space<hbm>>
        tpu.enqueue_dma source(%dma_start3A_159 : memref<64xi32, #tpu.memory_space<hbm>>) target(%arg10 : memref<64xi32, #tpu.memory_space<vmem>>) target_semaphore(%run_scoped3A : memref<!tpu.dma_semaphore, #tpu.memory_space<semaphore_mem>>)
        %dma_wait3A_160 = tpu.memref_slice %arg3[%mul3A_136] : memref<323648xi32, #tpu.memory_space<hbm>> -> memref<64xi32, #tpu.memory_space<hbm>>
        %dma_wait3A_161 = tpu.memref_slice %arg3[%mul3A_136] : memref<323648xi32, #tpu.memory_space<hbm>> -> memref<64xi32, #tpu.memory_space<hbm>>
        tpu.wait_dma2 semaphore(%run_scoped3A : memref<!tpu.dma_semaphore, #tpu.memory_space<semaphore_mem>>) src(%dma_wait3A_161 : memref<64xi32, #tpu.memory_space<hbm>>) dst(%arg10 : memref<64xi32, #tpu.memory_space<vmem>>)
        tpu.yield
      }) : () -> ()
      %dma_start3A_137 = arith.constant 0 : i32
      %dma_start3A_138 = arith.constant 0 : i32
      %dma_start3A_139 = tpu.memref_slice %arg4[%dma_start3A_137, %dma_start3A_138] : memref<10240x128xf32, #tpu.memory_space<hbm>> -> memref<10240x128xf32, #tpu.memory_space<hbm>>
      tpu.enqueue_indirect_dma source(%dma_start3A_139 : memref<10240x128xf32, #tpu.memory_space<hbm>>) target(%arg13 : memref<64x128xf32, #tpu.memory_space<vmem>>) offsets(%arg9 : memref<64xi32, #tpu.memory_space<vmem>>) semaphore(%arg23 : memref<!tpu.dma_semaphore, #tpu.memory_space<semaphore_mem>>)
      %dma_start3A_140 = arith.constant 0 : i32
      %dma_start3A_141 = arith.constant 0 : i32
      %dma_start3A_142 = tpu.memref_slice %arg5[%dma_start3A_140, %dma_start3A_141] : memref<10240x16xf32, #tpu.memory_space<hbm>> -> memref<10240x16xf32, #tpu.memory_space<hbm>>
      tpu.enqueue_indirect_dma source(%dma_start3A_142 : memref<10240x16xf32, #tpu.memory_space<hbm>>) target(%arg11 : memref<64x16xf32, #tpu.memory_space<vmem>>) offsets(%arg9 : memref<64xi32, #tpu.memory_space<vmem>>) semaphore(%arg23 : memref<!tpu.dma_semaphore, #tpu.memory_space<semaphore_mem>>)
      %dma_start3A_143 = arith.constant 0 : i32
      %dma_start3A_144 = arith.constant 0 : i32
      %dma_start3A_145 = tpu.memref_slice %arg6[%dma_start3A_143, %dma_start3A_144] : memref<10240x16xf32, #tpu.memory_space<hbm>> -> memref<10240x16xf32, #tpu.memory_space<hbm>>
      tpu.enqueue_indirect_dma source(%dma_start3A_145 : memref<10240x16xf32, #tpu.memory_space<hbm>>) target(%arg12 : memref<64x16xf32, #tpu.memory_space<vmem>>) offsets(%arg10 : memref<64xi32, #tpu.memory_space<vmem>>) semaphore(%arg23 : memref<!tpu.dma_semaphore, #tpu.memory_space<semaphore_mem>>)
      %dma_wait3A_146 = arith.constant 0 : i32
      %dma_wait3A_147 = arith.constant 0 : i32
      %dma_wait3A_148 = tpu.memref_slice %arg4[%dma_wait3A_146, %dma_wait3A_147] : memref<10240x128xf32, #tpu.memory_space<hbm>> -> memref<10240x128xf32, #tpu.memory_space<hbm>>
      tpu.wait_indirect_dma semaphore(%arg24 : memref<!tpu.dma_semaphore, #tpu.memory_space<semaphore_mem>>) src(%dma_wait3A_148 : memref<10240x128xf32, #tpu.memory_space<hbm>>) dst(%arg19 : memref<64x128xf32, #tpu.memory_space<vmem>>)
      %dma_wait3A_149 = arith.constant 0 : i32
      %dma_wait3A_150 = arith.constant 0 : i32
      %dma_wait3A_151 = tpu.memref_slice %arg5[%dma_wait3A_149, %dma_wait3A_150] : memref<10240x16xf32, #tpu.memory_space<hbm>> -> memref<10240x16xf32, #tpu.memory_space<hbm>>
      tpu.wait_indirect_dma semaphore(%arg24 : memref<!tpu.dma_semaphore, #tpu.memory_space<semaphore_mem>>) src(%dma_wait3A_151 : memref<10240x16xf32, #tpu.memory_space<hbm>>) dst(%arg17 : memref<64x16xf32, #tpu.memory_space<vmem>>)
      %dma_wait3A_152 = arith.constant 0 : i32
      %dma_wait3A_153 = arith.constant 0 : i32
      %dma_wait3A_154 = tpu.memref_slice %arg6[%dma_wait3A_152, %dma_wait3A_153] : memref<10240x16xf32, #tpu.memory_space<hbm>> -> memref<10240x16xf32, #tpu.memory_space<hbm>>
      tpu.wait_indirect_dma semaphore(%arg24 : memref<!tpu.dma_semaphore, #tpu.memory_space<semaphore_mem>>) src(%dma_wait3A_154 : memref<10240x16xf32, #tpu.memory_space<hbm>>) dst(%arg18 : memref<64x16xf32, #tpu.memory_space<vmem>>)
      %parallel_loop3A_155 = arith.constant 0 : i32
      %parallel_loop3A_156 = arith.constant 64 : i32
      %parallel_loop3A_157 = arith.constant 1 : i32
      scf.for %parallel_loop3A_158 = %parallel_loop3A_155 to %parallel_loop3A_156 step %parallel_loop3A_157  : i32 {
        %parallel_loop3A_159 = arith.index_cast %parallel_loop3A_158 : i32 to index
        %parallel_loop3A_160 = arith.constant 0 : index
        %parallel_loop3A_161 = tpu.vector_load %arg17[%parallel_loop3A_159, %parallel_loop3A_160] {strides = array<i32>} : memref<64x16xf32, #tpu.memory_space<vmem>>, vector<1x16xf32>,
        %parallel_loop3A_162 = vector.shape_cast %parallel_loop3A_161 : vector<1x16xf32> to vector<16xf32>
        %parallel_loop3A_163 = arith.index_cast %parallel_loop3A_158 : i32 to index
        %parallel_loop3A_164 = arith.constant 0 : index
        %parallel_loop3A_165 = tpu.vector_load %arg18[%parallel_loop3A_163, %parallel_loop3A_164] {strides = array<i32>} : memref<64x16xf32, #tpu.memory_space<vmem>>, vector<1x16xf32>,
        %parallel_loop3A_166 = vector.shape_cast %parallel_loop3A_165 : vector<1x16xf32> to vector<16xf32>
        %parallel_loop3A_167 = arith.addf %parallel_loop3A_162, %parallel_loop3A_166 : vector<16xf32>
        %parallel_loop3A_168 = arith.constant 0.000000e+00 : f32
        %parallel_loop3A_169 = vector.broadcast %parallel_loop3A_168 : f32 to vector<16xf32>
        %parallel_loop3A_170 = arith.cmpf ogt, %parallel_loop3A_167, %parallel_loop3A_169 : vector<16xf32>
        %parallel_loop3A_171 = arith.constant 2.000000e-01 : f32
        %parallel_loop3A_172 = vector.broadcast %parallel_loop3A_171 : f32 to vector<16xf32>
        %parallel_loop3A_173 = arith.mulf %parallel_loop3A_172, %parallel_loop3A_167 : vector<16xf32>
        %parallel_loop3A_174 = arith.select %parallel_loop3A_170, %parallel_loop3A_167, %parallel_loop3A_173 : vector<16xi1>, vector<16xf32>
        %parallel_loop3A_175 = math.exp %parallel_loop3A_174 : vector<16xf32>
        %parallel_loop3A_176 = arith.index_cast %parallel_loop3A_158 : i32 to index
        %parallel_loop3A_177 = arith.constant 0 : index
        %parallel_loop3A_178 = tpu.vector_load %arg20[%parallel_loop3A_176, %parallel_loop3A_177] {strides = array<i32>} : memref<64x16xf32, #tpu.memory_space<vmem>>, vector<1x16xf32>,
        %parallel_loop3A_179 = vector.shape_cast %parallel_loop3A_178 : vector<1x16xf32> to vector<16xf32>
        %parallel_loop3A_180 = vector.shape_cast %parallel_loop3A_175 : vector<16xf32> to vector<1x16xf32>
        tpu.vector_store %arg20[%parallel_loop3A_176, %parallel_loop3A_177], %parallel_loop3A_180 {strides = array<i32>} : memref<64x16xf32, #tpu.memory_space<vmem>>, vector<1x16xf32>,
        %parallel_loop3A_181 = arith.constant 0 : i32
        %parallel_loop3A_182 = vector.broadcast %parallel_loop3A_181 : i32 to vector<16xi32>
        %parallel_loop3A_183 = vector.shape_cast %parallel_loop3A_182 : vector<16xi32> to vector<16x1xi32>
        %parallel_loop3A_184 = vector.shape_cast %parallel_loop3A_183 : vector<16x1xi32> to vector<16xi32>
        %parallel_loop3A_185 = tpu.dynamic_gather %parallel_loop3A_175[%parallel_loop3A_184] in [0] : vector<16xf32>, vector<16xi32> -> vector<16xf32>
        %parallel_loop3A_186 = arith.index_cast %parallel_loop3A_158 : i32 to index
        %parallel_loop3A_187 = arith.constant 0 : index
        %parallel_loop3A_188 = tpu.vector_load %arg19[%parallel_loop3A_186, %parallel_loop3A_187] {strides = array<i32>} : memref<64x128xf32, #tpu.memory_space<vmem>>, vector<1x16xf32>,
        %parallel_loop3A_189 = vector.shape_cast %parallel_loop3A_188 : vector<1x16xf32> to vector<16xf32>
        %parallel_loop3A_190 = arith.mulf %parallel_loop3A_189, %parallel_loop3A_185 : vector<16xf32>
        %parallel_loop3A_191 = arith.index_cast %parallel_loop3A_158 : i32 to index
        %parallel_loop3A_192 = arith.constant 0 : index
        %parallel_loop3A_193 = tpu.vector_load %arg19[%parallel_loop3A_191, %parallel_loop3A_192] {strides = array<i32>} : memref<64x128xf32, #tpu.memory_space<vmem>>, vector<1x16xf32>,
        %parallel_loop3A_194 = vector.shape_cast %parallel_loop3A_193 : vector<1x16xf32> to vector<16xf32>
        %parallel_loop3A_195 = vector.shape_cast %parallel_loop3A_190 : vector<16xf32> to vector<1x16xf32>
        tpu.vector_store %arg19[%parallel_loop3A_191, %parallel_loop3A_192], %parallel_loop3A_195 {strides = array<i32>} : memref<64x128xf32, #tpu.memory_space<vmem>>, vector<1x16xf32>,
        %parallel_loop3A_196 = arith.constant 1 : i32
        %parallel_loop3A_197 = vector.broadcast %parallel_loop3A_196 : i32 to vector<16xi32>
        %parallel_loop3A_198 = vector.shape_cast %parallel_loop3A_197 : vector<16xi32> to vector<16x1xi32>
        %parallel_loop3A_199 = vector.shape_cast %parallel_loop3A_198 : vector<16x1xi32> to vector<16xi32>
        %parallel_loop3A_200 = tpu.dynamic_gather %parallel_loop3A_175[%parallel_loop3A_199] in [0] : vector<16xf32>, vector<16xi32> -> vector<16xf32>
        %parallel_loop3A_201 = arith.index_cast %parallel_loop3A_158 : i32 to index
        %parallel_loop3A_202 = arith.constant 16 : index
        %parallel_loop3A_203 = tpu.vector_load %arg19[%parallel_loop3A_201, %parallel_loop3A_202] {strides = array<i32>} : memref<64x128xf32, #tpu.memory_space<vmem>>, vector<1x16xf32>,
        %parallel_loop3A_204 = vector.shape_cast %parallel_loop3A_203 : vector<1x16xf32> to vector<16xf32>
        %parallel_loop3A_205 = arith.mulf %parallel_loop3A_204, %parallel_loop3A_200 : vector<16xf32>
        %parallel_loop3A_206 = arith.index_cast %parallel_loop3A_158 : i32 to index
        %parallel_loop3A_207 = arith.constant 16 : index
        %parallel_loop3A_208 = tpu.vector_load %arg19[%parallel_loop3A_206, %parallel_loop3A_207] {strides = array<i32>} : memref<64x128xf32, #tpu.memory_space<vmem>>, vector<1x16xf32>,
        %parallel_loop3A_209 = vector.shape_cast %parallel_loop3A_208 : vector<1x16xf32> to vector<16xf32>
        %parallel_loop3A_210 = vector.shape_cast %parallel_loop3A_205 : vector<16xf32> to vector<1x16xf32>
        tpu.vector_store %arg19[%parallel_loop3A_206, %parallel_loop3A_207], %parallel_loop3A_210 {strides = array<i32>} : memref<64x128xf32, #tpu.memory_space<vmem>>, vector<1x16xf32>,
        %parallel_loop3A_211 = arith.constant 2 : i32
        %parallel_loop3A_212 = vector.broadcast %parallel_loop3A_211 : i32 to vector<16xi32>
        %parallel_loop3A_213 = vector.shape_cast %parallel_loop3A_212 : vector<16xi32> to vector<16x1xi32>
        %parallel_loop3A_214 = vector.shape_cast %parallel_loop3A_213 : vector<16x1xi32> to vector<16xi32>
        %parallel_loop3A_215 = tpu.dynamic_gather %parallel_loop3A_175[%parallel_loop3A_214] in [0] : vector<16xf32>, vector<16xi32> -> vector<16xf32>
        %parallel_loop3A_216 = arith.index_cast %parallel_loop3A_158 : i32 to index
        %parallel_loop3A_217 = arith.constant 32 : index
        %parallel_loop3A_218 = tpu.vector_load %arg19[%parallel_loop3A_216, %parallel_loop3A_217] {strides = array<i32>} : memref<64x128xf32, #tpu.memory_space<vmem>>, vector<1x16xf32>,
        %parallel_loop3A_219 = vector.shape_cast %parallel_loop3A_218 : vector<1x16xf32> to vector<16xf32>
        %parallel_loop3A_220 = arith.mulf %parallel_loop3A_219, %parallel_loop3A_215 : vector<16xf32>
        %parallel_loop3A_221 = arith.index_cast %parallel_loop3A_158 : i32 to index
        %parallel_loop3A_222 = arith.constant 32 : index
        %parallel_loop3A_223 = tpu.vector_load %arg19[%parallel_loop3A_221, %parallel_loop3A_222] {strides = array<i32>} : memref<64x128xf32, #tpu.memory_space<vmem>>, vector<1x16xf32>,
        %parallel_loop3A_224 = vector.shape_cast %parallel_loop3A_223 : vector<1x16xf32> to vector<16xf32>
        %parallel_loop3A_225 = vector.shape_cast %parallel_loop3A_220 : vector<16xf32> to vector<1x16xf32>
        tpu.vector_store %arg19[%parallel_loop3A_221, %parallel_loop3A_222], %parallel_loop3A_225 {strides = array<i32>} : memref<64x128xf32, #tpu.memory_space<vmem>>, vector<1x16xf32>,
        %parallel_loop3A_226 = arith.constant 3 : i32
        %parallel_loop3A_227 = vector.broadcast %parallel_loop3A_226 : i32 to vector<16xi32>
        %parallel_loop3A_228 = vector.shape_cast %parallel_loop3A_227 : vector<16xi32> to vector<16x1xi32>
        %parallel_loop3A_229 = vector.shape_cast %parallel_loop3A_228 : vector<16x1xi32> to vector<16xi32>
        %parallel_loop3A_230 = tpu.dynamic_gather %parallel_loop3A_175[%parallel_loop3A_229] in [0] : vector<16xf32>, vector<16xi32> -> vector<16xf32>
        %parallel_loop3A_231 = arith.index_cast %parallel_loop3A_158 : i32 to index
        %parallel_loop3A_232 = arith.constant 48 : index
        %parallel_loop3A_233 = tpu.vector_load %arg19[%parallel_loop3A_231, %parallel_loop3A_232] {strides = array<i32>} : memref<64x128xf32, #tpu.memory_space<vmem>>, vector<1x16xf32>,
        %parallel_loop3A_234 = vector.shape_cast %parallel_loop3A_233 : vector<1x16xf32> to vector<16xf32>
        %parallel_loop3A_235 = arith.mulf %parallel_loop3A_234, %parallel_loop3A_230 : vector<16xf32>
        %parallel_loop3A_236 = arith.index_cast %parallel_loop3A_158 : i32 to index
        %parallel_loop3A_237 = arith.constant 48 : index
        %parallel_loop3A_238 = tpu.vector_load %arg19[%parallel_loop3A_236, %parallel_loop3A_237] {strides = array<i32>} : memref<64x128xf32, #tpu.memory_space<vmem>>, vector<1x16xf32>,
        %parallel_loop3A_239 = vector.shape_cast %parallel_loop3A_238 : vector<1x16xf32> to vector<16xf32>
        %parallel_loop3A_240 = vector.shape_cast %parallel_loop3A_235 : vector<16xf32> to vector<1x16xf32>
        tpu.vector_store %arg19[%parallel_loop3A_236, %parallel_loop3A_237], %parallel_loop3A_240 {strides = array<i32>} : memref<64x128xf32, #tpu.memory_space<vmem>>, vector<1x16xf32>,
        %parallel_loop3A_241 = arith.constant 4 : i32
        %parallel_loop3A_242 = vector.broadcast %parallel_loop3A_241 : i32 to vector<16xi32>
        %parallel_loop3A_243 = vector.shape_cast %parallel_loop3A_242 : vector<16xi32> to vector<16x1xi32>
        %parallel_loop3A_244 = vector.shape_cast %parallel_loop3A_243 : vector<16x1xi32> to vector<16xi32>
        %parallel_loop3A_245 = tpu.dynamic_gather %parallel_loop3A_175[%parallel_loop3A_244] in [0] : vector<16xf32>, vector<16xi32> -> vector<16xf32>
        %parallel_loop3A_246 = arith.index_cast %parallel_loop3A_158 : i32 to index
        %parallel_loop3A_247 = arith.constant 64 : index
        %parallel_loop3A_248 = tpu.vector_load %arg19[%parallel_loop3A_246, %parallel_loop3A_247] {strides = array<i32>} : memref<64x128xf32, #tpu.memory_space<vmem>>, vector<1x16xf32>,
        %parallel_loop3A_249 = vector.shape_cast %parallel_loop3A_248 : vector<1x16xf32> to vector<16xf32>
        %parallel_loop3A_250 = arith.mulf %parallel_loop3A_249, %parallel_loop3A_245 : vector<16xf32>
        %parallel_loop3A_251 = arith.index_cast %parallel_loop3A_158 : i32 to index
        %parallel_loop3A_252 = arith.constant 64 : index
        %parallel_loop3A_253 = tpu.vector_load %arg19[%parallel_loop3A_251, %parallel_loop3A_252] {strides = array<i32>} : memref<64x128xf32, #tpu.memory_space<vmem>>, vector<1x16xf32>,
        %parallel_loop3A_254 = vector.shape_cast %parallel_loop3A_253 : vector<1x16xf32> to vector<16xf32>
        %parallel_loop3A_255 = vector.shape_cast %parallel_loop3A_250 : vector<16xf32> to vector<1x16xf32>
        tpu.vector_store %arg19[%parallel_loop3A_251, %parallel_loop3A_252], %parallel_loop3A_255 {strides = array<i32>} : memref<64x128xf32, #tpu.memory_space<vmem>>, vector<1x16xf32>,
        %parallel_loop3A_256 = arith.constant 5 : i32
        %parallel_loop3A_257 = vector.broadcast %parallel_loop3A_256 : i32 to vector<16xi32>
        %parallel_loop3A_258 = vector.shape_cast %parallel_loop3A_257 : vector<16xi32> to vector<16x1xi32>
        %parallel_loop3A_259 = vector.shape_cast %parallel_loop3A_258 : vector<16x1xi32> to vector<16xi32>
        %parallel_loop3A_260 = tpu.dynamic_gather %parallel_loop3A_175[%parallel_loop3A_259] in [0] : vector<16xf32>, vector<16xi32> -> vector<16xf32>
        %parallel_loop3A_261 = arith.index_cast %parallel_loop3A_158 : i32 to index
        %parallel_loop3A_262 = arith.constant 80 : index
        %parallel_loop3A_263 = tpu.vector_load %arg19[%parallel_loop3A_261, %parallel_loop3A_262] {strides = array<i32>} : memref<64x128xf32, #tpu.memory_space<vmem>>, vector<1x16xf32>,
        %parallel_loop3A_264 = vector.shape_cast %parallel_loop3A_263 : vector<1x16xf32> to vector<16xf32>
        %parallel_loop3A_265 = arith.mulf %parallel_loop3A_264, %parallel_loop3A_260 : vector<16xf32>
        %parallel_loop3A_266 = arith.index_cast %parallel_loop3A_158 : i32 to index
        %parallel_loop3A_267 = arith.constant 80 : index
        %parallel_loop3A_268 = tpu.vector_load %arg19[%parallel_loop3A_266, %parallel_loop3A_267] {strides = array<i32>} : memref<64x128xf32, #tpu.memory_space<vmem>>, vector<1x16xf32>,
        %parallel_loop3A_269 = vector.shape_cast %parallel_loop3A_268 : vector<1x16xf32> to vector<16xf32>
        %parallel_loop3A_270 = vector.shape_cast %parallel_loop3A_265 : vector<16xf32> to vector<1x16xf32>
        tpu.vector_store %arg19[%parallel_loop3A_266, %parallel_loop3A_267], %parallel_loop3A_270 {strides = array<i32>} : memref<64x128xf32, #tpu.memory_space<vmem>>, vector<1x16xf32>,
        %parallel_loop3A_271 = arith.constant 6 : i32
        %parallel_loop3A_272 = vector.broadcast %parallel_loop3A_271 : i32 to vector<16xi32>
        %parallel_loop3A_273 = vector.shape_cast %parallel_loop3A_272 : vector<16xi32> to vector<16x1xi32>
        %parallel_loop3A_274 = vector.shape_cast %parallel_loop3A_273 : vector<16x1xi32> to vector<16xi32>
        %parallel_loop3A_275 = tpu.dynamic_gather %parallel_loop3A_175[%parallel_loop3A_274] in [0] : vector<16xf32>, vector<16xi32> -> vector<16xf32>
        %parallel_loop3A_276 = arith.index_cast %parallel_loop3A_158 : i32 to index
        %parallel_loop3A_277 = arith.constant 96 : index
        %parallel_loop3A_278 = tpu.vector_load %arg19[%parallel_loop3A_276, %parallel_loop3A_277] {strides = array<i32>} : memref<64x128xf32, #tpu.memory_space<vmem>>, vector<1x16xf32>,
        %parallel_loop3A_279 = vector.shape_cast %parallel_loop3A_278 : vector<1x16xf32> to vector<16xf32>
        %parallel_loop3A_280 = arith.mulf %parallel_loop3A_279, %parallel_loop3A_275 : vector<16xf32>
        %parallel_loop3A_281 = arith.index_cast %parallel_loop3A_158 : i32 to index
        %parallel_loop3A_282 = arith.constant 96 : index
        %parallel_loop3A_283 = tpu.vector_load %arg19[%parallel_loop3A_281, %parallel_loop3A_282] {strides = array<i32>} : memref<64x128xf32, #tpu.memory_space<vmem>>, vector<1x16xf32>,
        %parallel_loop3A_284 = vector.shape_cast %parallel_loop3A_283 : vector<1x16xf32> to vector<16xf32>
        %parallel_loop3A_285 = vector.shape_cast %parallel_loop3A_280 : vector<16xf32> to vector<1x16xf32>
        tpu.vector_store %arg19[%parallel_loop3A_281, %parallel_loop3A_282], %parallel_loop3A_285 {strides = array<i32>} : memref<64x128xf32, #tpu.memory_space<vmem>>, vector<1x16xf32>,
        %parallel_loop3A_286 = arith.constant 7 : i32
        %parallel_loop3A_287 = vector.broadcast %parallel_loop3A_286 : i32 to vector<16xi32>
        %parallel_loop3A_288 = vector.shape_cast %parallel_loop3A_287 : vector<16xi32> to vector<16x1xi32>
        %parallel_loop3A_289 = vector.shape_cast %parallel_loop3A_288 : vector<16x1xi32> to vector<16xi32>
        %parallel_loop3A_290 = tpu.dynamic_gather %parallel_loop3A_175[%parallel_loop3A_289] in [0] : vector<16xf32>, vector<16xi32> -> vector<16xf32>
        %parallel_loop3A_291 = arith.index_cast %parallel_loop3A_158 : i32 to index
        %parallel_loop3A_292 = arith.constant 112 : index
        %parallel_loop3A_293 = tpu.vector_load %arg19[%parallel_loop3A_291, %parallel_loop3A_292] {strides = array<i32>} : memref<64x128xf32, #tpu.memory_space<vmem>>, vector<1x16xf32>,
        %parallel_loop3A_294 = vector.shape_cast %parallel_loop3A_293 : vector<1x16xf32> to vector<16xf32>
        %parallel_loop3A_295 = arith.mulf %parallel_loop3A_294, %parallel_loop3A_290 : vector<16xf32>
        %parallel_loop3A_296 = arith.index_cast %parallel_loop3A_158 : i32 to index
        %parallel_loop3A_297 = arith.constant 112 : index
        %parallel_loop3A_298 = tpu.vector_load %arg19[%parallel_loop3A_296, %parallel_loop3A_297] {strides = array<i32>} : memref<64x128xf32, #tpu.memory_space<vmem>>, vector<1x16xf32>,
        %parallel_loop3A_299 = vector.shape_cast %parallel_loop3A_298 : vector<1x16xf32> to vector<16xf32>
        %parallel_loop3A_300 = vector.shape_cast %parallel_loop3A_295 : vector<16xf32> to vector<1x16xf32>
        tpu.vector_store %arg19[%parallel_loop3A_296, %parallel_loop3A_297], %parallel_loop3A_300 {strides = array<i32>} : memref<64x128xf32, #tpu.memory_space<vmem>>, vector<1x16xf32>,
      } {sc.loop_unroll_factor = 4 : i64, sc.parallel_access}
      "tpu.region"() ({
        %run_scoped3A = tpu.sem_alloc : memref<!tpu.dma_semaphore, #tpu.memory_space<semaphore_mem>>
        %dma_start3A_158 = arith.constant 0 : i32
        %dma_start3A_159 = arith.constant 0 : i32
        %dma_start3A_160 = tpu.memref_slice %arg22[%dma_start3A_158, %dma_start3A_159] : memref<10240x16xf32, #tpu.memory_space<vmem_shared>> -> memref<10240x16xf32, #tpu.memory_space<vmem_shared>>
        tpu.enqueue_indirect_dma source(%arg20 : memref<64x16xf32, #tpu.memory_space<vmem>>) target(%dma_start3A_160 : memref<10240x16xf32, #tpu.memory_space<vmem_shared>>) offsets(%arg16 : memref<64xi32, #tpu.memory_space<vmem>>) semaphore(%run_scoped3A : memref<!tpu.dma_semaphore, #tpu.memory_space<semaphore_mem>>) {add = true}
        %dma_wait3A_161 = arith.constant 0 : i32
        %dma_wait3A_162 = arith.constant 0 : i32
        %dma_wait3A_163 = tpu.memref_slice %arg22[%dma_wait3A_161, %dma_wait3A_162] : memref<10240x16xf32, #tpu.memory_space<vmem_shared>> -> memref<10240x16xf32, #tpu.memory_space<vmem_shared>>
        tpu.wait_indirect_dma semaphore(%run_scoped3A : memref<!tpu.dma_semaphore, #tpu.memory_space<semaphore_mem>>) src(%arg20 : memref<64x16xf32, #tpu.memory_space<vmem>>) dst(%dma_wait3A_163 : memref<10240x16xf32, #tpu.memory_space<vmem_shared>>)
        tpu.yield
      }) : () -> ()
      "tpu.region"() ({
        %run_scoped3A = tpu.sem_alloc : memref<!tpu.dma_semaphore, #tpu.memory_space<semaphore_mem>>
        %dma_start3A_158 = arith.constant 0 : i32
        %dma_start3A_159 = arith.constant 0 : i32
        %dma_start3A_160 = tpu.memref_slice %arg21[%dma_start3A_158, %dma_start3A_159] : memref<10240x128xf32, #tpu.memory_space<vmem_shared>> -> memref<10240x128xf32, #tpu.memory_space<vmem_shared>>
        tpu.enqueue_indirect_dma source(%arg19 : memref<64x128xf32, #tpu.memory_space<vmem>>) target(%dma_start3A_160 : memref<10240x128xf32, #tpu.memory_space<vmem_shared>>) offsets(%arg16 : memref<64xi32, #tpu.memory_space<vmem>>) semaphore(%run_scoped3A : memref<!tpu.dma_semaphore, #tpu.memory_space<semaphore_mem>>) {add = true}
        %dma_wait3A_161 = arith.constant 0 : i32
        %dma_wait3A_162 = arith.constant 0 : i32
        %dma_wait3A_163 = tpu.memref_slice %arg21[%dma_wait3A_161, %dma_wait3A_162] : memref<10240x128xf32, #tpu.memory_space<vmem_shared>> -> memref<10240x128xf32, #tpu.memory_space<vmem_shared>>
        tpu.wait_indirect_dma semaphore(%run_scoped3A : memref<!tpu.dma_semaphore, #tpu.memory_space<semaphore_mem>>) src(%arg19 : memref<64x128xf32, #tpu.memory_space<vmem>>) dst(%dma_wait3A_163 : memref<10240x128xf32, #tpu.memory_space<vmem_shared>>)
        tpu.yield
      }) : () -> ()
    }
    %scan3A_66 = arith.constant 79 : i32
    %dma_wait3A = arith.constant 0 : i32
    %dma_wait3A_67 = arith.constant 0 : i32
    %dma_wait3A_68 = tpu.memref_slice %arg4[%dma_wait3A, %dma_wait3A_67] : memref<10240x128xf32, #tpu.memory_space<hbm>> -> memref<10240x128xf32, #tpu.memory_space<hbm>>
    tpu.wait_indirect_dma semaphore(%arg23 : memref<!tpu.dma_semaphore, #tpu.memory_space<semaphore_mem>>) src(%dma_wait3A_68 : memref<10240x128xf32, #tpu.memory_space<hbm>>) dst(%arg13 : memref<64x128xf32, #tpu.memory_space<vmem>>)
    %dma_wait3A_69 = arith.constant 0 : i32
    %dma_wait3A_70 = arith.constant 0 : i32
    %dma_wait3A_71 = tpu.memref_slice %arg5[%dma_wait3A_69, %dma_wait3A_70] : memref<10240x16xf32, #tpu.memory_space<hbm>> -> memref<10240x16xf32, #tpu.memory_space<hbm>>
    tpu.wait_indirect_dma semaphore(%arg23 : memref<!tpu.dma_semaphore, #tpu.memory_space<semaphore_mem>>) src(%dma_wait3A_71 : memref<10240x16xf32, #tpu.memory_space<hbm>>) dst(%arg11 : memref<64x16xf32, #tpu.memory_space<vmem>>)
    %dma_wait3A_72 = arith.constant 0 : i32
    %dma_wait3A_73 = arith.constant 0 : i32
    %dma_wait3A_74 = tpu.memref_slice %arg6[%dma_wait3A_72, %dma_wait3A_73] : memref<10240x16xf32, #tpu.memory_space<hbm>> -> memref<10240x16xf32, #tpu.memory_space<hbm>>
    tpu.wait_indirect_dma semaphore(%arg23 : memref<!tpu.dma_semaphore, #tpu.memory_space<semaphore_mem>>) src(%dma_wait3A_74 : memref<10240x16xf32, #tpu.memory_space<hbm>>) dst(%arg12 : memref<64x16xf32, #tpu.memory_space<vmem>>)
    %barrier3A_75 = arith.constant 0 : index
    tpu.barrier barrier_id(%barrier3A_75)
    %add3A_76 = arith.constant 0 : i32
    %add3A_77 = arith.addi %mul3A_7, %add3A_76 : i32
    "tpu.region"() ({
      %run_scoped3A = tpu.sem_alloc : memref<!tpu.dma_semaphore, #tpu.memory_space<semaphore_mem>>
      %dma_start3A_96 = arith.constant 0 : i32
      %dma_start3A_97 = tpu.memref_slice %arg21[%add3A_77, %dma_start3A_96] : memref<10240x128xf32, #tpu.memory_space<vmem_shared>> -> memref<64x128xf32, #tpu.memory_space<vmem_shared>>
      %dma_start3A_98 = arith.constant 0 : i32
      %dma_start3A_99 = tpu.memref_slice %arg21[%add3A_77, %dma_start3A_98] : memref<10240x128xf32, #tpu.memory_space<vmem_shared>> -> memref<64x128xf32, #tpu.memory_space<vmem_shared>>
      tpu.enqueue_dma source(%dma_start3A_99 : memref<64x128xf32, #tpu.memory_space<vmem_shared>>) target(%arg13 : memref<64x128xf32, #tpu.memory_space<vmem>>) target_semaphore(%run_scoped3A : memref<!tpu.dma_semaphore, #tpu.memory_space<semaphore_mem>>)
      %dma_wait3A_100 = arith.constant 0 : i32
      %dma_wait3A_101 = tpu.memref_slice %arg21[%add3A_77, %dma_wait3A_100] : memref<10240x128xf32, #tpu.memory_space<vmem_shared>> -> memref<64x128xf32, #tpu.memory_space<vmem_shared>>
      %dma_wait3A_102 = arith.constant 0 : i32
      %dma_wait3A_103 = tpu.memref_slice %arg21[%add3A_77, %dma_wait3A_102] : memref<10240x128xf32, #tpu.memory_space<vmem_shared>> -> memref<64x128xf32, #tpu.memory_space<vmem_shared>>
      tpu.wait_dma2 semaphore(%run_scoped3A : memref<!tpu.dma_semaphore, #tpu.memory_space<semaphore_mem>>) src(%dma_wait3A_103 : memref<64x128xf32, #tpu.memory_space<vmem_shared>>) dst(%arg13 : memref<64x128xf32, #tpu.memory_space<vmem>>)
      tpu.yield
    }) : () -> ()
    "tpu.region"() ({
      %run_scoped3A = tpu.sem_alloc : memref<!tpu.dma_semaphore, #tpu.memory_space<semaphore_mem>>
      %dma_start3A_96 = arith.constant 0 : i32
      %dma_start3A_97 = tpu.memref_slice %arg7[%arg0, %add3A_77, %dma_start3A_96] : memref<2x10240x128xf32, #tpu.memory_space<hbm>> -> memref<1x64x128xf32, #tpu.memory_space<hbm>>
      %dma_start3A_98 = tpu.memref_squeeze %dma_start3A_97 : memref<1x64x128xf32, #tpu.memory_space<hbm>> -> memref<64x128xf32, #tpu.memory_space<hbm>>
      %dma_start3A_99 = arith.constant 0 : i32
      %dma_start3A_100 = tpu.memref_slice %arg7[%arg0, %add3A_77, %dma_start3A_99] : memref<2x10240x128xf32, #tpu.memory_space<hbm>> -> memref<1x64x128xf32, #tpu.memory_space<hbm>>
      %dma_start3A_101 = tpu.memref_squeeze %dma_start3A_100 : memref<1x64x128xf32, #tpu.memory_space<hbm>> -> memref<64x128xf32, #tpu.memory_space<hbm>>
      tpu.enqueue_dma source(%arg13 : memref<64x128xf32, #tpu.memory_space<vmem>>) target(%dma_start3A_101 : memref<64x128xf32, #tpu.memory_space<hbm>>) target_semaphore(%run_scoped3A : memref<!tpu.dma_semaphore, #tpu.memory_space<semaphore_mem>>)
      %dma_wait3A_102 = arith.constant 0 : i32
      %dma_wait3A_103 = tpu.memref_slice %arg7[%arg0, %add3A_77, %dma_wait3A_102] : memref<2x10240x128xf32, #tpu.memory_space<hbm>> -> memref<1x64x128xf32, #tpu.memory_space<hbm>>
      %dma_wait3A_104 = tpu.memref_squeeze %dma_wait3A_103 : memref<1x64x128xf32, #tpu.memory_space<hbm>> -> memref<64x128xf32, #tpu.memory_space<hbm>>
      %dma_wait3A_105 = arith.constant 0 : i32
      %dma_wait3A_106 = tpu.memref_slice %arg7[%arg0, %add3A_77, %dma_wait3A_105] : memref<2x10240x128xf32, #tpu.memory_space<hbm>> -> memref<1x64x128xf32, #tpu.memory_space<hbm>>
      %dma_wait3A_107 = tpu.memref_squeeze %dma_wait3A_106 : memref<1x64x128xf32, #tpu.memory_space<hbm>> -> memref<64x128xf32, #tpu.memory_space<hbm>>
      tpu.wait_dma2 semaphore(%run_scoped3A : memref<!tpu.dma_semaphore, #tpu.memory_space<semaphore_mem>>) src(%arg13 : memref<64x128xf32, #tpu.memory_space<vmem>>) dst(%dma_wait3A_107 : memref<64x128xf32, #tpu.memory_space<hbm>>)
      tpu.yield
    }) : () -> ()
    "tpu.region"() ({
      %run_scoped3A = tpu.sem_alloc : memref<!tpu.dma_semaphore, #tpu.memory_space<semaphore_mem>>
      %dma_start3A_96 = arith.constant 0 : i32
      %dma_start3A_97 = tpu.memref_slice %arg22[%add3A_77, %dma_start3A_96] : memref<10240x16xf32, #tpu.memory_space<vmem_shared>> -> memref<64x16xf32, #tpu.memory_space<vmem_shared>>
      %dma_start3A_98 = arith.constant 0 : i32
      %dma_start3A_99 = tpu.memref_slice %arg22[%add3A_77, %dma_start3A_98] : memref<10240x16xf32, #tpu.memory_space<vmem_shared>> -> memref<64x16xf32, #tpu.memory_space<vmem_shared>>
      tpu.enqueue_dma source(%dma_start3A_99 : memref<64x16xf32, #tpu.memory_space<vmem_shared>>) target(%arg14 : memref<64x16xf32, #tpu.memory_space<vmem>>) target_semaphore(%run_scoped3A : memref<!tpu.dma_semaphore, #tpu.memory_space<semaphore_mem>>)
      %dma_wait3A_100 = arith.constant 0 : i32
      %dma_wait3A_101 = tpu.memref_slice %arg22[%add3A_77, %dma_wait3A_100] : memref<10240x16xf32, #tpu.memory_space<vmem_shared>> -> memref<64x16xf32, #tpu.memory_space<vmem_shared>>
      %dma_wait3A_102 = arith.constant 0 : i32
      %dma_wait3A_103 = tpu.memref_slice %arg22[%add3A_77, %dma_wait3A_102] : memref<10240x16xf32, #tpu.memory_space<vmem_shared>> -> memref<64x16xf32, #tpu.memory_space<vmem_shared>>
      tpu.wait_dma2 semaphore(%run_scoped3A : memref<!tpu.dma_semaphore, #tpu.memory_space<semaphore_mem>>) src(%dma_wait3A_103 : memref<64x16xf32, #tpu.memory_space<vmem_shared>>) dst(%arg14 : memref<64x16xf32, #tpu.memory_space<vmem>>)
      tpu.yield
    }) : () -> ()
    "tpu.region"() ({
      %run_scoped3A = tpu.sem_alloc : memref<!tpu.dma_semaphore, #tpu.memory_space<semaphore_mem>>
      %dma_start3A_96 = arith.constant 0 : i32
      %dma_start3A_97 = tpu.memref_slice %arg8[%arg0, %add3A_77, %dma_start3A_96] : memref<2x10240x16xf32, #tpu.memory_space<hbm>> -> memref<1x64x16xf32, #tpu.memory_space<hbm>>
      %dma_start3A_98 = tpu.memref_squeeze %dma_start3A_97 : memref<1x64x16xf32, #tpu.memory_space<hbm>> -> memref<64x16xf32, #tpu.memory_space<hbm>>
      %dma_start3A_99 = arith.constant 0 : i32
      %dma_start3A_100 = tpu.memref_slice %arg8[%arg0, %add3A_77, %dma_start3A_99] : memref<2x10240x16xf32, #tpu.memory_space<hbm>> -> memref<1x64x16xf32, #tpu.memory_space<hbm>>
      %dma_start3A_101 = tpu.memref_squeeze %dma_start3A_100 : memref<1x64x16xf32, #tpu.memory_space<hbm>> -> memref<64x16xf32, #tpu.memory_space<hbm>>
      tpu.enqueue_dma source(%arg14 : memref<64x16xf32, #tpu.memory_space<vmem>>) target(%dma_start3A_101 : memref<64x16xf32, #tpu.memory_space<hbm>>) target_semaphore(%run_scoped3A : memref<!tpu.dma_semaphore, #tpu.memory_space<semaphore_mem>>)
      %dma_wait3A_102 = arith.constant 0 : i32
      %dma_wait3A_103 = tpu.memref_slice %arg8[%arg0, %add3A_77, %dma_wait3A_102] : memref<2x10240x16xf32, #tpu.memory_space<hbm>> -> memref<1x64x16xf32, #tpu.memory_space<hbm>>
      %dma_wait3A_104 = tpu.memref_squeeze %dma_wait3A_103 : memref<1x64x16xf32, #tpu.memory_space<hbm>> -> memref<64x16xf32, #tpu.memory_space<hbm>>
      %dma_wait3A_105 = arith.constant 0 : i32
      %dma_wait3A_106 = tpu.memref_slice %arg8[%arg0, %add3A_77, %dma_wait3A_105] : memref<2x10240x16xf32, #tpu.memory_space<hbm>> -> memref<1x64x16xf32, #tpu.memory_space<hbm>>
      %dma_wait3A_107 = tpu.memref_squeeze %dma_wait3A_106 : memref<1x64x16xf32, #tpu.memory_space<hbm>> -> memref<64x16xf32, #tpu.memory_space<hbm>>
      tpu.wait_dma2 semaphore(%run_scoped3A : memref<!tpu.dma_semaphore, #tpu.memory_space<semaphore_mem>>) src(%arg14 : memref<64x16xf32, #tpu.memory_space<vmem>>) dst(%dma_wait3A_107 : memref<64x16xf32, #tpu.memory_space<hbm>>)
      tpu.yield
    }) : () -> ()
    %add3A_78 = arith.constant 64 : i32
    %add3A_79 = arith.addi %mul3A_7, %add3A_78 : i32
    "tpu.region"() ({
      %run_scoped3A = tpu.sem_alloc : memref<!tpu.dma_semaphore, #tpu.memory_space<semaphore_mem>>
      %dma_start3A_96 = arith.constant 0 : i32
      %dma_start3A_97 = tpu.memref_slice %arg21[%add3A_79, %dma_start3A_96] : memref<10240x128xf32, #tpu.memory_space<vmem_shared>> -> memref<64x128xf32, #tpu.memory_space<vmem_shared>>
      %dma_start3A_98 = arith.constant 0 : i32
      %dma_start3A_99 = tpu.memref_slice %arg21[%add3A_79, %dma_start3A_98] : memref<10240x128xf32, #tpu.memory_space<vmem_shared>> -> memref<64x128xf32, #tpu.memory_space<vmem_shared>>
      tpu.enqueue_dma source(%dma_start3A_99 : memref<64x128xf32, #tpu.memory_space<vmem_shared>>) target(%arg13 : memref<64x128xf32, #tpu.memory_space<vmem>>) target_semaphore(%run_scoped3A : memref<!tpu.dma_semaphore, #tpu.memory_space<semaphore_mem>>)
      %dma_wait3A_100 = arith.constant 0 : i32
      %dma_wait3A_101 = tpu.memref_slice %arg21[%add3A_79, %dma_wait3A_100] : memref<10240x128xf32, #tpu.memory_space<vmem_shared>> -> memref<64x128xf32, #tpu.memory_space<vmem_shared>>
      %dma_wait3A_102 = arith.constant 0 : i32
      %dma_wait3A_103 = tpu.memref_slice %arg21[%add3A_79, %dma_wait3A_102] : memref<10240x128xf32, #tpu.memory_space<vmem_shared>> -> memref<64x128xf32, #tpu.memory_space<vmem_shared>>
      tpu.wait_dma2 semaphore(%run_scoped3A : memref<!tpu.dma_semaphore, #tpu.memory_space<semaphore_mem>>) src(%dma_wait3A_103 : memref<64x128xf32, #tpu.memory_space<vmem_shared>>) dst(%arg13 : memref<64x128xf32, #tpu.memory_space<vmem>>)
      tpu.yield
    }) : () -> ()
    "tpu.region"() ({
      %run_scoped3A = tpu.sem_alloc : memref<!tpu.dma_semaphore, #tpu.memory_space<semaphore_mem>>
      %dma_start3A_96 = arith.constant 0 : i32
      %dma_start3A_97 = tpu.memref_slice %arg7[%arg0, %add3A_79, %dma_start3A_96] : memref<2x10240x128xf32, #tpu.memory_space<hbm>> -> memref<1x64x128xf32, #tpu.memory_space<hbm>>
      %dma_start3A_98 = tpu.memref_squeeze %dma_start3A_97 : memref<1x64x128xf32, #tpu.memory_space<hbm>> -> memref<64x128xf32, #tpu.memory_space<hbm>>
      %dma_start3A_99 = arith.constant 0 : i32
      %dma_start3A_100 = tpu.memref_slice %arg7[%arg0, %add3A_79, %dma_start3A_99] : memref<2x10240x128xf32, #tpu.memory_space<hbm>> -> memref<1x64x128xf32, #tpu.memory_space<hbm>>
      %dma_start3A_101 = tpu.memref_squeeze %dma_start3A_100 : memref<1x64x128xf32, #tpu.memory_space<hbm>> -> memref<64x128xf32, #tpu.memory_space<hbm>>
      tpu.enqueue_dma source(%arg13 : memref<64x128xf32, #tpu.memory_space<vmem>>) target(%dma_start3A_101 : memref<64x128xf32, #tpu.memory_space<hbm>>) target_semaphore(%run_scoped3A : memref<!tpu.dma_semaphore, #tpu.memory_space<semaphore_mem>>)
      %dma_wait3A_102 = arith.constant 0 : i32
      %dma_wait3A_103 = tpu.memref_slice %arg7[%arg0, %add3A_79, %dma_wait3A_102] : memref<2x10240x128xf32, #tpu.memory_space<hbm>> -> memref<1x64x128xf32, #tpu.memory_space<hbm>>
      %dma_wait3A_104 = tpu.memref_squeeze %dma_wait3A_103 : memref<1x64x128xf32, #tpu.memory_space<hbm>> -> memref<64x128xf32, #tpu.memory_space<hbm>>
      %dma_wait3A_105 = arith.constant 0 : i32
      %dma_wait3A_106 = tpu.memref_slice %arg7[%arg0, %add3A_79, %dma_wait3A_105] : memref<2x10240x128xf32, #tpu.memory_space<hbm>> -> memref<1x64x128xf32, #tpu.memory_space<hbm>>
      %dma_wait3A_107 = tpu.memref_squeeze %dma_wait3A_106 : memref<1x64x128xf32, #tpu.memory_space<hbm>> -> memref<64x128xf32, #tpu.memory_space<hbm>>
      tpu.wait_dma2 semaphore(%run_scoped3A : memref<!tpu.dma_semaphore, #tpu.memory_space<semaphore_mem>>) src(%arg13 : memref<64x128xf32, #tpu.memory_space<vmem>>) dst(%dma_wait3A_107 : memref<64x128xf32, #tpu.memory_space<hbm>>)
      tpu.yield
    }) : () -> ()
    "tpu.region"() ({
      %run_scoped3A = tpu.sem_alloc : memref<!tpu.dma_semaphore, #tpu.memory_space<semaphore_mem>>
      %dma_start3A_96 = arith.constant 0 : i32
      %dma_start3A_97 = tpu.memref_slice %arg22[%add3A_79, %dma_start3A_96] : memref<10240x16xf32, #tpu.memory_space<vmem_shared>> -> memref<64x16xf32, #tpu.memory_space<vmem_shared>>
      %dma_start3A_98 = arith.constant 0 : i32
      %dma_start3A_99 = tpu.memref_slice %arg22[%add3A_79, %dma_start3A_98] : memref<10240x16xf32, #tpu.memory_space<vmem_shared>> -> memref<64x16xf32, #tpu.memory_space<vmem_shared>>
      tpu.enqueue_dma source(%dma_start3A_99 : memref<64x16xf32, #tpu.memory_space<vmem_shared>>) target(%arg14 : memref<64x16xf32, #tpu.memory_space<vmem>>) target_semaphore(%run_scoped3A : memref<!tpu.dma_semaphore, #tpu.memory_space<semaphore_mem>>)
      %dma_wait3A_100 = arith.constant 0 : i32
      %dma_wait3A_101 = tpu.memref_slice %arg22[%add3A_79, %dma_wait3A_100] : memref<10240x16xf32, #tpu.memory_space<vmem_shared>> -> memref<64x16xf32, #tpu.memory_space<vmem_shared>>
      %dma_wait3A_102 = arith.constant 0 : i32
      %dma_wait3A_103 = tpu.memref_slice %arg22[%add3A_79, %dma_wait3A_102] : memref<10240x16xf32, #tpu.memory_space<vmem_shared>> -> memref<64x16xf32, #tpu.memory_space<vmem_shared>>
      tpu.wait_dma2 semaphore(%run_scoped3A : memref<!tpu.dma_semaphore, #tpu.memory_space<semaphore_mem>>) src(%dma_wait3A_103 : memref<64x16xf32, #tpu.memory_space<vmem_shared>>) dst(%arg14 : memref<64x16xf32, #tpu.memory_space<vmem>>)
      tpu.yield
    }) : () -> ()
    "tpu.region"() ({
      %run_scoped3A = tpu.sem_alloc : memref<!tpu.dma_semaphore, #tpu.memory_space<semaphore_mem>>
      %dma_start3A_96 = arith.constant 0 : i32
      %dma_start3A_97 = tpu.memref_slice %arg8[%arg0, %add3A_79, %dma_start3A_96] : memref<2x10240x16xf32, #tpu.memory_space<hbm>> -> memref<1x64x16xf32, #tpu.memory_space<hbm>>
      %dma_start3A_98 = tpu.memref_squeeze %dma_start3A_97 : memref<1x64x16xf32, #tpu.memory_space<hbm>> -> memref<64x16xf32, #tpu.memory_space<hbm>>
      %dma_start3A_99 = arith.constant 0 : i32
      %dma_start3A_100 = tpu.memref_slice %arg8[%arg0, %add3A_79, %dma_start3A_99] : memref<2x10240x16xf32, #tpu.memory_space<hbm>> -> memref<1x64x16xf32, #tpu.memory_space<hbm>>
      %dma_start3A_101 = tpu.memref_squeeze %dma_start3A_100 : memref<1x64x16xf32, #tpu.memory_space<hbm>> -> memref<64x16xf32, #tpu.memory_space<hbm>>
      tpu.enqueue_dma source(%arg14 : memref<64x16xf32, #tpu.memory_space<vmem>>) target(%dma_start3A_101 : memref<64x16xf32, #tpu.memory_space<hbm>>) target_semaphore(%run_scoped3A : memref<!tpu.dma_semaphore, #tpu.memory_space<semaphore_mem>>)
      %dma_wait3A_102 = arith.constant 0 : i32
      %dma_wait3A_103 = tpu.memref_slice %arg8[%arg0, %add3A_79, %dma_wait3A_102] : memref<2x10240x16xf32, #tpu.memory_space<hbm>> -> memref<1x64x16xf32, #tpu.memory_space<hbm>>
      %dma_wait3A_104 = tpu.memref_squeeze %dma_wait3A_103 : memref<1x64x16xf32, #tpu.memory_space<hbm>> -> memref<64x16xf32, #tpu.memory_space<hbm>>
      %dma_wait3A_105 = arith.constant 0 : i32
      %dma_wait3A_106 = tpu.memref_slice %arg8[%arg0, %add3A_79, %dma_wait3A_105] : memref<2x10240x16xf32, #tpu.memory_space<hbm>> -> memref<1x64x16xf32, #tpu.memory_space<hbm>>
      %dma_wait3A_107 = tpu.memref_squeeze %dma_wait3A_106 : memref<1x64x16xf32, #tpu.memory_space<hbm>> -> memref<64x16xf32, #tpu.memory_space<hbm>>
      tpu.wait_dma2 semaphore(%run_scoped3A : memref<!tpu.dma_semaphore, #tpu.memory_space<semaphore_mem>>) src(%arg14 : memref<64x16xf32, #tpu.memory_space<vmem>>) dst(%dma_wait3A_107 : memref<64x16xf32, #tpu.memory_space<hbm>>)
      tpu.yield
    }) : () -> ()
    %add3A_80 = arith.constant 128 : i32
    %add3A_81 = arith.addi %mul3A_7, %add3A_80 : i32
    "tpu.region"() ({
      %run_scoped3A = tpu.sem_alloc : memref<!tpu.dma_semaphore, #tpu.memory_space<semaphore_mem>>
      %dma_start3A_96 = arith.constant 0 : i32
      %dma_start3A_97 = tpu.memref_slice %arg21[%add3A_81, %dma_start3A_96] : memref<10240x128xf32, #tpu.memory_space<vmem_shared>> -> memref<64x128xf32, #tpu.memory_space<vmem_shared>>
      %dma_start3A_98 = arith.constant 0 : i32
      %dma_start3A_99 = tpu.memref_slice %arg21[%add3A_81, %dma_start3A_98] : memref<10240x128xf32, #tpu.memory_space<vmem_shared>> -> memref<64x128xf32, #tpu.memory_space<vmem_shared>>
      tpu.enqueue_dma source(%dma_start3A_99 : memref<64x128xf32, #tpu.memory_space<vmem_shared>>) target(%arg13 : memref<64x128xf32, #tpu.memory_space<vmem>>) target_semaphore(%run_scoped3A : memref<!tpu.dma_semaphore, #tpu.memory_space<semaphore_mem>>)
      %dma_wait3A_100 = arith.constant 0 : i32
      %dma_wait3A_101 = tpu.memref_slice %arg21[%add3A_81, %dma_wait3A_100] : memref<10240x128xf32, #tpu.memory_space<vmem_shared>> -> memref<64x128xf32, #tpu.memory_space<vmem_shared>>
      %dma_wait3A_102 = arith.constant 0 : i32
      %dma_wait3A_103 = tpu.memref_slice %arg21[%add3A_81, %dma_wait3A_102] : memref<10240x128xf32, #tpu.memory_space<vmem_shared>> -> memref<64x128xf32, #tpu.memory_space<vmem_shared>>
      tpu.wait_dma2 semaphore(%run_scoped3A : memref<!tpu.dma_semaphore, #tpu.memory_space<semaphore_mem>>) src(%dma_wait3A_103 : memref<64x128xf32, #tpu.memory_space<vmem_shared>>) dst(%arg13 : memref<64x128xf32, #tpu.memory_space<vmem>>)
      tpu.yield
    }) : () -> ()
    "tpu.region"() ({
      %run_scoped3A = tpu.sem_alloc : memref<!tpu.dma_semaphore, #tpu.memory_space<semaphore_mem>>
      %dma_start3A_96 = arith.constant 0 : i32
      %dma_start3A_97 = tpu.memref_slice %arg7[%arg0, %add3A_81, %dma_start3A_96] : memref<2x10240x128xf32, #tpu.memory_space<hbm>> -> memref<1x64x128xf32, #tpu.memory_space<hbm>>
      %dma_start3A_98 = tpu.memref_squeeze %dma_start3A_97 : memref<1x64x128xf32, #tpu.memory_space<hbm>> -> memref<64x128xf32, #tpu.memory_space<hbm>>
      %dma_start3A_99 = arith.constant 0 : i32
      %dma_start3A_100 = tpu.memref_slice %arg7[%arg0, %add3A_81, %dma_start3A_99] : memref<2x10240x128xf32, #tpu.memory_space<hbm>> -> memref<1x64x128xf32, #tpu.memory_space<hbm>>
      %dma_start3A_101 = tpu.memref_squeeze %dma_start3A_100 : memref<1x64x128xf32, #tpu.memory_space<hbm>> -> memref<64x128xf32, #tpu.memory_space<hbm>>
      tpu.enqueue_dma source(%arg13 : memref<64x128xf32, #tpu.memory_space<vmem>>) target(%dma_start3A_101 : memref<64x128xf32, #tpu.memory_space<hbm>>) target_semaphore(%run_scoped3A : memref<!tpu.dma_semaphore, #tpu.memory_space<semaphore_mem>>)
      %dma_wait3A_102 = arith.constant 0 : i32
      %dma_wait3A_103 = tpu.memref_slice %arg7[%arg0, %add3A_81, %dma_wait3A_102] : memref<2x10240x128xf32, #tpu.memory_space<hbm>> -> memref<1x64x128xf32, #tpu.memory_space<hbm>>
      %dma_wait3A_104 = tpu.memref_squeeze %dma_wait3A_103 : memref<1x64x128xf32, #tpu.memory_space<hbm>> -> memref<64x128xf32, #tpu.memory_space<hbm>>
      %dma_wait3A_105 = arith.constant 0 : i32
      %dma_wait3A_106 = tpu.memref_slice %arg7[%arg0, %add3A_81, %dma_wait3A_105] : memref<2x10240x128xf32, #tpu.memory_space<hbm>> -> memref<1x64x128xf32, #tpu.memory_space<hbm>>
      %dma_wait3A_107 = tpu.memref_squeeze %dma_wait3A_106 : memref<1x64x128xf32, #tpu.memory_space<hbm>> -> memref<64x128xf32, #tpu.memory_space<hbm>>
      tpu.wait_dma2 semaphore(%run_scoped3A : memref<!tpu.dma_semaphore, #tpu.memory_space<semaphore_mem>>) src(%arg13 : memref<64x128xf32, #tpu.memory_space<vmem>>) dst(%dma_wait3A_107 : memref<64x128xf32, #tpu.memory_space<hbm>>)
      tpu.yield
    }) : () -> ()
    "tpu.region"() ({
      %run_scoped3A = tpu.sem_alloc : memref<!tpu.dma_semaphore, #tpu.memory_space<semaphore_mem>>
      %dma_start3A_96 = arith.constant 0 : i32
      %dma_start3A_97 = tpu.memref_slice %arg22[%add3A_81, %dma_start3A_96] : memref<10240x16xf32, #tpu.memory_space<vmem_shared>> -> memref<64x16xf32, #tpu.memory_space<vmem_shared>>
      %dma_start3A_98 = arith.constant 0 : i32
      %dma_start3A_99 = tpu.memref_slice %arg22[%add3A_81, %dma_start3A_98] : memref<10240x16xf32, #tpu.memory_space<vmem_shared>> -> memref<64x16xf32, #tpu.memory_space<vmem_shared>>
      tpu.enqueue_dma source(%dma_start3A_99 : memref<64x16xf32, #tpu.memory_space<vmem_shared>>) target(%arg14 : memref<64x16xf32, #tpu.memory_space<vmem>>) target_semaphore(%run_scoped3A : memref<!tpu.dma_semaphore, #tpu.memory_space<semaphore_mem>>)
      %dma_wait3A_100 = arith.constant 0 : i32
      %dma_wait3A_101 = tpu.memref_slice %arg22[%add3A_81, %dma_wait3A_100] : memref<10240x16xf32, #tpu.memory_space<vmem_shared>> -> memref<64x16xf32, #tpu.memory_space<vmem_shared>>
      %dma_wait3A_102 = arith.constant 0 : i32
      %dma_wait3A_103 = tpu.memref_slice %arg22[%add3A_81, %dma_wait3A_102] : memref<10240x16xf32, #tpu.memory_space<vmem_shared>> -> memref<64x16xf32, #tpu.memory_space<vmem_shared>>
      tpu.wait_dma2 semaphore(%run_scoped3A : memref<!tpu.dma_semaphore, #tpu.memory_space<semaphore_mem>>) src(%dma_wait3A_103 : memref<64x16xf32, #tpu.memory_space<vmem_shared>>) dst(%arg14 : memref<64x16xf32, #tpu.memory_space<vmem>>)
      tpu.yield
    }) : () -> ()
    "tpu.region"() ({
      %run_scoped3A = tpu.sem_alloc : memref<!tpu.dma_semaphore, #tpu.memory_space<semaphore_mem>>
      %dma_start3A_96 = arith.constant 0 : i32
      %dma_start3A_97 = tpu.memref_slice %arg8[%arg0, %add3A_81, %dma_start3A_96] : memref<2x10240x16xf32, #tpu.memory_space<hbm>> -> memref<1x64x16xf32, #tpu.memory_space<hbm>>
      %dma_start3A_98 = tpu.memref_squeeze %dma_start3A_97 : memref<1x64x16xf32, #tpu.memory_space<hbm>> -> memref<64x16xf32, #tpu.memory_space<hbm>>
      %dma_start3A_99 = arith.constant 0 : i32
      %dma_start3A_100 = tpu.memref_slice %arg8[%arg0, %add3A_81, %dma_start3A_99] : memref<2x10240x16xf32, #tpu.memory_space<hbm>> -> memref<1x64x16xf32, #tpu.memory_space<hbm>>
      %dma_start3A_101 = tpu.memref_squeeze %dma_start3A_100 : memref<1x64x16xf32, #tpu.memory_space<hbm>> -> memref<64x16xf32, #tpu.memory_space<hbm>>
      tpu.enqueue_dma source(%arg14 : memref<64x16xf32, #tpu.memory_space<vmem>>) target(%dma_start3A_101 : memref<64x16xf32, #tpu.memory_space<hbm>>) target_semaphore(%run_scoped3A : memref<!tpu.dma_semaphore, #tpu.memory_space<semaphore_mem>>)
      %dma_wait3A_102 = arith.constant 0 : i32
      %dma_wait3A_103 = tpu.memref_slice %arg8[%arg0, %add3A_81, %dma_wait3A_102] : memref<2x10240x16xf32, #tpu.memory_space<hbm>> -> memref<1x64x16xf32, #tpu.memory_space<hbm>>
      %dma_wait3A_104 = tpu.memref_squeeze %dma_wait3A_103 : memref<1x64x16xf32, #tpu.memory_space<hbm>> -> memref<64x16xf32, #tpu.memory_space<hbm>>
      %dma_wait3A_105 = arith.constant 0 : i32
      %dma_wait3A_106 = tpu.memref_slice %arg8[%arg0, %add3A_81, %dma_wait3A_105] : memref<2x10240x16xf32, #tpu.memory_space<hbm>> -> memref<1x64x16xf32, #tpu.memory_space<hbm>>
      %dma_wait3A_107 = tpu.memref_squeeze %dma_wait3A_106 : memref<1x64x16xf32, #tpu.memory_space<hbm>> -> memref<64x16xf32, #tpu.memory_space<hbm>>
      tpu.wait_dma2 semaphore(%run_scoped3A : memref<!tpu.dma_semaphore, #tpu.memory_space<semaphore_mem>>) src(%arg14 : memref<64x16xf32, #tpu.memory_space<vmem>>) dst(%dma_wait3A_107 : memref<64x16xf32, #tpu.memory_space<hbm>>)
      tpu.yield
    }) : () -> ()
    %add3A_82 = arith.constant 192 : i32
    %add3A_83 = arith.addi %mul3A_7, %add3A_82 : i32
    "tpu.region"() ({
      %run_scoped3A = tpu.sem_alloc : memref<!tpu.dma_semaphore, #tpu.memory_space<semaphore_mem>>
      %dma_start3A_96 = arith.constant 0 : i32
      %dma_start3A_97 = tpu.memref_slice %arg21[%add3A_83, %dma_start3A_96] : memref<10240x128xf32, #tpu.memory_space<vmem_shared>> -> memref<64x128xf32, #tpu.memory_space<vmem_shared>>
      %dma_start3A_98 = arith.constant 0 : i32
      %dma_start3A_99 = tpu.memref_slice %arg21[%add3A_83, %dma_start3A_98] : memref<10240x128xf32, #tpu.memory_space<vmem_shared>> -> memref<64x128xf32, #tpu.memory_space<vmem_shared>>
      tpu.enqueue_dma source(%dma_start3A_99 : memref<64x128xf32, #tpu.memory_space<vmem_shared>>) target(%arg13 : memref<64x128xf32, #tpu.memory_space<vmem>>) target_semaphore(%run_scoped3A : memref<!tpu.dma_semaphore, #tpu.memory_space<semaphore_mem>>)
      %dma_wait3A_100 = arith.constant 0 : i32
      %dma_wait3A_101 = tpu.memref_slice %arg21[%add3A_83, %dma_wait3A_100] : memref<10240x128xf32, #tpu.memory_space<vmem_shared>> -> memref<64x128xf32, #tpu.memory_space<vmem_shared>>
      %dma_wait3A_102 = arith.constant 0 : i32
      %dma_wait3A_103 = tpu.memref_slice %arg21[%add3A_83, %dma_wait3A_102] : memref<10240x128xf32, #tpu.memory_space<vmem_shared>> -> memref<64x128xf32, #tpu.memory_space<vmem_shared>>
      tpu.wait_dma2 semaphore(%run_scoped3A : memref<!tpu.dma_semaphore, #tpu.memory_space<semaphore_mem>>) src(%dma_wait3A_103 : memref<64x128xf32, #tpu.memory_space<vmem_shared>>) dst(%arg13 : memref<64x128xf32, #tpu.memory_space<vmem>>)
      tpu.yield
    }) : () -> ()
    "tpu.region"() ({
      %run_scoped3A = tpu.sem_alloc : memref<!tpu.dma_semaphore, #tpu.memory_space<semaphore_mem>>
      %dma_start3A_96 = arith.constant 0 : i32
      %dma_start3A_97 = tpu.memref_slice %arg7[%arg0, %add3A_83, %dma_start3A_96] : memref<2x10240x128xf32, #tpu.memory_space<hbm>> -> memref<1x64x128xf32, #tpu.memory_space<hbm>>
      %dma_start3A_98 = tpu.memref_squeeze %dma_start3A_97 : memref<1x64x128xf32, #tpu.memory_space<hbm>> -> memref<64x128xf32, #tpu.memory_space<hbm>>
      %dma_start3A_99 = arith.constant 0 : i32
      %dma_start3A_100 = tpu.memref_slice %arg7[%arg0, %add3A_83, %dma_start3A_99] : memref<2x10240x128xf32, #tpu.memory_space<hbm>> -> memref<1x64x128xf32, #tpu.memory_space<hbm>>
      %dma_start3A_101 = tpu.memref_squeeze %dma_start3A_100 : memref<1x64x128xf32, #tpu.memory_space<hbm>> -> memref<64x128xf32, #tpu.memory_space<hbm>>
      tpu.enqueue_dma source(%arg13 : memref<64x128xf32, #tpu.memory_space<vmem>>) target(%dma_start3A_101 : memref<64x128xf32, #tpu.memory_space<hbm>>) target_semaphore(%run_scoped3A : memref<!tpu.dma_semaphore, #tpu.memory_space<semaphore_mem>>)
      %dma_wait3A_102 = arith.constant 0 : i32
      %dma_wait3A_103 = tpu.memref_slice %arg7[%arg0, %add3A_83, %dma_wait3A_102] : memref<2x10240x128xf32, #tpu.memory_space<hbm>> -> memref<1x64x128xf32, #tpu.memory_space<hbm>>
      %dma_wait3A_104 = tpu.memref_squeeze %dma_wait3A_103 : memref<1x64x128xf32, #tpu.memory_space<hbm>> -> memref<64x128xf32, #tpu.memory_space<hbm>>
      %dma_wait3A_105 = arith.constant 0 : i32
      %dma_wait3A_106 = tpu.memref_slice %arg7[%arg0, %add3A_83, %dma_wait3A_105] : memref<2x10240x128xf32, #tpu.memory_space<hbm>> -> memref<1x64x128xf32, #tpu.memory_space<hbm>>
      %dma_wait3A_107 = tpu.memref_squeeze %dma_wait3A_106 : memref<1x64x128xf32, #tpu.memory_space<hbm>> -> memref<64x128xf32, #tpu.memory_space<hbm>>
      tpu.wait_dma2 semaphore(%run_scoped3A : memref<!tpu.dma_semaphore, #tpu.memory_space<semaphore_mem>>) src(%arg13 : memref<64x128xf32, #tpu.memory_space<vmem>>) dst(%dma_wait3A_107 : memref<64x128xf32, #tpu.memory_space<hbm>>)
      tpu.yield
    }) : () -> ()
    "tpu.region"() ({
      %run_scoped3A = tpu.sem_alloc : memref<!tpu.dma_semaphore, #tpu.memory_space<semaphore_mem>>
      %dma_start3A_96 = arith.constant 0 : i32
      %dma_start3A_97 = tpu.memref_slice %arg22[%add3A_83, %dma_start3A_96] : memref<10240x16xf32, #tpu.memory_space<vmem_shared>> -> memref<64x16xf32, #tpu.memory_space<vmem_shared>>
      %dma_start3A_98 = arith.constant 0 : i32
      %dma_start3A_99 = tpu.memref_slice %arg22[%add3A_83, %dma_start3A_98] : memref<10240x16xf32, #tpu.memory_space<vmem_shared>> -> memref<64x16xf32, #tpu.memory_space<vmem_shared>>
      tpu.enqueue_dma source(%dma_start3A_99 : memref<64x16xf32, #tpu.memory_space<vmem_shared>>) target(%arg14 : memref<64x16xf32, #tpu.memory_space<vmem>>) target_semaphore(%run_scoped3A : memref<!tpu.dma_semaphore, #tpu.memory_space<semaphore_mem>>)
      %dma_wait3A_100 = arith.constant 0 : i32
      %dma_wait3A_101 = tpu.memref_slice %arg22[%add3A_83, %dma_wait3A_100] : memref<10240x16xf32, #tpu.memory_space<vmem_shared>> -> memref<64x16xf32, #tpu.memory_space<vmem_shared>>
      %dma_wait3A_102 = arith.constant 0 : i32
      %dma_wait3A_103 = tpu.memref_slice %arg22[%add3A_83, %dma_wait3A_102] : memref<10240x16xf32, #tpu.memory_space<vmem_shared>> -> memref<64x16xf32, #tpu.memory_space<vmem_shared>>
      tpu.wait_dma2 semaphore(%run_scoped3A : memref<!tpu.dma_semaphore, #tpu.memory_space<semaphore_mem>>) src(%dma_wait3A_103 : memref<64x16xf32, #tpu.memory_space<vmem_shared>>) dst(%arg14 : memref<64x16xf32, #tpu.memory_space<vmem>>)
      tpu.yield
    }) : () -> ()
    "tpu.region"() ({
      %run_scoped3A = tpu.sem_alloc : memref<!tpu.dma_semaphore, #tpu.memory_space<semaphore_mem>>
      %dma_start3A_96 = arith.constant 0 : i32
      %dma_start3A_97 = tpu.memref_slice %arg8[%arg0, %add3A_83, %dma_start3A_96] : memref<2x10240x16xf32, #tpu.memory_space<hbm>> -> memref<1x64x16xf32, #tpu.memory_space<hbm>>
      %dma_start3A_98 = tpu.memref_squeeze %dma_start3A_97 : memref<1x64x16xf32, #tpu.memory_space<hbm>> -> memref<64x16xf32, #tpu.memory_space<hbm>>
      %dma_start3A_99 = arith.constant 0 : i32
      %dma_start3A_100 = tpu.memref_slice %arg8[%arg0, %add3A_83, %dma_start3A_99] : memref<2x10240x16xf32, #tpu.memory_space<hbm>> -> memref<1x64x16xf32, #tpu.memory_space<hbm>>
      %dma_start3A_101 = tpu.memref_squeeze %dma_start3A_100 : memref<1x64x16xf32, #tpu.memory_space<hbm>> -> memref<64x16xf32, #tpu.memory_space<hbm>>
      tpu.enqueue_dma source(%arg14 : memref<64x16xf32, #tpu.memory_space<vmem>>) target(%dma_start3A_101 : memref<64x16xf32, #tpu.memory_space<hbm>>) target_semaphore(%run_scoped3A : memref<!tpu.dma_semaphore, #tpu.memory_space<semaphore_mem>>)
      %dma_wait3A_102 = arith.constant 0 : i32
      %dma_wait3A_103 = tpu.memref_slice %arg8[%arg0, %add3A_83, %dma_wait3A_102] : memref<2x10240x16xf32, #tpu.memory_space<hbm>> -> memref<1x64x16xf32, #tpu.memory_space<hbm>>
      %dma_wait3A_104 = tpu.memref_squeeze %dma_wait3A_103 : memref<1x64x16xf32, #tpu.memory_space<hbm>> -> memref<64x16xf32, #tpu.memory_space<hbm>>
      %dma_wait3A_105 = arith.constant 0 : i32
      %dma_wait3A_106 = tpu.memref_slice %arg8[%arg0, %add3A_83, %dma_wait3A_105] : memref<2x10240x16xf32, #tpu.memory_space<hbm>> -> memref<1x64x16xf32, #tpu.memory_space<hbm>>
      %dma_wait3A_107 = tpu.memref_squeeze %dma_wait3A_106 : memref<1x64x16xf32, #tpu.memory_space<hbm>> -> memref<64x16xf32, #tpu.memory_space<hbm>>
      tpu.wait_dma2 semaphore(%run_scoped3A : memref<!tpu.dma_semaphore, #tpu.memory_space<semaphore_mem>>) src(%arg14 : memref<64x16xf32, #tpu.memory_space<vmem>>) dst(%dma_wait3A_107 : memref<64x16xf32, #tpu.memory_space<hbm>>)
      tpu.yield
    }) : () -> ()
    %add3A_84 = arith.constant 256 : i32
    %add3A_85 = arith.addi %mul3A_7, %add3A_84 : i32
    "tpu.region"() ({
      %run_scoped3A = tpu.sem_alloc : memref<!tpu.dma_semaphore, #tpu.memory_space<semaphore_mem>>
      %dma_start3A_96 = arith.constant 0 : i32
      %dma_start3A_97 = tpu.memref_slice %arg21[%add3A_85, %dma_start3A_96] : memref<10240x128xf32, #tpu.memory_space<vmem_shared>> -> memref<64x128xf32, #tpu.memory_space<vmem_shared>>
      %dma_start3A_98 = arith.constant 0 : i32
      %dma_start3A_99 = tpu.memref_slice %arg21[%add3A_85, %dma_start3A_98] : memref<10240x128xf32, #tpu.memory_space<vmem_shared>> -> memref<64x128xf32, #tpu.memory_space<vmem_shared>>
      tpu.enqueue_dma source(%dma_start3A_99 : memref<64x128xf32, #tpu.memory_space<vmem_shared>>) target(%arg13 : memref<64x128xf32, #tpu.memory_space<vmem>>) target_semaphore(%run_scoped3A : memref<!tpu.dma_semaphore, #tpu.memory_space<semaphore_mem>>)
      %dma_wait3A_100 = arith.constant 0 : i32
      %dma_wait3A_101 = tpu.memref_slice %arg21[%add3A_85, %dma_wait3A_100] : memref<10240x128xf32, #tpu.memory_space<vmem_shared>> -> memref<64x128xf32, #tpu.memory_space<vmem_shared>>
      %dma_wait3A_102 = arith.constant 0 : i32
      %dma_wait3A_103 = tpu.memref_slice %arg21[%add3A_85, %dma_wait3A_102] : memref<10240x128xf32, #tpu.memory_space<vmem_shared>> -> memref<64x128xf32, #tpu.memory_space<vmem_shared>>
      tpu.wait_dma2 semaphore(%run_scoped3A : memref<!tpu.dma_semaphore, #tpu.memory_space<semaphore_mem>>) src(%dma_wait3A_103 : memref<64x128xf32, #tpu.memory_space<vmem_shared>>) dst(%arg13 : memref<64x128xf32, #tpu.memory_space<vmem>>)
      tpu.yield
    }) : () -> ()
    "tpu.region"() ({
      %run_scoped3A = tpu.sem_alloc : memref<!tpu.dma_semaphore, #tpu.memory_space<semaphore_mem>>
      %dma_start3A_96 = arith.constant 0 : i32
      %dma_start3A_97 = tpu.memref_slice %arg7[%arg0, %add3A_85, %dma_start3A_96] : memref<2x10240x128xf32, #tpu.memory_space<hbm>> -> memref<1x64x128xf32, #tpu.memory_space<hbm>>
      %dma_start3A_98 = tpu.memref_squeeze %dma_start3A_97 : memref<1x64x128xf32, #tpu.memory_space<hbm>> -> memref<64x128xf32, #tpu.memory_space<hbm>>
      %dma_start3A_99 = arith.constant 0 : i32
      %dma_start3A_100 = tpu.memref_slice %arg7[%arg0, %add3A_85, %dma_start3A_99] : memref<2x10240x128xf32, #tpu.memory_space<hbm>> -> memref<1x64x128xf32, #tpu.memory_space<hbm>>
      %dma_start3A_101 = tpu.memref_squeeze %dma_start3A_100 : memref<1x64x128xf32, #tpu.memory_space<hbm>> -> memref<64x128xf32, #tpu.memory_space<hbm>>
      tpu.enqueue_dma source(%arg13 : memref<64x128xf32, #tpu.memory_space<vmem>>) target(%dma_start3A_101 : memref<64x128xf32, #tpu.memory_space<hbm>>) target_semaphore(%run_scoped3A : memref<!tpu.dma_semaphore, #tpu.memory_space<semaphore_mem>>)
      %dma_wait3A_102 = arith.constant 0 : i32
      %dma_wait3A_103 = tpu.memref_slice %arg7[%arg0, %add3A_85, %dma_wait3A_102] : memref<2x10240x128xf32, #tpu.memory_space<hbm>> -> memref<1x64x128xf32, #tpu.memory_space<hbm>>
      %dma_wait3A_104 = tpu.memref_squeeze %dma_wait3A_103 : memref<1x64x128xf32, #tpu.memory_space<hbm>> -> memref<64x128xf32, #tpu.memory_space<hbm>>
      %dma_wait3A_105 = arith.constant 0 : i32
      %dma_wait3A_106 = tpu.memref_slice %arg7[%arg0, %add3A_85, %dma_wait3A_105] : memref<2x10240x128xf32, #tpu.memory_space<hbm>> -> memref<1x64x128xf32, #tpu.memory_space<hbm>>
      %dma_wait3A_107 = tpu.memref_squeeze %dma_wait3A_106 : memref<1x64x128xf32, #tpu.memory_space<hbm>> -> memref<64x128xf32, #tpu.memory_space<hbm>>
      tpu.wait_dma2 semaphore(%run_scoped3A : memref<!tpu.dma_semaphore, #tpu.memory_space<semaphore_mem>>) src(%arg13 : memref<64x128xf32, #tpu.memory_space<vmem>>) dst(%dma_wait3A_107 : memref<64x128xf32, #tpu.memory_space<hbm>>)
      tpu.yield
    }) : () -> ()
    "tpu.region"() ({
      %run_scoped3A = tpu.sem_alloc : memref<!tpu.dma_semaphore, #tpu.memory_space<semaphore_mem>>
      %dma_start3A_96 = arith.constant 0 : i32
      %dma_start3A_97 = tpu.memref_slice %arg22[%add3A_85, %dma_start3A_96] : memref<10240x16xf32, #tpu.memory_space<vmem_shared>> -> memref<64x16xf32, #tpu.memory_space<vmem_shared>>
      %dma_start3A_98 = arith.constant 0 : i32
      %dma_start3A_99 = tpu.memref_slice %arg22[%add3A_85, %dma_start3A_98] : memref<10240x16xf32, #tpu.memory_space<vmem_shared>> -> memref<64x16xf32, #tpu.memory_space<vmem_shared>>
      tpu.enqueue_dma source(%dma_start3A_99 : memref<64x16xf32, #tpu.memory_space<vmem_shared>>) target(%arg14 : memref<64x16xf32, #tpu.memory_space<vmem>>) target_semaphore(%run_scoped3A : memref<!tpu.dma_semaphore, #tpu.memory_space<semaphore_mem>>)
      %dma_wait3A_100 = arith.constant 0 : i32
      %dma_wait3A_101 = tpu.memref_slice %arg22[%add3A_85, %dma_wait3A_100] : memref<10240x16xf32, #tpu.memory_space<vmem_shared>> -> memref<64x16xf32, #tpu.memory_space<vmem_shared>>
      %dma_wait3A_102 = arith.constant 0 : i32
      %dma_wait3A_103 = tpu.memref_slice %arg22[%add3A_85, %dma_wait3A_102] : memref<10240x16xf32, #tpu.memory_space<vmem_shared>> -> memref<64x16xf32, #tpu.memory_space<vmem_shared>>
      tpu.wait_dma2 semaphore(%run_scoped3A : memref<!tpu.dma_semaphore, #tpu.memory_space<semaphore_mem>>) src(%dma_wait3A_103 : memref<64x16xf32, #tpu.memory_space<vmem_shared>>) dst(%arg14 : memref<64x16xf32, #tpu.memory_space<vmem>>)
      tpu.yield
    }) : () -> ()
    "tpu.region"() ({
      %run_scoped3A = tpu.sem_alloc : memref<!tpu.dma_semaphore, #tpu.memory_space<semaphore_mem>>
      %dma_start3A_96 = arith.constant 0 : i32
      %dma_start3A_97 = tpu.memref_slice %arg8[%arg0, %add3A_85, %dma_start3A_96] : memref<2x10240x16xf32, #tpu.memory_space<hbm>> -> memref<1x64x16xf32, #tpu.memory_space<hbm>>
      %dma_start3A_98 = tpu.memref_squeeze %dma_start3A_97 : memref<1x64x16xf32, #tpu.memory_space<hbm>> -> memref<64x16xf32, #tpu.memory_space<hbm>>
      %dma_start3A_99 = arith.constant 0 : i32
      %dma_start3A_100 = tpu.memref_slice %arg8[%arg0, %add3A_85, %dma_start3A_99] : memref<2x10240x16xf32, #tpu.memory_space<hbm>> -> memref<1x64x16xf32, #tpu.memory_space<hbm>>
      %dma_start3A_101 = tpu.memref_squeeze %dma_start3A_100 : memref<1x64x16xf32, #tpu.memory_space<hbm>> -> memref<64x16xf32, #tpu.memory_space<hbm>>
      tpu.enqueue_dma source(%arg14 : memref<64x16xf32, #tpu.memory_space<vmem>>) target(%dma_start3A_101 : memref<64x16xf32, #tpu.memory_space<hbm>>) target_semaphore(%run_scoped3A : memref<!tpu.dma_semaphore, #tpu.memory_space<semaphore_mem>>)
      %dma_wait3A_102 = arith.constant 0 : i32
      %dma_wait3A_103 = tpu.memref_slice %arg8[%arg0, %add3A_85, %dma_wait3A_102] : memref<2x10240x16xf32, #tpu.memory_space<hbm>> -> memref<1x64x16xf32, #tpu.memory_space<hbm>>
      %dma_wait3A_104 = tpu.memref_squeeze %dma_wait3A_103 : memref<1x64x16xf32, #tpu.memory_space<hbm>> -> memref<64x16xf32, #tpu.memory_space<hbm>>
      %dma_wait3A_105 = arith.constant 0 : i32
      %dma_wait3A_106 = tpu.memref_slice %arg8[%arg0, %add3A_85, %dma_wait3A_105] : memref<2x10240x16xf32, #tpu.memory_space<hbm>> -> memref<1x64x16xf32, #tpu.memory_space<hbm>>
      %dma_wait3A_107 = tpu.memref_squeeze %dma_wait3A_106 : memref<1x64x16xf32, #tpu.memory_space<hbm>> -> memref<64x16xf32, #tpu.memory_space<hbm>>
      tpu.wait_dma2 semaphore(%run_scoped3A : memref<!tpu.dma_semaphore, #tpu.memory_space<semaphore_mem>>) src(%arg14 : memref<64x16xf32, #tpu.memory_space<vmem>>) dst(%dma_wait3A_107 : memref<64x16xf32, #tpu.memory_space<hbm>>)
      tpu.yield
    }) : () -> ()
    %add3A_86 = arith.constant 320 : i32
    %add3A_87 = arith.addi %mul3A_7, %add3A_86 : i32
    "tpu.region"() ({
      %run_scoped3A = tpu.sem_alloc : memref<!tpu.dma_semaphore, #tpu.memory_space<semaphore_mem>>
      %dma_start3A_96 = arith.constant 0 : i32
      %dma_start3A_97 = tpu.memref_slice %arg21[%add3A_87, %dma_start3A_96] : memref<10240x128xf32, #tpu.memory_space<vmem_shared>> -> memref<64x128xf32, #tpu.memory_space<vmem_shared>>
      %dma_start3A_98 = arith.constant 0 : i32
      %dma_start3A_99 = tpu.memref_slice %arg21[%add3A_87, %dma_start3A_98] : memref<10240x128xf32, #tpu.memory_space<vmem_shared>> -> memref<64x128xf32, #tpu.memory_space<vmem_shared>>
      tpu.enqueue_dma source(%dma_start3A_99 : memref<64x128xf32, #tpu.memory_space<vmem_shared>>) target(%arg13 : memref<64x128xf32, #tpu.memory_space<vmem>>) target_semaphore(%run_scoped3A : memref<!tpu.dma_semaphore, #tpu.memory_space<semaphore_mem>>)
      %dma_wait3A_100 = arith.constant 0 : i32
      %dma_wait3A_101 = tpu.memref_slice %arg21[%add3A_87, %dma_wait3A_100] : memref<10240x128xf32, #tpu.memory_space<vmem_shared>> -> memref<64x128xf32, #tpu.memory_space<vmem_shared>>
      %dma_wait3A_102 = arith.constant 0 : i32
      %dma_wait3A_103 = tpu.memref_slice %arg21[%add3A_87, %dma_wait3A_102] : memref<10240x128xf32, #tpu.memory_space<vmem_shared>> -> memref<64x128xf32, #tpu.memory_space<vmem_shared>>
      tpu.wait_dma2 semaphore(%run_scoped3A : memref<!tpu.dma_semaphore, #tpu.memory_space<semaphore_mem>>) src(%dma_wait3A_103 : memref<64x128xf32, #tpu.memory_space<vmem_shared>>) dst(%arg13 : memref<64x128xf32, #tpu.memory_space<vmem>>)
      tpu.yield
    }) : () -> ()
    "tpu.region"() ({
      %run_scoped3A = tpu.sem_alloc : memref<!tpu.dma_semaphore, #tpu.memory_space<semaphore_mem>>
      %dma_start3A_96 = arith.constant 0 : i32
      %dma_start3A_97 = tpu.memref_slice %arg7[%arg0, %add3A_87, %dma_start3A_96] : memref<2x10240x128xf32, #tpu.memory_space<hbm>> -> memref<1x64x128xf32, #tpu.memory_space<hbm>>
      %dma_start3A_98 = tpu.memref_squeeze %dma_start3A_97 : memref<1x64x128xf32, #tpu.memory_space<hbm>> -> memref<64x128xf32, #tpu.memory_space<hbm>>
      %dma_start3A_99 = arith.constant 0 : i32
      %dma_start3A_100 = tpu.memref_slice %arg7[%arg0, %add3A_87, %dma_start3A_99] : memref<2x10240x128xf32, #tpu.memory_space<hbm>> -> memref<1x64x128xf32, #tpu.memory_space<hbm>>
      %dma_start3A_101 = tpu.memref_squeeze %dma_start3A_100 : memref<1x64x128xf32, #tpu.memory_space<hbm>> -> memref<64x128xf32, #tpu.memory_space<hbm>>
      tpu.enqueue_dma source(%arg13 : memref<64x128xf32, #tpu.memory_space<vmem>>) target(%dma_start3A_101 : memref<64x128xf32, #tpu.memory_space<hbm>>) target_semaphore(%run_scoped3A : memref<!tpu.dma_semaphore, #tpu.memory_space<semaphore_mem>>)
      %dma_wait3A_102 = arith.constant 0 : i32
      %dma_wait3A_103 = tpu.memref_slice %arg7[%arg0, %add3A_87, %dma_wait3A_102] : memref<2x10240x128xf32, #tpu.memory_space<hbm>> -> memref<1x64x128xf32, #tpu.memory_space<hbm>>
      %dma_wait3A_104 = tpu.memref_squeeze %dma_wait3A_103 : memref<1x64x128xf32, #tpu.memory_space<hbm>> -> memref<64x128xf32, #tpu.memory_space<hbm>>
      %dma_wait3A_105 = arith.constant 0 : i32
      %dma_wait3A_106 = tpu.memref_slice %arg7[%arg0, %add3A_87, %dma_wait3A_105] : memref<2x10240x128xf32, #tpu.memory_space<hbm>> -> memref<1x64x128xf32, #tpu.memory_space<hbm>>
      %dma_wait3A_107 = tpu.memref_squeeze %dma_wait3A_106 : memref<1x64x128xf32, #tpu.memory_space<hbm>> -> memref<64x128xf32, #tpu.memory_space<hbm>>
      tpu.wait_dma2 semaphore(%run_scoped3A : memref<!tpu.dma_semaphore, #tpu.memory_space<semaphore_mem>>) src(%arg13 : memref<64x128xf32, #tpu.memory_space<vmem>>) dst(%dma_wait3A_107 : memref<64x128xf32, #tpu.memory_space<hbm>>)
      tpu.yield
    }) : () -> ()
    "tpu.region"() ({
      %run_scoped3A = tpu.sem_alloc : memref<!tpu.dma_semaphore, #tpu.memory_space<semaphore_mem>>
      %dma_start3A_96 = arith.constant 0 : i32
      %dma_start3A_97 = tpu.memref_slice %arg22[%add3A_87, %dma_start3A_96] : memref<10240x16xf32, #tpu.memory_space<vmem_shared>> -> memref<64x16xf32, #tpu.memory_space<vmem_shared>>
      %dma_start3A_98 = arith.constant 0 : i32
      %dma_start3A_99 = tpu.memref_slice %arg22[%add3A_87, %dma_start3A_98] : memref<10240x16xf32, #tpu.memory_space<vmem_shared>> -> memref<64x16xf32, #tpu.memory_space<vmem_shared>>
      tpu.enqueue_dma source(%dma_start3A_99 : memref<64x16xf32, #tpu.memory_space<vmem_shared>>) target(%arg14 : memref<64x16xf32, #tpu.memory_space<vmem>>) target_semaphore(%run_scoped3A : memref<!tpu.dma_semaphore, #tpu.memory_space<semaphore_mem>>)
      %dma_wait3A_100 = arith.constant 0 : i32
      %dma_wait3A_101 = tpu.memref_slice %arg22[%add3A_87, %dma_wait3A_100] : memref<10240x16xf32, #tpu.memory_space<vmem_shared>> -> memref<64x16xf32, #tpu.memory_space<vmem_shared>>
      %dma_wait3A_102 = arith.constant 0 : i32
      %dma_wait3A_103 = tpu.memref_slice %arg22[%add3A_87, %dma_wait3A_102] : memref<10240x16xf32, #tpu.memory_space<vmem_shared>> -> memref<64x16xf32, #tpu.memory_space<vmem_shared>>
      tpu.wait_dma2 semaphore(%run_scoped3A : memref<!tpu.dma_semaphore, #tpu.memory_space<semaphore_mem>>) src(%dma_wait3A_103 : memref<64x16xf32, #tpu.memory_space<vmem_shared>>) dst(%arg14 : memref<64x16xf32, #tpu.memory_space<vmem>>)
      tpu.yield
    }) : () -> ()
    "tpu.region"() ({
      %run_scoped3A = tpu.sem_alloc : memref<!tpu.dma_semaphore, #tpu.memory_space<semaphore_mem>>
      %dma_start3A_96 = arith.constant 0 : i32
      %dma_start3A_97 = tpu.memref_slice %arg8[%arg0, %add3A_87, %dma_start3A_96] : memref<2x10240x16xf32, #tpu.memory_space<hbm>> -> memref<1x64x16xf32, #tpu.memory_space<hbm>>
      %dma_start3A_98 = tpu.memref_squeeze %dma_start3A_97 : memref<1x64x16xf32, #tpu.memory_space<hbm>> -> memref<64x16xf32, #tpu.memory_space<hbm>>
      %dma_start3A_99 = arith.constant 0 : i32
      %dma_start3A_100 = tpu.memref_slice %arg8[%arg0, %add3A_87, %dma_start3A_99] : memref<2x10240x16xf32, #tpu.memory_space<hbm>> -> memref<1x64x16xf32, #tpu.memory_space<hbm>>
      %dma_start3A_101 = tpu.memref_squeeze %dma_start3A_100 : memref<1x64x16xf32, #tpu.memory_space<hbm>> -> memref<64x16xf32, #tpu.memory_space<hbm>>
      tpu.enqueue_dma source(%arg14 : memref<64x16xf32, #tpu.memory_space<vmem>>) target(%dma_start3A_101 : memref<64x16xf32, #tpu.memory_space<hbm>>) target_semaphore(%run_scoped3A : memref<!tpu.dma_semaphore, #tpu.memory_space<semaphore_mem>>)
      %dma_wait3A_102 = arith.constant 0 : i32
      %dma_wait3A_103 = tpu.memref_slice %arg8[%arg0, %add3A_87, %dma_wait3A_102] : memref<2x10240x16xf32, #tpu.memory_space<hbm>> -> memref<1x64x16xf32, #tpu.memory_space<hbm>>
      %dma_wait3A_104 = tpu.memref_squeeze %dma_wait3A_103 : memref<1x64x16xf32, #tpu.memory_space<hbm>> -> memref<64x16xf32, #tpu.memory_space<hbm>>
      %dma_wait3A_105 = arith.constant 0 : i32
      %dma_wait3A_106 = tpu.memref_slice %arg8[%arg0, %add3A_87, %dma_wait3A_105] : memref<2x10240x16xf32, #tpu.memory_space<hbm>> -> memref<1x64x16xf32, #tpu.memory_space<hbm>>
      %dma_wait3A_107 = tpu.memref_squeeze %dma_wait3A_106 : memref<1x64x16xf32, #tpu.memory_space<hbm>> -> memref<64x16xf32, #tpu.memory_space<hbm>>
      tpu.wait_dma2 semaphore(%run_scoped3A : memref<!tpu.dma_semaphore, #tpu.memory_space<semaphore_mem>>) src(%arg14 : memref<64x16xf32, #tpu.memory_space<vmem>>) dst(%dma_wait3A_107 : memref<64x16xf32, #tpu.memory_space<hbm>>)
      tpu.yield
    }) : () -> ()
    %add3A_88 = arith.constant 384 : i32
    %add3A_89 = arith.addi %mul3A_7, %add3A_88 : i32
    "tpu.region"() ({
      %run_scoped3A = tpu.sem_alloc : memref<!tpu.dma_semaphore, #tpu.memory_space<semaphore_mem>>
      %dma_start3A_96 = arith.constant 0 : i32
      %dma_start3A_97 = tpu.memref_slice %arg21[%add3A_89, %dma_start3A_96] : memref<10240x128xf32, #tpu.memory_space<vmem_shared>> -> memref<64x128xf32, #tpu.memory_space<vmem_shared>>
      %dma_start3A_98 = arith.constant 0 : i32
      %dma_start3A_99 = tpu.memref_slice %arg21[%add3A_89, %dma_start3A_98] : memref<10240x128xf32, #tpu.memory_space<vmem_shared>> -> memref<64x128xf32, #tpu.memory_space<vmem_shared>>
      tpu.enqueue_dma source(%dma_start3A_99 : memref<64x128xf32, #tpu.memory_space<vmem_shared>>) target(%arg13 : memref<64x128xf32, #tpu.memory_space<vmem>>) target_semaphore(%run_scoped3A : memref<!tpu.dma_semaphore, #tpu.memory_space<semaphore_mem>>)
      %dma_wait3A_100 = arith.constant 0 : i32
      %dma_wait3A_101 = tpu.memref_slice %arg21[%add3A_89, %dma_wait3A_100] : memref<10240x128xf32, #tpu.memory_space<vmem_shared>> -> memref<64x128xf32, #tpu.memory_space<vmem_shared>>
      %dma_wait3A_102 = arith.constant 0 : i32
      %dma_wait3A_103 = tpu.memref_slice %arg21[%add3A_89, %dma_wait3A_102] : memref<10240x128xf32, #tpu.memory_space<vmem_shared>> -> memref<64x128xf32, #tpu.memory_space<vmem_shared>>
      tpu.wait_dma2 semaphore(%run_scoped3A : memref<!tpu.dma_semaphore, #tpu.memory_space<semaphore_mem>>) src(%dma_wait3A_103 : memref<64x128xf32, #tpu.memory_space<vmem_shared>>) dst(%arg13 : memref<64x128xf32, #tpu.memory_space<vmem>>)
      tpu.yield
    }) : () -> ()
    "tpu.region"() ({
      %run_scoped3A = tpu.sem_alloc : memref<!tpu.dma_semaphore, #tpu.memory_space<semaphore_mem>>
      %dma_start3A_96 = arith.constant 0 : i32
      %dma_start3A_97 = tpu.memref_slice %arg7[%arg0, %add3A_89, %dma_start3A_96] : memref<2x10240x128xf32, #tpu.memory_space<hbm>> -> memref<1x64x128xf32, #tpu.memory_space<hbm>>
      %dma_start3A_98 = tpu.memref_squeeze %dma_start3A_97 : memref<1x64x128xf32, #tpu.memory_space<hbm>> -> memref<64x128xf32, #tpu.memory_space<hbm>>
      %dma_start3A_99 = arith.constant 0 : i32
      %dma_start3A_100 = tpu.memref_slice %arg7[%arg0, %add3A_89, %dma_start3A_99] : memref<2x10240x128xf32, #tpu.memory_space<hbm>> -> memref<1x64x128xf32, #tpu.memory_space<hbm>>
      %dma_start3A_101 = tpu.memref_squeeze %dma_start3A_100 : memref<1x64x128xf32, #tpu.memory_space<hbm>> -> memref<64x128xf32, #tpu.memory_space<hbm>>
      tpu.enqueue_dma source(%arg13 : memref<64x128xf32, #tpu.memory_space<vmem>>) target(%dma_start3A_101 : memref<64x128xf32, #tpu.memory_space<hbm>>) target_semaphore(%run_scoped3A : memref<!tpu.dma_semaphore, #tpu.memory_space<semaphore_mem>>)
      %dma_wait3A_102 = arith.constant 0 : i32
      %dma_wait3A_103 = tpu.memref_slice %arg7[%arg0, %add3A_89, %dma_wait3A_102] : memref<2x10240x128xf32, #tpu.memory_space<hbm>> -> memref<1x64x128xf32, #tpu.memory_space<hbm>>
      %dma_wait3A_104 = tpu.memref_squeeze %dma_wait3A_103 : memref<1x64x128xf32, #tpu.memory_space<hbm>> -> memref<64x128xf32, #tpu.memory_space<hbm>>
      %dma_wait3A_105 = arith.constant 0 : i32
      %dma_wait3A_106 = tpu.memref_slice %arg7[%arg0, %add3A_89, %dma_wait3A_105] : memref<2x10240x128xf32, #tpu.memory_space<hbm>> -> memref<1x64x128xf32, #tpu.memory_space<hbm>>
      %dma_wait3A_107 = tpu.memref_squeeze %dma_wait3A_106 : memref<1x64x128xf32, #tpu.memory_space<hbm>> -> memref<64x128xf32, #tpu.memory_space<hbm>>
      tpu.wait_dma2 semaphore(%run_scoped3A : memref<!tpu.dma_semaphore, #tpu.memory_space<semaphore_mem>>) src(%arg13 : memref<64x128xf32, #tpu.memory_space<vmem>>) dst(%dma_wait3A_107 : memref<64x128xf32, #tpu.memory_space<hbm>>)
      tpu.yield
    }) : () -> ()
    "tpu.region"() ({
      %run_scoped3A = tpu.sem_alloc : memref<!tpu.dma_semaphore, #tpu.memory_space<semaphore_mem>>
      %dma_start3A_96 = arith.constant 0 : i32
      %dma_start3A_97 = tpu.memref_slice %arg22[%add3A_89, %dma_start3A_96] : memref<10240x16xf32, #tpu.memory_space<vmem_shared>> -> memref<64x16xf32, #tpu.memory_space<vmem_shared>>
      %dma_start3A_98 = arith.constant 0 : i32
      %dma_start3A_99 = tpu.memref_slice %arg22[%add3A_89, %dma_start3A_98] : memref<10240x16xf32, #tpu.memory_space<vmem_shared>> -> memref<64x16xf32, #tpu.memory_space<vmem_shared>>
      tpu.enqueue_dma source(%dma_start3A_99 : memref<64x16xf32, #tpu.memory_space<vmem_shared>>) target(%arg14 : memref<64x16xf32, #tpu.memory_space<vmem>>) target_semaphore(%run_scoped3A : memref<!tpu.dma_semaphore, #tpu.memory_space<semaphore_mem>>)
      %dma_wait3A_100 = arith.constant 0 : i32
      %dma_wait3A_101 = tpu.memref_slice %arg22[%add3A_89, %dma_wait3A_100] : memref<10240x16xf32, #tpu.memory_space<vmem_shared>> -> memref<64x16xf32, #tpu.memory_space<vmem_shared>>
      %dma_wait3A_102 = arith.constant 0 : i32
      %dma_wait3A_103 = tpu.memref_slice %arg22[%add3A_89, %dma_wait3A_102] : memref<10240x16xf32, #tpu.memory_space<vmem_shared>> -> memref<64x16xf32, #tpu.memory_space<vmem_shared>>
      tpu.wait_dma2 semaphore(%run_scoped3A : memref<!tpu.dma_semaphore, #tpu.memory_space<semaphore_mem>>) src(%dma_wait3A_103 : memref<64x16xf32, #tpu.memory_space<vmem_shared>>) dst(%arg14 : memref<64x16xf32, #tpu.memory_space<vmem>>)
      tpu.yield
    }) : () -> ()
    "tpu.region"() ({
      %run_scoped3A = tpu.sem_alloc : memref<!tpu.dma_semaphore, #tpu.memory_space<semaphore_mem>>
      %dma_start3A_96 = arith.constant 0 : i32
      %dma_start3A_97 = tpu.memref_slice %arg8[%arg0, %add3A_89, %dma_start3A_96] : memref<2x10240x16xf32, #tpu.memory_space<hbm>> -> memref<1x64x16xf32, #tpu.memory_space<hbm>>
      %dma_start3A_98 = tpu.memref_squeeze %dma_start3A_97 : memref<1x64x16xf32, #tpu.memory_space<hbm>> -> memref<64x16xf32, #tpu.memory_space<hbm>>
      %dma_start3A_99 = arith.constant 0 : i32
      %dma_start3A_100 = tpu.memref_slice %arg8[%arg0, %add3A_89, %dma_start3A_99] : memref<2x10240x16xf32, #tpu.memory_space<hbm>> -> memref<1x64x16xf32, #tpu.memory_space<hbm>>
      %dma_start3A_101 = tpu.memref_squeeze %dma_start3A_100 : memref<1x64x16xf32, #tpu.memory_space<hbm>> -> memref<64x16xf32, #tpu.memory_space<hbm>>
      tpu.enqueue_dma source(%arg14 : memref<64x16xf32, #tpu.memory_space<vmem>>) target(%dma_start3A_101 : memref<64x16xf32, #tpu.memory_space<hbm>>) target_semaphore(%run_scoped3A : memref<!tpu.dma_semaphore, #tpu.memory_space<semaphore_mem>>)
      %dma_wait3A_102 = arith.constant 0 : i32
      %dma_wait3A_103 = tpu.memref_slice %arg8[%arg0, %add3A_89, %dma_wait3A_102] : memref<2x10240x16xf32, #tpu.memory_space<hbm>> -> memref<1x64x16xf32, #tpu.memory_space<hbm>>
      %dma_wait3A_104 = tpu.memref_squeeze %dma_wait3A_103 : memref<1x64x16xf32, #tpu.memory_space<hbm>> -> memref<64x16xf32, #tpu.memory_space<hbm>>
      %dma_wait3A_105 = arith.constant 0 : i32
      %dma_wait3A_106 = tpu.memref_slice %arg8[%arg0, %add3A_89, %dma_wait3A_105] : memref<2x10240x16xf32, #tpu.memory_space<hbm>> -> memref<1x64x16xf32, #tpu.memory_space<hbm>>
      %dma_wait3A_107 = tpu.memref_squeeze %dma_wait3A_106 : memref<1x64x16xf32, #tpu.memory_space<hbm>> -> memref<64x16xf32, #tpu.memory_space<hbm>>
      tpu.wait_dma2 semaphore(%run_scoped3A : memref<!tpu.dma_semaphore, #tpu.memory_space<semaphore_mem>>) src(%arg14 : memref<64x16xf32, #tpu.memory_space<vmem>>) dst(%dma_wait3A_107 : memref<64x16xf32, #tpu.memory_space<hbm>>)
      tpu.yield
    }) : () -> ()
    %add3A_90 = arith.constant 448 : i32
    %add3A_91 = arith.addi %mul3A_7, %add3A_90 : i32
    "tpu.region"() ({
      %run_scoped3A = tpu.sem_alloc : memref<!tpu.dma_semaphore, #tpu.memory_space<semaphore_mem>>
      %dma_start3A_96 = arith.constant 0 : i32
      %dma_start3A_97 = tpu.memref_slice %arg21[%add3A_91, %dma_start3A_96] : memref<10240x128xf32, #tpu.memory_space<vmem_shared>> -> memref<64x128xf32, #tpu.memory_space<vmem_shared>>
      %dma_start3A_98 = arith.constant 0 : i32
      %dma_start3A_99 = tpu.memref_slice %arg21[%add3A_91, %dma_start3A_98] : memref<10240x128xf32, #tpu.memory_space<vmem_shared>> -> memref<64x128xf32, #tpu.memory_space<vmem_shared>>
      tpu.enqueue_dma source(%dma_start3A_99 : memref<64x128xf32, #tpu.memory_space<vmem_shared>>) target(%arg13 : memref<64x128xf32, #tpu.memory_space<vmem>>) target_semaphore(%run_scoped3A : memref<!tpu.dma_semaphore, #tpu.memory_space<semaphore_mem>>)
      %dma_wait3A_100 = arith.constant 0 : i32
      %dma_wait3A_101 = tpu.memref_slice %arg21[%add3A_91, %dma_wait3A_100] : memref<10240x128xf32, #tpu.memory_space<vmem_shared>> -> memref<64x128xf32, #tpu.memory_space<vmem_shared>>
      %dma_wait3A_102 = arith.constant 0 : i32
      %dma_wait3A_103 = tpu.memref_slice %arg21[%add3A_91, %dma_wait3A_102] : memref<10240x128xf32, #tpu.memory_space<vmem_shared>> -> memref<64x128xf32, #tpu.memory_space<vmem_shared>>
      tpu.wait_dma2 semaphore(%run_scoped3A : memref<!tpu.dma_semaphore, #tpu.memory_space<semaphore_mem>>) src(%dma_wait3A_103 : memref<64x128xf32, #tpu.memory_space<vmem_shared>>) dst(%arg13 : memref<64x128xf32, #tpu.memory_space<vmem>>)
      tpu.yield
    }) : () -> ()
    "tpu.region"() ({
      %run_scoped3A = tpu.sem_alloc : memref<!tpu.dma_semaphore, #tpu.memory_space<semaphore_mem>>
      %dma_start3A_96 = arith.constant 0 : i32
      %dma_start3A_97 = tpu.memref_slice %arg7[%arg0, %add3A_91, %dma_start3A_96] : memref<2x10240x128xf32, #tpu.memory_space<hbm>> -> memref<1x64x128xf32, #tpu.memory_space<hbm>>
      %dma_start3A_98 = tpu.memref_squeeze %dma_start3A_97 : memref<1x64x128xf32, #tpu.memory_space<hbm>> -> memref<64x128xf32, #tpu.memory_space<hbm>>
      %dma_start3A_99 = arith.constant 0 : i32
      %dma_start3A_100 = tpu.memref_slice %arg7[%arg0, %add3A_91, %dma_start3A_99] : memref<2x10240x128xf32, #tpu.memory_space<hbm>> -> memref<1x64x128xf32, #tpu.memory_space<hbm>>
      %dma_start3A_101 = tpu.memref_squeeze %dma_start3A_100 : memref<1x64x128xf32, #tpu.memory_space<hbm>> -> memref<64x128xf32, #tpu.memory_space<hbm>>
      tpu.enqueue_dma source(%arg13 : memref<64x128xf32, #tpu.memory_space<vmem>>) target(%dma_start3A_101 : memref<64x128xf32, #tpu.memory_space<hbm>>) target_semaphore(%run_scoped3A : memref<!tpu.dma_semaphore, #tpu.memory_space<semaphore_mem>>)
      %dma_wait3A_102 = arith.constant 0 : i32
      %dma_wait3A_103 = tpu.memref_slice %arg7[%arg0, %add3A_91, %dma_wait3A_102] : memref<2x10240x128xf32, #tpu.memory_space<hbm>> -> memref<1x64x128xf32, #tpu.memory_space<hbm>>
      %dma_wait3A_104 = tpu.memref_squeeze %dma_wait3A_103 : memref<1x64x128xf32, #tpu.memory_space<hbm>> -> memref<64x128xf32, #tpu.memory_space<hbm>>
      %dma_wait3A_105 = arith.constant 0 : i32
      %dma_wait3A_106 = tpu.memref_slice %arg7[%arg0, %add3A_91, %dma_wait3A_105] : memref<2x10240x128xf32, #tpu.memory_space<hbm>> -> memref<1x64x128xf32, #tpu.memory_space<hbm>>
      %dma_wait3A_107 = tpu.memref_squeeze %dma_wait3A_106 : memref<1x64x128xf32, #tpu.memory_space<hbm>> -> memref<64x128xf32, #tpu.memory_space<hbm>>
      tpu.wait_dma2 semaphore(%run_scoped3A : memref<!tpu.dma_semaphore, #tpu.memory_space<semaphore_mem>>) src(%arg13 : memref<64x128xf32, #tpu.memory_space<vmem>>) dst(%dma_wait3A_107 : memref<64x128xf32, #tpu.memory_space<hbm>>)
      tpu.yield
    }) : () -> ()
    "tpu.region"() ({
      %run_scoped3A = tpu.sem_alloc : memref<!tpu.dma_semaphore, #tpu.memory_space<semaphore_mem>>
      %dma_start3A_96 = arith.constant 0 : i32
      %dma_start3A_97 = tpu.memref_slice %arg22[%add3A_91, %dma_start3A_96] : memref<10240x16xf32, #tpu.memory_space<vmem_shared>> -> memref<64x16xf32, #tpu.memory_space<vmem_shared>>
      %dma_start3A_98 = arith.constant 0 : i32
      %dma_start3A_99 = tpu.memref_slice %arg22[%add3A_91, %dma_start3A_98] : memref<10240x16xf32, #tpu.memory_space<vmem_shared>> -> memref<64x16xf32, #tpu.memory_space<vmem_shared>>
      tpu.enqueue_dma source(%dma_start3A_99 : memref<64x16xf32, #tpu.memory_space<vmem_shared>>) target(%arg14 : memref<64x16xf32, #tpu.memory_space<vmem>>) target_semaphore(%run_scoped3A : memref<!tpu.dma_semaphore, #tpu.memory_space<semaphore_mem>>)
      %dma_wait3A_100 = arith.constant 0 : i32
      %dma_wait3A_101 = tpu.memref_slice %arg22[%add3A_91, %dma_wait3A_100] : memref<10240x16xf32, #tpu.memory_space<vmem_shared>> -> memref<64x16xf32, #tpu.memory_space<vmem_shared>>
      %dma_wait3A_102 = arith.constant 0 : i32
      %dma_wait3A_103 = tpu.memref_slice %arg22[%add3A_91, %dma_wait3A_102] : memref<10240x16xf32, #tpu.memory_space<vmem_shared>> -> memref<64x16xf32, #tpu.memory_space<vmem_shared>>
      tpu.wait_dma2 semaphore(%run_scoped3A : memref<!tpu.dma_semaphore, #tpu.memory_space<semaphore_mem>>) src(%dma_wait3A_103 : memref<64x16xf32, #tpu.memory_space<vmem_shared>>) dst(%arg14 : memref<64x16xf32, #tpu.memory_space<vmem>>)
      tpu.yield
    }) : () -> ()
    "tpu.region"() ({
      %run_scoped3A = tpu.sem_alloc : memref<!tpu.dma_semaphore, #tpu.memory_space<semaphore_mem>>
      %dma_start3A_96 = arith.constant 0 : i32
      %dma_start3A_97 = tpu.memref_slice %arg8[%arg0, %add3A_91, %dma_start3A_96] : memref<2x10240x16xf32, #tpu.memory_space<hbm>> -> memref<1x64x16xf32, #tpu.memory_space<hbm>>
      %dma_start3A_98 = tpu.memref_squeeze %dma_start3A_97 : memref<1x64x16xf32, #tpu.memory_space<hbm>> -> memref<64x16xf32, #tpu.memory_space<hbm>>
      %dma_start3A_99 = arith.constant 0 : i32
      %dma_start3A_100 = tpu.memref_slice %arg8[%arg0, %add3A_91, %dma_start3A_99] : memref<2x10240x16xf32, #tpu.memory_space<hbm>> -> memref<1x64x16xf32, #tpu.memory_space<hbm>>
      %dma_start3A_101 = tpu.memref_squeeze %dma_start3A_100 : memref<1x64x16xf32, #tpu.memory_space<hbm>> -> memref<64x16xf32, #tpu.memory_space<hbm>>
      tpu.enqueue_dma source(%arg14 : memref<64x16xf32, #tpu.memory_space<vmem>>) target(%dma_start3A_101 : memref<64x16xf32, #tpu.memory_space<hbm>>) target_semaphore(%run_scoped3A : memref<!tpu.dma_semaphore, #tpu.memory_space<semaphore_mem>>)
      %dma_wait3A_102 = arith.constant 0 : i32
      %dma_wait3A_103 = tpu.memref_slice %arg8[%arg0, %add3A_91, %dma_wait3A_102] : memref<2x10240x16xf32, #tpu.memory_space<hbm>> -> memref<1x64x16xf32, #tpu.memory_space<hbm>>
      %dma_wait3A_104 = tpu.memref_squeeze %dma_wait3A_103 : memref<1x64x16xf32, #tpu.memory_space<hbm>> -> memref<64x16xf32, #tpu.memory_space<hbm>>
      %dma_wait3A_105 = arith.constant 0 : i32
      %dma_wait3A_106 = tpu.memref_slice %arg8[%arg0, %add3A_91, %dma_wait3A_105] : memref<2x10240x16xf32, #tpu.memory_space<hbm>> -> memref<1x64x16xf32, #tpu.memory_space<hbm>>
      %dma_wait3A_107 = tpu.memref_squeeze %dma_wait3A_106 : memref<1x64x16xf32, #tpu.memory_space<hbm>> -> memref<64x16xf32, #tpu.memory_space<hbm>>
      tpu.wait_dma2 semaphore(%run_scoped3A : memref<!tpu.dma_semaphore, #tpu.memory_space<semaphore_mem>>) src(%arg14 : memref<64x16xf32, #tpu.memory_space<vmem>>) dst(%dma_wait3A_107 : memref<64x16xf32, #tpu.memory_space<hbm>>)
      tpu.yield
    }) : () -> ()
    %add3A_92 = arith.constant 512 : i32
    %add3A_93 = arith.addi %mul3A_7, %add3A_92 : i32
    "tpu.region"() ({
      %run_scoped3A = tpu.sem_alloc : memref<!tpu.dma_semaphore, #tpu.memory_space<semaphore_mem>>
      %dma_start3A_96 = arith.constant 0 : i32
      %dma_start3A_97 = tpu.memref_slice %arg21[%add3A_93, %dma_start3A_96] : memref<10240x128xf32, #tpu.memory_space<vmem_shared>> -> memref<64x128xf32, #tpu.memory_space<vmem_shared>>
      %dma_start3A_98 = arith.constant 0 : i32
      %dma_start3A_99 = tpu.memref_slice %arg21[%add3A_93, %dma_start3A_98] : memref<10240x128xf32, #tpu.memory_space<vmem_shared>> -> memref<64x128xf32, #tpu.memory_space<vmem_shared>>
      tpu.enqueue_dma source(%dma_start3A_99 : memref<64x128xf32, #tpu.memory_space<vmem_shared>>) target(%arg13 : memref<64x128xf32, #tpu.memory_space<vmem>>) target_semaphore(%run_scoped3A : memref<!tpu.dma_semaphore, #tpu.memory_space<semaphore_mem>>)
      %dma_wait3A_100 = arith.constant 0 : i32
      %dma_wait3A_101 = tpu.memref_slice %arg21[%add3A_93, %dma_wait3A_100] : memref<10240x128xf32, #tpu.memory_space<vmem_shared>> -> memref<64x128xf32, #tpu.memory_space<vmem_shared>>
      %dma_wait3A_102 = arith.constant 0 : i32
      %dma_wait3A_103 = tpu.memref_slice %arg21[%add3A_93, %dma_wait3A_102] : memref<10240x128xf32, #tpu.memory_space<vmem_shared>> -> memref<64x128xf32, #tpu.memory_space<vmem_shared>>
      tpu.wait_dma2 semaphore(%run_scoped3A : memref<!tpu.dma_semaphore, #tpu.memory_space<semaphore_mem>>) src(%dma_wait3A_103 : memref<64x128xf32, #tpu.memory_space<vmem_shared>>) dst(%arg13 : memref<64x128xf32, #tpu.memory_space<vmem>>)
      tpu.yield
    }) : () -> ()
    "tpu.region"() ({
      %run_scoped3A = tpu.sem_alloc : memref<!tpu.dma_semaphore, #tpu.memory_space<semaphore_mem>>
      %dma_start3A_96 = arith.constant 0 : i32
      %dma_start3A_97 = tpu.memref_slice %arg7[%arg0, %add3A_93, %dma_start3A_96] : memref<2x10240x128xf32, #tpu.memory_space<hbm>> -> memref<1x64x128xf32, #tpu.memory_space<hbm>>
      %dma_start3A_98 = tpu.memref_squeeze %dma_start3A_97 : memref<1x64x128xf32, #tpu.memory_space<hbm>> -> memref<64x128xf32, #tpu.memory_space<hbm>>
      %dma_start3A_99 = arith.constant 0 : i32
      %dma_start3A_100 = tpu.memref_slice %arg7[%arg0, %add3A_93, %dma_start3A_99] : memref<2x10240x128xf32, #tpu.memory_space<hbm>> -> memref<1x64x128xf32, #tpu.memory_space<hbm>>
      %dma_start3A_101 = tpu.memref_squeeze %dma_start3A_100 : memref<1x64x128xf32, #tpu.memory_space<hbm>> -> memref<64x128xf32, #tpu.memory_space<hbm>>
      tpu.enqueue_dma source(%arg13 : memref<64x128xf32, #tpu.memory_space<vmem>>) target(%dma_start3A_101 : memref<64x128xf32, #tpu.memory_space<hbm>>) target_semaphore(%run_scoped3A : memref<!tpu.dma_semaphore, #tpu.memory_space<semaphore_mem>>)
      %dma_wait3A_102 = arith.constant 0 : i32
      %dma_wait3A_103 = tpu.memref_slice %arg7[%arg0, %add3A_93, %dma_wait3A_102] : memref<2x10240x128xf32, #tpu.memory_space<hbm>> -> memref<1x64x128xf32, #tpu.memory_space<hbm>>
      %dma_wait3A_104 = tpu.memref_squeeze %dma_wait3A_103 : memref<1x64x128xf32, #tpu.memory_space<hbm>> -> memref<64x128xf32, #tpu.memory_space<hbm>>
      %dma_wait3A_105 = arith.constant 0 : i32
      %dma_wait3A_106 = tpu.memref_slice %arg7[%arg0, %add3A_93, %dma_wait3A_105] : memref<2x10240x128xf32, #tpu.memory_space<hbm>> -> memref<1x64x128xf32, #tpu.memory_space<hbm>>
      %dma_wait3A_107 = tpu.memref_squeeze %dma_wait3A_106 : memref<1x64x128xf32, #tpu.memory_space<hbm>> -> memref<64x128xf32, #tpu.memory_space<hbm>>
      tpu.wait_dma2 semaphore(%run_scoped3A : memref<!tpu.dma_semaphore, #tpu.memory_space<semaphore_mem>>) src(%arg13 : memref<64x128xf32, #tpu.memory_space<vmem>>) dst(%dma_wait3A_107 : memref<64x128xf32, #tpu.memory_space<hbm>>)
      tpu.yield
    }) : () -> ()
    "tpu.region"() ({
      %run_scoped3A = tpu.sem_alloc : memref<!tpu.dma_semaphore, #tpu.memory_space<semaphore_mem>>
      %dma_start3A_96 = arith.constant 0 : i32
      %dma_start3A_97 = tpu.memref_slice %arg22[%add3A_93, %dma_start3A_96] : memref<10240x16xf32, #tpu.memory_space<vmem_shared>> -> memref<64x16xf32, #tpu.memory_space<vmem_shared>>
      %dma_start3A_98 = arith.constant 0 : i32
      %dma_start3A_99 = tpu.memref_slice %arg22[%add3A_93, %dma_start3A_98] : memref<10240x16xf32, #tpu.memory_space<vmem_shared>> -> memref<64x16xf32, #tpu.memory_space<vmem_shared>>
      tpu.enqueue_dma source(%dma_start3A_99 : memref<64x16xf32, #tpu.memory_space<vmem_shared>>) target(%arg14 : memref<64x16xf32, #tpu.memory_space<vmem>>) target_semaphore(%run_scoped3A : memref<!tpu.dma_semaphore, #tpu.memory_space<semaphore_mem>>)
      %dma_wait3A_100 = arith.constant 0 : i32
      %dma_wait3A_101 = tpu.memref_slice %arg22[%add3A_93, %dma_wait3A_100] : memref<10240x16xf32, #tpu.memory_space<vmem_shared>> -> memref<64x16xf32, #tpu.memory_space<vmem_shared>>
      %dma_wait3A_102 = arith.constant 0 : i32
      %dma_wait3A_103 = tpu.memref_slice %arg22[%add3A_93, %dma_wait3A_102] : memref<10240x16xf32, #tpu.memory_space<vmem_shared>> -> memref<64x16xf32, #tpu.memory_space<vmem_shared>>
      tpu.wait_dma2 semaphore(%run_scoped3A : memref<!tpu.dma_semaphore, #tpu.memory_space<semaphore_mem>>) src(%dma_wait3A_103 : memref<64x16xf32, #tpu.memory_space<vmem_shared>>) dst(%arg14 : memref<64x16xf32, #tpu.memory_space<vmem>>)
      tpu.yield
    }) : () -> ()
    "tpu.region"() ({
      %run_scoped3A = tpu.sem_alloc : memref<!tpu.dma_semaphore, #tpu.memory_space<semaphore_mem>>
      %dma_start3A_96 = arith.constant 0 : i32
      %dma_start3A_97 = tpu.memref_slice %arg8[%arg0, %add3A_93, %dma_start3A_96] : memref<2x10240x16xf32, #tpu.memory_space<hbm>> -> memref<1x64x16xf32, #tpu.memory_space<hbm>>
      %dma_start3A_98 = tpu.memref_squeeze %dma_start3A_97 : memref<1x64x16xf32, #tpu.memory_space<hbm>> -> memref<64x16xf32, #tpu.memory_space<hbm>>
      %dma_start3A_99 = arith.constant 0 : i32
      %dma_start3A_100 = tpu.memref_slice %arg8[%arg0, %add3A_93, %dma_start3A_99] : memref<2x10240x16xf32, #tpu.memory_space<hbm>> -> memref<1x64x16xf32, #tpu.memory_space<hbm>>
      %dma_start3A_101 = tpu.memref_squeeze %dma_start3A_100 : memref<1x64x16xf32, #tpu.memory_space<hbm>> -> memref<64x16xf32, #tpu.memory_space<hbm>>
      tpu.enqueue_dma source(%arg14 : memref<64x16xf32, #tpu.memory_space<vmem>>) target(%dma_start3A_101 : memref<64x16xf32, #tpu.memory_space<hbm>>) target_semaphore(%run_scoped3A : memref<!tpu.dma_semaphore, #tpu.memory_space<semaphore_mem>>)
      %dma_wait3A_102 = arith.constant 0 : i32
      %dma_wait3A_103 = tpu.memref_slice %arg8[%arg0, %add3A_93, %dma_wait3A_102] : memref<2x10240x16xf32, #tpu.memory_space<hbm>> -> memref<1x64x16xf32, #tpu.memory_space<hbm>>
      %dma_wait3A_104 = tpu.memref_squeeze %dma_wait3A_103 : memref<1x64x16xf32, #tpu.memory_space<hbm>> -> memref<64x16xf32, #tpu.memory_space<hbm>>
      %dma_wait3A_105 = arith.constant 0 : i32
      %dma_wait3A_106 = tpu.memref_slice %arg8[%arg0, %add3A_93, %dma_wait3A_105] : memref<2x10240x16xf32, #tpu.memory_space<hbm>> -> memref<1x64x16xf32, #tpu.memory_space<hbm>>
      %dma_wait3A_107 = tpu.memref_squeeze %dma_wait3A_106 : memref<1x64x16xf32, #tpu.memory_space<hbm>> -> memref<64x16xf32, #tpu.memory_space<hbm>>
      tpu.wait_dma2 semaphore(%run_scoped3A : memref<!tpu.dma_semaphore, #tpu.memory_space<semaphore_mem>>) src(%arg14 : memref<64x16xf32, #tpu.memory_space<vmem>>) dst(%dma_wait3A_107 : memref<64x16xf32, #tpu.memory_space<hbm>>)
      tpu.yield
    }) : () -> ()
    %add3A_94 = arith.constant 576 : i32
    %add3A_95 = arith.addi %mul3A_7, %add3A_94 : i32
    "tpu.region"() ({
      %run_scoped3A = tpu.sem_alloc : memref<!tpu.dma_semaphore, #tpu.memory_space<semaphore_mem>>
      %dma_start3A_96 = arith.constant 0 : i32
      %dma_start3A_97 = tpu.memref_slice %arg21[%add3A_95, %dma_start3A_96] : memref<10240x128xf32, #tpu.memory_space<vmem_shared>> -> memref<64x128xf32, #tpu.memory_space<vmem_shared>>
      %dma_start3A_98 = arith.constant 0 : i32
      %dma_start3A_99 = tpu.memref_slice %arg21[%add3A_95, %dma_start3A_98] : memref<10240x128xf32, #tpu.memory_space<vmem_shared>> -> memref<64x128xf32, #tpu.memory_space<vmem_shared>>
      tpu.enqueue_dma source(%dma_start3A_99 : memref<64x128xf32, #tpu.memory_space<vmem_shared>>) target(%arg13 : memref<64x128xf32, #tpu.memory_space<vmem>>) target_semaphore(%run_scoped3A : memref<!tpu.dma_semaphore, #tpu.memory_space<semaphore_mem>>)
      %dma_wait3A_100 = arith.constant 0 : i32
      %dma_wait3A_101 = tpu.memref_slice %arg21[%add3A_95, %dma_wait3A_100] : memref<10240x128xf32, #tpu.memory_space<vmem_shared>> -> memref<64x128xf32, #tpu.memory_space<vmem_shared>>
      %dma_wait3A_102 = arith.constant 0 : i32
      %dma_wait3A_103 = tpu.memref_slice %arg21[%add3A_95, %dma_wait3A_102] : memref<10240x128xf32, #tpu.memory_space<vmem_shared>> -> memref<64x128xf32, #tpu.memory_space<vmem_shared>>
      tpu.wait_dma2 semaphore(%run_scoped3A : memref<!tpu.dma_semaphore, #tpu.memory_space<semaphore_mem>>) src(%dma_wait3A_103 : memref<64x128xf32, #tpu.memory_space<vmem_shared>>) dst(%arg13 : memref<64x128xf32, #tpu.memory_space<vmem>>)
      tpu.yield
    }) : () -> ()
    "tpu.region"() ({
      %run_scoped3A = tpu.sem_alloc : memref<!tpu.dma_semaphore, #tpu.memory_space<semaphore_mem>>
      %dma_start3A_96 = arith.constant 0 : i32
      %dma_start3A_97 = tpu.memref_slice %arg7[%arg0, %add3A_95, %dma_start3A_96] : memref<2x10240x128xf32, #tpu.memory_space<hbm>> -> memref<1x64x128xf32, #tpu.memory_space<hbm>>
      %dma_start3A_98 = tpu.memref_squeeze %dma_start3A_97 : memref<1x64x128xf32, #tpu.memory_space<hbm>> -> memref<64x128xf32, #tpu.memory_space<hbm>>
      %dma_start3A_99 = arith.constant 0 : i32
      %dma_start3A_100 = tpu.memref_slice %arg7[%arg0, %add3A_95, %dma_start3A_99] : memref<2x10240x128xf32, #tpu.memory_space<hbm>> -> memref<1x64x128xf32, #tpu.memory_space<hbm>>
      %dma_start3A_101 = tpu.memref_squeeze %dma_start3A_100 : memref<1x64x128xf32, #tpu.memory_space<hbm>> -> memref<64x128xf32, #tpu.memory_space<hbm>>
      tpu.enqueue_dma source(%arg13 : memref<64x128xf32, #tpu.memory_space<vmem>>) target(%dma_start3A_101 : memref<64x128xf32, #tpu.memory_space<hbm>>) target_semaphore(%run_scoped3A : memref<!tpu.dma_semaphore, #tpu.memory_space<semaphore_mem>>)
      %dma_wait3A_102 = arith.constant 0 : i32
      %dma_wait3A_103 = tpu.memref_slice %arg7[%arg0, %add3A_95, %dma_wait3A_102] : memref<2x10240x128xf32, #tpu.memory_space<hbm>> -> memref<1x64x128xf32, #tpu.memory_space<hbm>>
      %dma_wait3A_104 = tpu.memref_squeeze %dma_wait3A_103 : memref<1x64x128xf32, #tpu.memory_space<hbm>> -> memref<64x128xf32, #tpu.memory_space<hbm>>
      %dma_wait3A_105 = arith.constant 0 : i32
      %dma_wait3A_106 = tpu.memref_slice %arg7[%arg0, %add3A_95, %dma_wait3A_105] : memref<2x10240x128xf32, #tpu.memory_space<hbm>> -> memref<1x64x128xf32, #tpu.memory_space<hbm>>
      %dma_wait3A_107 = tpu.memref_squeeze %dma_wait3A_106 : memref<1x64x128xf32, #tpu.memory_space<hbm>> -> memref<64x128xf32, #tpu.memory_space<hbm>>
      tpu.wait_dma2 semaphore(%run_scoped3A : memref<!tpu.dma_semaphore, #tpu.memory_space<semaphore_mem>>) src(%arg13 : memref<64x128xf32, #tpu.memory_space<vmem>>) dst(%dma_wait3A_107 : memref<64x128xf32, #tpu.memory_space<hbm>>)
      tpu.yield
    }) : () -> ()
    "tpu.region"() ({
      %run_scoped3A = tpu.sem_alloc : memref<!tpu.dma_semaphore, #tpu.memory_space<semaphore_mem>>
      %dma_start3A_96 = arith.constant 0 : i32
      %dma_start3A_97 = tpu.memref_slice %arg22[%add3A_95, %dma_start3A_96] : memref<10240x16xf32, #tpu.memory_space<vmem_shared>> -> memref<64x16xf32, #tpu.memory_space<vmem_shared>>
      %dma_start3A_98 = arith.constant 0 : i32
      %dma_start3A_99 = tpu.memref_slice %arg22[%add3A_95, %dma_start3A_98] : memref<10240x16xf32, #tpu.memory_space<vmem_shared>> -> memref<64x16xf32, #tpu.memory_space<vmem_shared>>
      tpu.enqueue_dma source(%dma_start3A_99 : memref<64x16xf32, #tpu.memory_space<vmem_shared>>) target(%arg14 : memref<64x16xf32, #tpu.memory_space<vmem>>) target_semaphore(%run_scoped3A : memref<!tpu.dma_semaphore, #tpu.memory_space<semaphore_mem>>)
      %dma_wait3A_100 = arith.constant 0 : i32
      %dma_wait3A_101 = tpu.memref_slice %arg22[%add3A_95, %dma_wait3A_100] : memref<10240x16xf32, #tpu.memory_space<vmem_shared>> -> memref<64x16xf32, #tpu.memory_space<vmem_shared>>
      %dma_wait3A_102 = arith.constant 0 : i32
      %dma_wait3A_103 = tpu.memref_slice %arg22[%add3A_95, %dma_wait3A_102] : memref<10240x16xf32, #tpu.memory_space<vmem_shared>> -> memref<64x16xf32, #tpu.memory_space<vmem_shared>>
      tpu.wait_dma2 semaphore(%run_scoped3A : memref<!tpu.dma_semaphore, #tpu.memory_space<semaphore_mem>>) src(%dma_wait3A_103 : memref<64x16xf32, #tpu.memory_space<vmem_shared>>) dst(%arg14 : memref<64x16xf32, #tpu.memory_space<vmem>>)
      tpu.yield
    }) : () -> ()
    "tpu.region"() ({
      %run_scoped3A = tpu.sem_alloc : memref<!tpu.dma_semaphore, #tpu.memory_space<semaphore_mem>>
      %dma_start3A_96 = arith.constant 0 : i32
      %dma_start3A_97 = tpu.memref_slice %arg8[%arg0, %add3A_95, %dma_start3A_96] : memref<2x10240x16xf32, #tpu.memory_space<hbm>> -> memref<1x64x16xf32, #tpu.memory_space<hbm>>
      %dma_start3A_98 = tpu.memref_squeeze %dma_start3A_97 : memref<1x64x16xf32, #tpu.memory_space<hbm>> -> memref<64x16xf32, #tpu.memory_space<hbm>>
      %dma_start3A_99 = arith.constant 0 : i32
      %dma_start3A_100 = tpu.memref_slice %arg8[%arg0, %add3A_95, %dma_start3A_99] : memref<2x10240x16xf32, #tpu.memory_space<hbm>> -> memref<1x64x16xf32, #tpu.memory_space<hbm>>
      %dma_start3A_101 = tpu.memref_squeeze %dma_start3A_100 : memref<1x64x16xf32, #tpu.memory_space<hbm>> -> memref<64x16xf32, #tpu.memory_space<hbm>>
      tpu.enqueue_dma source(%arg14 : memref<64x16xf32, #tpu.memory_space<vmem>>) target(%dma_start3A_101 : memref<64x16xf32, #tpu.memory_space<hbm>>) target_semaphore(%run_scoped3A : memref<!tpu.dma_semaphore, #tpu.memory_space<semaphore_mem>>)
      %dma_wait3A_102 = arith.constant 0 : i32
      %dma_wait3A_103 = tpu.memref_slice %arg8[%arg0, %add3A_95, %dma_wait3A_102] : memref<2x10240x16xf32, #tpu.memory_space<hbm>> -> memref<1x64x16xf32, #tpu.memory_space<hbm>>
      %dma_wait3A_104 = tpu.memref_squeeze %dma_wait3A_103 : memref<1x64x16xf32, #tpu.memory_space<hbm>> -> memref<64x16xf32, #tpu.memory_space<hbm>>
      %dma_wait3A_105 = arith.constant 0 : i32
      %dma_wait3A_106 = tpu.memref_slice %arg8[%arg0, %add3A_95, %dma_wait3A_105] : memref<2x10240x16xf32, #tpu.memory_space<hbm>> -> memref<1x64x16xf32, #tpu.memory_space<hbm>>
      %dma_wait3A_107 = tpu.memref_squeeze %dma_wait3A_106 : memref<1x64x16xf32, #tpu.memory_space<hbm>> -> memref<64x16xf32, #tpu.memory_space<hbm>>
      tpu.wait_dma2 semaphore(%run_scoped3A : memref<!tpu.dma_semaphore, #tpu.memory_space<semaphore_mem>>) src(%arg14 : memref<64x16xf32, #tpu.memory_space<vmem>>) dst(%dma_wait3A_107 : memref<64x16xf32, #tpu.memory_space<hbm>>)
      tpu.yield
    }) : () -> ()
    return
  }
}

module attributes {stable_mosaic.version = 14 : i64} {
  func.func @_pre_kernel(%arg0: i32, %arg1: memref<1280x128xf32, #tpu.memory_space<vmem>>, %arg2: memref<128x128xf32, #tpu.memory_space<vmem>>, %arg3: memref<128x32xf32, #tpu.memory_space<vmem>>, %arg4: memref<1280x128xf32, #tpu.memory_space<vmem>>, %arg5: memref<1280x16xf32, #tpu.memory_space<vmem>>, %arg6: memref<1280x16xf32, #tpu.memory_space<vmem>>) attributes {dimension_semantics = [#tpu.dimension_semantics<arbitrary>], iteration_bounds = array<i64: 8>, scalar_prefetch = 0 : i64, scratch_operands = 0 : i64, tpu.core_type = #tpu.core_type<tc>, window_params = [{transform_indices = @transform_0, window_bounds = array<i64: 1280, 128>}, {pipeline_mode = #tpu.pipeline_mode<synchronous>, transform_indices = @transform_1, window_bounds = array<i64: 128, 128>}, {pipeline_mode = #tpu.pipeline_mode<synchronous>, transform_indices = @transform_2, window_bounds = array<i64: 128, 32>}, {transform_indices = @transform_3, window_bounds = array<i64: 1280, 128>}, {transform_indices = @transform_4, window_bounds = array<i64: 1280, 16>}, {transform_indices = @transform_5, window_bounds = array<i64: 1280, 16>}]} {
    %mul3A = arith.constant 1280 : i32
    %mul3A_0 = arith.muli %arg0, %mul3A : i32
    %iota3A = tpu.iota {dimensions = array<i32: 0>} : vector<1280x1xi32>
    %add3A = vector.broadcast %mul3A_0 : i32 to vector<1280x1xi32>
    %add3A_1 = arith.addi %add3A, %iota3A : vector<1280x1xi32>
    %lt3A = arith.constant 10000 : i32
    %lt3A_2 = vector.broadcast %lt3A : i32 to vector<1280x1xi32>
    %lt3A_3 = arith.cmpi slt, %add3A_1, %lt3A_2 : vector<1280x1xi32>
    %get3A = arith.constant 0 : index
    %get3A_4 = arith.constant 0 : index
    %get3A_5 = vector.load %arg1[%get3A, %get3A_4] : memref<1280x128xf32, #tpu.memory_space<vmem>>, vector<1280x128xf32>
    %get3A_6 = arith.constant 0 : index
    %get3A_7 = arith.constant 0 : index
    %get3A_8 = vector.load %arg2[%get3A_6, %get3A_7] : memref<128x128xf32, #tpu.memory_space<vmem>>, vector<128x128xf32>
    %dot_general3A = arith.constant dense<0.000000e+00> : vector<1280x128xf32>
    %dot_general3A_9 = tpu.matmul %get3A_5, %get3A_8, %dot_general3A {dimension_numbers = #tpu.dot_dimension_numbers<[1], [0], [0], [1], [0, 0, 1, 1], [], []>, transpose_lhs_hint = false} : vector<1280x128xf32>, vector<128x128xf32>, vector<1280x128xf32> -> vector<1280x128xf32>
    %jit3A = arith.constant 0.000000e+00 : f32
    %broadcast_in_dim3A = vector.shape_cast %lt3A_3 : vector<1280x1xi1> to vector<1280x1xi1>
    %broadcast_in_dim3A_10 = vector.broadcast %broadcast_in_dim3A : vector<1280x1xi1> to vector<1280x128xi1>
    %broadcast_in_dim3A_11 = vector.broadcast %jit3A : f32 to vector<1280x128xf32>
    %select_n3A = arith.select %broadcast_in_dim3A_10, %dot_general3A_9, %broadcast_in_dim3A_11 : vector<1280x128xi1>, vector<1280x128xf32>
    %get3A_12 = arith.constant 0 : index
    %get3A_13 = arith.constant 0 : index
    %get3A_14 = vector.load %arg3[%get3A_12, %get3A_13] : memref<128x32xf32, #tpu.memory_space<vmem>>, vector<128x32xf32>
    %dot_general3A_15 = arith.constant dense<0.000000e+00> : vector<1280x32xf32>
    %dot_general3A_16 = tpu.matmul %select_n3A, %get3A_14, %dot_general3A_15 {dimension_numbers = #tpu.dot_dimension_numbers<[1], [0], [0], [1], [0, 0, 1, 1], [], []>, transpose_lhs_hint = false} : vector<1280x128xf32>, vector<128x32xf32>, vector<1280x32xf32> -> vector<1280x32xf32>
    %jit3A_17 = arith.constant 0.000000e+00 : f32
    %broadcast_in_dim3A_18 = vector.shape_cast %lt3A_3 : vector<1280x1xi1> to vector<1280x1xi1>
    %broadcast_in_dim3A_19 = vector.broadcast %broadcast_in_dim3A_18 : vector<1280x1xi1> to vector<1280x32xi1>
    %broadcast_in_dim3A_20 = vector.broadcast %jit3A_17 : f32 to vector<1280x32xf32>
    %select_n3A_21 = arith.select %broadcast_in_dim3A_19, %dot_general3A_16, %broadcast_in_dim3A_20 : vector<1280x32xi1>, vector<1280x32xf32>
    %swap3A = arith.constant 0 : index
    %swap3A_22 = arith.constant 0 : index
    %swap3A_23 = vector.load %arg4[%swap3A, %swap3A_22] : memref<1280x128xf32, #tpu.memory_space<vmem>>, vector<1280x128xf32>
    tpu.vector_store %arg4[%swap3A, %swap3A_22], %select_n3A {strides = array<i32>} : memref<1280x128xf32, #tpu.memory_space<vmem>>, vector<1280x128xf32>,
    %slice3A = vector.extract_strided_slice %select_n3A_21 {offsets = [0, 0], sizes = [1280, 16], strides = [1, 1]} : vector<1280x32xf32> to vector<1280x16xf32>
    %swap3A_24 = arith.constant 0 : index
    %swap3A_25 = arith.constant 0 : index
    %swap3A_26 = vector.load %arg5[%swap3A_24, %swap3A_25] : memref<1280x16xf32, #tpu.memory_space<vmem>>, vector<1280x16xf32>
    tpu.vector_store %arg5[%swap3A_24, %swap3A_25], %slice3A {strides = array<i32>} : memref<1280x16xf32, #tpu.memory_space<vmem>>, vector<1280x16xf32>,
    %slice3A_27 = vector.extract_strided_slice %select_n3A_21 {offsets = [0, 16], sizes = [1280, 16], strides = [1, 1]} : vector<1280x32xf32> to vector<1280x16xf32>
    %swap3A_28 = arith.constant 0 : index
    %swap3A_29 = arith.constant 0 : index
    %swap3A_30 = vector.load %arg6[%swap3A_28, %swap3A_29] : memref<1280x16xf32, #tpu.memory_space<vmem>>, vector<1280x16xf32>
    tpu.vector_store %arg6[%swap3A_28, %swap3A_29], %slice3A_27 {strides = array<i32>} : memref<1280x16xf32, #tpu.memory_space<vmem>>, vector<1280x16xf32>,
    return
  }
  func.func @transform_0(%arg0: i32) -> (i32, i32) {
    %c0_i32 = arith.constant 0 : i32
    %c0_i32_0 = arith.constant 0 : i32
    return %arg0, %c0_i32 : i32, i32
  }
  func.func @transform_1(%arg0: i32) -> (i32, i32) {
    %c0_i32 = arith.constant 0 : i32
    %c0_i32_0 = arith.constant 0 : i32
    %c0_i32_1 = arith.constant 0 : i32
    return %c0_i32, %c0_i32_0 : i32, i32
  }
  func.func @transform_2(%arg0: i32) -> (i32, i32) {
    %c0_i32 = arith.constant 0 : i32
    %c0_i32_0 = arith.constant 0 : i32
    %c0_i32_1 = arith.constant 0 : i32
    return %c0_i32, %c0_i32_0 : i32, i32
  }
  func.func @transform_3(%arg0: i32) -> (i32, i32) {
    %c0_i32 = arith.constant 0 : i32
    %c0_i32_0 = arith.constant 0 : i32
    return %arg0, %c0_i32 : i32, i32
  }
  func.func @transform_4(%arg0: i32) -> (i32, i32) {
    %c0_i32 = arith.constant 0 : i32
    %c0_i32_0 = arith.constant 0 : i32
    return %arg0, %c0_i32 : i32, i32
  }
  func.func @transform_5(%arg0: i32) -> (i32, i32) {
    %c0_i32 = arith.constant 0 : i32
    %c0_i32_0 = arith.constant 0 : i32
    return %arg0, %c0_i32 : i32, i32
  }
}

module attributes {stable_mosaic.version = 14 : i64} {
  func.func @_mid_body(%arg0: i32, %arg1: memref<2x1280x128xf32, #tpu.memory_space<vmem>>, %arg2: memref<2x1280x16xf32, #tpu.memory_space<vmem>>, %arg3: memref<16x128xf32, #tpu.memory_space<vmem>>, %arg4: memref<1x128xf32, #tpu.memory_space<vmem>>, %arg5: memref<1x128xf32, #tpu.memory_space<vmem>>, %arg6: memref<1x128xf32, #tpu.memory_space<vmem>>, %arg7: memref<128x128xf32, #tpu.memory_space<vmem>>, %arg8: memref<128x32xf32, #tpu.memory_space<vmem>>, %arg9: memref<1x128xf32, #tpu.memory_space<vmem>>, %arg10: memref<1280x128xf32, #tpu.memory_space<vmem>>, %arg11: memref<1280x16xf32, #tpu.memory_space<vmem>>, %arg12: memref<1280x16xf32, #tpu.memory_space<vmem>>) attributes {dimension_semantics = [#tpu.dimension_semantics<arbitrary>], iteration_bounds = array<i64: 8>, scalar_prefetch = 0 : i64, scratch_operands = 0 : i64, tpu.core_type = #tpu.core_type<tc>, window_params = [{transform_indices = @transform_0, window_bounds = array<i64: 2, 1280, 128>}, {transform_indices = @transform_1, window_bounds = array<i64: 2, 1280, 16>}, {pipeline_mode = #tpu.pipeline_mode<synchronous>, transform_indices = @transform_2, window_bounds = array<i64: 16, 128>}, {pipeline_mode = #tpu.pipeline_mode<synchronous>, transform_indices = @transform_3, window_bounds = array<i64: 1, 128>}, {pipeline_mode = #tpu.pipeline_mode<synchronous>, transform_indices = @transform_4, window_bounds = array<i64: 1, 128>}, {pipeline_mode = #tpu.pipeline_mode<synchronous>, transform_indices = @transform_5, window_bounds = array<i64: 1, 128>}, {pipeline_mode = #tpu.pipeline_mode<synchronous>, transform_indices = @transform_6, window_bounds = array<i64: 128, 128>}, {pipeline_mode = #tpu.pipeline_mode<synchronous>, transform_indices = @transform_7, window_bounds = array<i64: 128, 32>}, {pipeline_mode = #tpu.pipeline_mode<synchronous>, transform_indices = @transform_8, window_bounds = array<i64: 1, 128>}, {transform_indices = @transform_9, window_bounds = array<i64: 1280, 128>}, {transform_indices = @transform_10, window_bounds = array<i64: 1280, 16>}, {transform_indices = @transform_11, window_bounds = array<i64: 1280, 16>}]} {
    %mul3A = arith.constant 1280 : i32
    %mul3A_0 = arith.muli %arg0, %mul3A : i32
    %iota3A = tpu.iota {dimensions = array<i32: 0>} : vector<1280x1xi32>
    %add3A = vector.broadcast %mul3A_0 : i32 to vector<1280x1xi32>
    %add3A_1 = arith.addi %add3A, %iota3A : vector<1280x1xi32>
    %lt3A = arith.constant 10000 : i32
    %lt3A_2 = vector.broadcast %lt3A : i32 to vector<1280x1xi32>
    %lt3A_3 = arith.cmpi slt, %add3A_1, %lt3A_2 : vector<1280x1xi32>
    %get3A = arith.constant 0 : index
    %get3A_4 = arith.constant 0 : index
    %get3A_5 = arith.constant 0 : index
    %get3A_6 = vector.load %arg1[%get3A, %get3A_4, %get3A_5] : memref<2x1280x128xf32, #tpu.memory_space<vmem>>, vector<1x1280x128xf32>
    %get3A_7 = vector.shape_cast %get3A_6 : vector<1x1280x128xf32> to vector<1280x128xf32>
    %get3A_8 = arith.constant 1 : index
    %get3A_9 = arith.constant 0 : index
    %get3A_10 = arith.constant 0 : index
    %get3A_11 = vector.load %arg1[%get3A_8, %get3A_9, %get3A_10] : memref<2x1280x128xf32, #tpu.memory_space<vmem>>, vector<1x1280x128xf32>
    %get3A_12 = vector.shape_cast %get3A_11 : vector<1x1280x128xf32> to vector<1280x128xf32>
    %add3A_13 = arith.addf %get3A_7, %get3A_12 : vector<1280x128xf32>
    %get3A_14 = arith.constant 0 : index
    %get3A_15 = arith.constant 0 : index
    %get3A_16 = arith.constant 0 : index
    %get3A_17 = vector.load %arg2[%get3A_14, %get3A_15, %get3A_16] : memref<2x1280x16xf32, #tpu.memory_space<vmem>>, vector<1x1280x16xf32>
    %get3A_18 = vector.shape_cast %get3A_17 : vector<1x1280x16xf32> to vector<1280x16xf32>
    %get3A_19 = arith.constant 1 : index
    %get3A_20 = arith.constant 0 : index
    %get3A_21 = arith.constant 0 : index
    %get3A_22 = vector.load %arg2[%get3A_19, %get3A_20, %get3A_21] : memref<2x1280x16xf32, #tpu.memory_space<vmem>>, vector<1x1280x16xf32>
    %get3A_23 = vector.shape_cast %get3A_22 : vector<1x1280x16xf32> to vector<1280x16xf32>
    %add3A_24 = arith.addf %get3A_18, %get3A_23 : vector<1280x16xf32>
    %gt3A = arith.constant 0.000000e+00 : f32
    %gt3A_25 = vector.broadcast %gt3A : f32 to vector<1280x16xf32>
    %gt3A_26 = arith.cmpf ogt, %add3A_24, %gt3A_25 : vector<1280x16xf32>
    %jit3A = arith.constant 1.000000e+00 : f32
    %broadcast_in_dim3A = vector.broadcast %jit3A : f32 to vector<1280x16xf32>
    %select_n3A = arith.select %gt3A_26, %add3A_24, %broadcast_in_dim3A : vector<1280x16xi1>, vector<1280x16xf32>
    %get3A_27 = arith.constant 0 : index
    %get3A_28 = arith.constant 0 : index
    %get3A_29 = vector.load %arg3[%get3A_27, %get3A_28] : memref<16x128xf32, #tpu.memory_space<vmem>>, vector<16x128xf32>
    %dot_general3A = arith.constant dense<0.000000e+00> : vector<1280x128xf32>
    %dot_general3A_30 = tpu.matmul %select_n3A, %get3A_29, %dot_general3A {dimension_numbers = #tpu.dot_dimension_numbers<[1], [0], [0], [1], [0, 0, 1, 1], [], []>, transpose_lhs_hint = false} : vector<1280x16xf32>, vector<16x128xf32>, vector<1280x128xf32> -> vector<1280x128xf32>
    %div3A = arith.divf %add3A_13, %dot_general3A_30 : vector<1280x128xf32>
    %get3A_31 = arith.constant 0 : index
    %get3A_32 = arith.constant 0 : index
    %get3A_33 = vector.load %arg4[%get3A_31, %get3A_32] : memref<1x128xf32, #tpu.memory_space<vmem>>, vector<1x128xf32>
    %add3A_34 = vector.broadcast %get3A_33 : vector<1x128xf32> to vector<1280x128xf32>
    %add3A_35 = arith.addf %div3A, %add3A_34 : vector<1280x128xf32>
    %reduce_sum3A = arith.constant dense<0.000000e+00> : vector<1280xf32>
    %reduce_sum3A_36 = vector.multi_reduction <add>, %add3A_35, %reduce_sum3A [1] : vector<1280x128xf32> to vector<1280xf32>
    %broadcast_in_dim3A_37 = vector.shape_cast %reduce_sum3A_36 : vector<1280xf32> to vector<1280x1xf32>
    %div3A_38 = arith.constant 1.280000e+02 : f32
    %div3A_39 = vector.broadcast %div3A_38 : f32 to vector<1280x1xf32>
    %div3A_40 = arith.divf %broadcast_in_dim3A_37, %div3A_39 : vector<1280x1xf32>
    %sub3A = vector.broadcast %div3A_40 : vector<1280x1xf32> to vector<1280x128xf32>
    %sub3A_41 = arith.subf %add3A_35, %sub3A : vector<1280x128xf32>
    %integer_pow3A = arith.mulf %sub3A_41, %sub3A_41 : vector<1280x128xf32>
    %reduce_sum3A_42 = arith.constant dense<0.000000e+00> : vector<1280xf32>
    %reduce_sum3A_43 = vector.multi_reduction <add>, %integer_pow3A, %reduce_sum3A_42 [1] : vector<1280x128xf32> to vector<1280xf32>
    %broadcast_in_dim3A_44 = vector.shape_cast %reduce_sum3A_43 : vector<1280xf32> to vector<1280x1xf32>
    %div3A_45 = arith.constant 1.280000e+02 : f32
    %div3A_46 = vector.broadcast %div3A_45 : f32 to vector<1280x1xf32>
    %div3A_47 = arith.divf %broadcast_in_dim3A_44, %div3A_46 : vector<1280x1xf32>
    %sub3A_48 = vector.broadcast %div3A_40 : vector<1280x1xf32> to vector<1280x128xf32>
    %sub3A_49 = arith.subf %add3A_35, %sub3A_48 : vector<1280x128xf32>
    %add3A_50 = arith.constant 9.99999974E-6 : f32
    %add3A_51 = vector.broadcast %add3A_50 : f32 to vector<1280x1xf32>
    %add3A_52 = arith.addf %div3A_47, %add3A_51 : vector<1280x1xf32>
    %rsqrt3A = math.rsqrt %add3A_52 : vector<1280x1xf32>
    %mul3A_53 = vector.broadcast %rsqrt3A : vector<1280x1xf32> to vector<1280x128xf32>
    %mul3A_54 = arith.mulf %sub3A_49, %mul3A_53 : vector<1280x128xf32>
    %get3A_55 = arith.constant 0 : index
    %get3A_56 = arith.constant 0 : index
    %get3A_57 = vector.load %arg5[%get3A_55, %get3A_56] : memref<1x128xf32, #tpu.memory_space<vmem>>, vector<1x128xf32>
    %mul3A_58 = vector.broadcast %get3A_57 : vector<1x128xf32> to vector<1280x128xf32>
    %mul3A_59 = arith.mulf %mul3A_54, %mul3A_58 : vector<1280x128xf32>
    %get3A_60 = arith.constant 0 : index
    %get3A_61 = arith.constant 0 : index
    %get3A_62 = vector.load %arg6[%get3A_60, %get3A_61] : memref<1x128xf32, #tpu.memory_space<vmem>>, vector<1x128xf32>
    %add3A_63 = vector.broadcast %get3A_62 : vector<1x128xf32> to vector<1280x128xf32>
    %add3A_64 = arith.addf %mul3A_59, %add3A_63 : vector<1280x128xf32>
    %max3A = arith.constant 0.000000e+00 : f32
    %max3A_65 = vector.broadcast %max3A : f32 to vector<1280x128xf32>
    %max3A_66 = arith.maximumf %add3A_64, %max3A_65 : vector<1280x128xf32>
    %get3A_67 = arith.constant 0 : index
    %get3A_68 = arith.constant 0 : index
    %get3A_69 = vector.load %arg7[%get3A_67, %get3A_68] : memref<128x128xf32, #tpu.memory_space<vmem>>, vector<128x128xf32>
    %dot_general3A_70 = arith.constant dense<0.000000e+00> : vector<1280x128xf32>
    %dot_general3A_71 = tpu.matmul %max3A_66, %get3A_69, %dot_general3A_70 {dimension_numbers = #tpu.dot_dimension_numbers<[1], [0], [0], [1], [0, 0, 1, 1], [], []>, transpose_lhs_hint = false} : vector<1280x128xf32>, vector<128x128xf32>, vector<1280x128xf32> -> vector<1280x128xf32>
    %get3A_72 = arith.constant 0 : index
    %get3A_73 = arith.constant 0 : index
    %get3A_74 = vector.load %arg9[%get3A_72, %get3A_73] : memref<1x128xf32, #tpu.memory_space<vmem>>, vector<1x128xf32>
    %add3A_75 = vector.broadcast %get3A_74 : vector<1x128xf32> to vector<1280x128xf32>
    %add3A_76 = arith.addf %dot_general3A_71, %add3A_75 : vector<1280x128xf32>
    %jit3A_77 = arith.constant 0.000000e+00 : f32
    %broadcast_in_dim3A_78 = vector.shape_cast %lt3A_3 : vector<1280x1xi1> to vector<1280x1xi1>
    %broadcast_in_dim3A_79 = vector.broadcast %broadcast_in_dim3A_78 : vector<1280x1xi1> to vector<1280x128xi1>
    %broadcast_in_dim3A_80 = vector.broadcast %jit3A_77 : f32 to vector<1280x128xf32>
    %select_n3A_81 = arith.select %broadcast_in_dim3A_79, %add3A_76, %broadcast_in_dim3A_80 : vector<1280x128xi1>, vector<1280x128xf32>
    %get3A_82 = arith.constant 0 : index
    %get3A_83 = arith.constant 0 : index
    %get3A_84 = vector.load %arg8[%get3A_82, %get3A_83] : memref<128x32xf32, #tpu.memory_space<vmem>>, vector<128x32xf32>
    %dot_general3A_85 = arith.constant dense<0.000000e+00> : vector<1280x32xf32>
    %dot_general3A_86 = tpu.matmul %select_n3A_81, %get3A_84, %dot_general3A_85 {dimension_numbers = #tpu.dot_dimension_numbers<[1], [0], [0], [1], [0, 0, 1, 1], [], []>, transpose_lhs_hint = false} : vector<1280x128xf32>, vector<128x32xf32>, vector<1280x32xf32> -> vector<1280x32xf32>
    %jit3A_87 = arith.constant 0.000000e+00 : f32
    %broadcast_in_dim3A_88 = vector.shape_cast %lt3A_3 : vector<1280x1xi1> to vector<1280x1xi1>
    %broadcast_in_dim3A_89 = vector.broadcast %broadcast_in_dim3A_88 : vector<1280x1xi1> to vector<1280x32xi1>
    %broadcast_in_dim3A_90 = vector.broadcast %jit3A_87 : f32 to vector<1280x32xf32>
    %select_n3A_91 = arith.select %broadcast_in_dim3A_89, %dot_general3A_86, %broadcast_in_dim3A_90 : vector<1280x32xi1>, vector<1280x32xf32>
    %swap3A = arith.constant 0 : index
    %swap3A_92 = arith.constant 0 : index
    %swap3A_93 = vector.load %arg10[%swap3A, %swap3A_92] : memref<1280x128xf32, #tpu.memory_space<vmem>>, vector<1280x128xf32>
    tpu.vector_store %arg10[%swap3A, %swap3A_92], %select_n3A_81 {strides = array<i32>} : memref<1280x128xf32, #tpu.memory_space<vmem>>, vector<1280x128xf32>,
    %slice3A = vector.extract_strided_slice %select_n3A_91 {offsets = [0, 0], sizes = [1280, 16], strides = [1, 1]} : vector<1280x32xf32> to vector<1280x16xf32>
    %swap3A_94 = arith.constant 0 : index
    %swap3A_95 = arith.constant 0 : index
    %swap3A_96 = vector.load %arg11[%swap3A_94, %swap3A_95] : memref<1280x16xf32, #tpu.memory_space<vmem>>, vector<1280x16xf32>
    tpu.vector_store %arg11[%swap3A_94, %swap3A_95], %slice3A {strides = array<i32>} : memref<1280x16xf32, #tpu.memory_space<vmem>>, vector<1280x16xf32>,
    %slice3A_97 = vector.extract_strided_slice %select_n3A_91 {offsets = [0, 16], sizes = [1280, 16], strides = [1, 1]} : vector<1280x32xf32> to vector<1280x16xf32>
    %swap3A_98 = arith.constant 0 : index
    %swap3A_99 = arith.constant 0 : index
    %swap3A_100 = vector.load %arg12[%swap3A_98, %swap3A_99] : memref<1280x16xf32, #tpu.memory_space<vmem>>, vector<1280x16xf32>
    tpu.vector_store %arg12[%swap3A_98, %swap3A_99], %slice3A_97 {strides = array<i32>} : memref<1280x16xf32, #tpu.memory_space<vmem>>, vector<1280x16xf32>,
    return
  }
  func.func @transform_0(%arg0: i32) -> (i32, i32, i32) {
    %c0_i32 = arith.constant 0 : i32
    %c0_i32_0 = arith.constant 0 : i32
    %c0_i32_1 = arith.constant 0 : i32
    return %c0_i32, %arg0, %c0_i32_0 : i32, i32, i32
  }
  func.func @transform_1(%arg0: i32) -> (i32, i32, i32) {
    %c0_i32 = arith.constant 0 : i32
    %c0_i32_0 = arith.constant 0 : i32
    %c0_i32_1 = arith.constant 0 : i32
    return %c0_i32, %arg0, %c0_i32_0 : i32, i32, i32
  }
  func.func @transform_2(%arg0: i32) -> (i32, i32) {
    %c0_i32 = arith.constant 0 : i32
    %c0_i32_0 = arith.constant 0 : i32
    %c0_i32_1 = arith.constant 0 : i32
    return %c0_i32, %c0_i32_0 : i32, i32
  }
  func.func @transform_3(%arg0: i32) -> (i32, i32) {
    %c0_i32 = arith.constant 0 : i32
    %c0_i32_0 = arith.constant 0 : i32
    %c0_i32_1 = arith.constant 0 : i32
    return %c0_i32, %c0_i32_0 : i32, i32
  }
  func.func @transform_4(%arg0: i32) -> (i32, i32) {
    %c0_i32 = arith.constant 0 : i32
    %c0_i32_0 = arith.constant 0 : i32
    %c0_i32_1 = arith.constant 0 : i32
    return %c0_i32, %c0_i32_0 : i32, i32
  }
  func.func @transform_5(%arg0: i32) -> (i32, i32) {
    %c0_i32 = arith.constant 0 : i32
    %c0_i32_0 = arith.constant 0 : i32
    %c0_i32_1 = arith.constant 0 : i32
    return %c0_i32, %c0_i32_0 : i32, i32
  }
  func.func @transform_6(%arg0: i32) -> (i32, i32) {
    %c0_i32 = arith.constant 0 : i32
    %c0_i32_0 = arith.constant 0 : i32
    %c0_i32_1 = arith.constant 0 : i32
    return %c0_i32, %c0_i32_0 : i32, i32
  }
  func.func @transform_7(%arg0: i32) -> (i32, i32) {
    %c0_i32 = arith.constant 0 : i32
    %c0_i32_0 = arith.constant 0 : i32
    %c0_i32_1 = arith.constant 0 : i32
    return %c0_i32, %c0_i32_0 : i32, i32
  }
  func.func @transform_8(%arg0: i32) -> (i32, i32) {
    %c0_i32 = arith.constant 0 : i32
    %c0_i32_0 = arith.constant 0 : i32
    %c0_i32_1 = arith.constant 0 : i32
    return %c0_i32, %c0_i32_0 : i32, i32
  }
  func.func @transform_9(%arg0: i32) -> (i32, i32) {
    %c0_i32 = arith.constant 0 : i32
    %c0_i32_0 = arith.constant 0 : i32
    return %arg0, %c0_i32 : i32, i32
  }
  func.func @transform_10(%arg0: i32) -> (i32, i32) {
    %c0_i32 = arith.constant 0 : i32
    %c0_i32_0 = arith.constant 0 : i32
    return %arg0, %c0_i32 : i32, i32
  }
  func.func @transform_11(%arg0: i32) -> (i32, i32) {
    %c0_i32 = arith.constant 0 : i32
    %c0_i32_0 = arith.constant 0 : i32
    return %arg0, %c0_i32 : i32, i32
  }
}

</mosaic_0001>

<sc_bundles>
// kernel: closed_call.15.cloned.1.call-start
scs
__scs_entry_jumppad:
0x0: {  	(pc) =	sbr.rel $0x88, $3  }
0x1: {  	(tag) =	ssettag $0x0;
	lr =	simm.s32 $0x1  }
0x2: {  	[smem:$0x3F91] =	sst lr;
	_ =	strace $0xD0000000  }
0x3: {  	_ = 	snop  }
0x4: {  	_ = 	snop  }
0x5: {  	_ = 	snop  }
0x6: {  	_ = 	snop  }
0x7: {  	_ = 	snop  }
__scs_overlays_trampoline_lowered:
0x8: {  	[smem:$0x3FA0] =	sst s0  }
0x9: {  	[smem:$0x3FA1] =	sst s1  }
0xa: {  	[smem:$0x3FA2] =	sst s2  }
0xb: {  	[smem:$0x3FA3] =	sst s3  }
0xc: {  	[smem:$0x3FA4] =	sst s4  }
0xd: {  	[smem:$0x3FA5] =	sst s5  }
0xe: {  	[smem:$0x3FA6] =	sst s6  }
0xf: {  	[smem:$0x3FA7] =	sst s7  }
0x10: {  	[smem:$0x3FA8] =	sst s8  }
0x11: {  	[smem:$0x3FA9] =	sst s9;
	s0 =	simm.s32 @!p0 $0x0  }
0x12: {  	s1 =	sld [smem:$0x3F8F];
	s0 =	simm.s32 @p0 $0x1  }
0x13: {  	[smem:$0x3FAA] =	sst s0;
	s0 =	simm.s32 @!p1 $0x0  }
0x14: {  	s2 =	sld [smem:$0x3F8E];
	s0 =	simm.s32 @p1 $0x1  }
0x15: {  	[smem:$0x3FAB] =	sst s0;
	s0 =	simm.s32 @!p2 $0x0  }
0x16: {  	s3 =	sld [smem:$0x3FDB];
	s0 =	simm.s32 @p2 $0x1  }
0x17: {  	s4 =	simm.s32 $0x1BF5;
	[smem:$0x3FAD] =	sst s0  }
0x18: {  	s0 =	sld [smem:$0x3F90];
	_ =	swait.ge [sflag:s4], $0x0  }
0x19: {  	s7 =	sld [smem:$0x3F91]  }
0x1a: {  	s8 =	sadd.s32 $0xFFFFE003, lr  }
0x1b: {  	s9 =	sadd.s32 $0xFFFFFEF7, lr;
	s5 =	simm.s32 $0xFFFFFFFF;
	p2 =	slt.u32 s8, $0xFFFFF086  }
0x1c: {  	p1 =	slt.u32 s9, $0xF7A;
	s5 =	simm.s32 @!p2 $0x0  }
0x1d: {  	s5 =	simm.s32 @p1 $0x1;
	p0 =	seq.s32 s7, s2  }
0x1e: {  	s7 =	smul.u32 @!p0 $0xF7A, s2;
	p2 =	seq.s32 @!p0 s5, $0x0  }
0x1f: {  	s9 =	smul.u32 $0xF7A, s1;
	s8 =	simm.s32 @!p0 $0x1BF5;
	p2 =	por !p2, p0  }
0x20: {  	[sflag:s8] =	ssyncset.s32 @!p0 $0xFFFFF086;
	s6 =	sadd.s32 @!p0 s3, s7;
	s7 =	simm.s32 @!p0 $0x108  }
0x21: {  	s3 =	sadd.s32 s3, s9;
	s6 =	sadd.s32 @!p0 $0x88, s6;
	s7 =	simm.s32 @p2 $0x1082  }
0x22: {  	[simem:s7], [sflag:s8] =	dma.local @!p0 [hbm:s6], $0xF7A  }
0x23: {  	s9 =	sor.u32 $0xD0000000, s2;
	s6 =	simm.s32 $0x108;
	_ =	swait.ge @!p0 [sflag:s8], $0x0  }
0x24: {  	s3 =	sadd.s32 $0x88, s3;
	s6 =	simm.s32 @!p1 $0x1082;
	[sflag:s4] =	ssyncset.s32 $0xFFFFF086  }
0x25: {  	[simem:s6], [sflag:s4] =	dma.local [hbm:s3], $0xF7A  }
0x26: {  	[smem:$0x3F91] =	sst s1;
	(tag) =	ssettag s2;
	_ =	strace s9  }
0x27: {  	s1 =	sld [smem:$0x3FA1]  }
0x28: {  	s2 =	sld [smem:$0x3FA2]  }
0x29: {  	s4 =	sld [smem:$0x3FA4]  }
0x2a: {  	p0 =	seq.s32 s5, $0x0;
	s5 =	sld [smem:$0x3FA5]  }
0x2b: {  	s6 =	sld [smem:$0x3FA6]  }
0x2c: {  	s7 =	sld [smem:$0x3FA7]  }
0x2d: {  	s3 =	simm.s32 $0x108;
	s8 =	sld [smem:$0x3FA8]  }
0x2e: {  	s3 =	simm.s32 @!p0 $0x1082;
	s9 =	sld [smem:$0x3FA9]  }
0x2f: {  	lr =	sadd.s32 s0, s3;
	s0 =	sld [smem:$0x3FA0]  }
0x30: {  	s3 =	sld [smem:$0x3FA3]  }
0x31: {  	[smem:$0x3FAC] =	sst s10  }
0x32: {  	s10 =	sld [smem:$0x3FAA];
	_ =	sdelay $0x3  }
0x33: {  	p0 =	seq.s32 s10, $0x1;
	s10 =	sld [smem:$0x3FAC];
	_ =	sdelay $0x3  }
0x34: {  	[smem:$0x3FAC] =	sst s10  }
0x35: {  	s10 =	sld [smem:$0x3FAB];
	_ =	sdelay $0x3  }
0x36: {  	p1 =	seq.s32 s10, $0x1;
	s10 =	sld [smem:$0x3FAC];
	_ =	sdelay $0x3  }
0x37: {  	[smem:$0x3FAC] =	sst s10  }
0x38: {  	s10 =	sld [smem:$0x3FAD]  }
0x39: {  	_ = 	snop;
	(pc) =	sbr.ind lr, $3  }
0x3a: {  	_ = 	snop  }
0x3b: {  	_ = 	snop  }
0x3c: {  	p2 =	seq.s32 s10, $0x1;
	s10 =	sld [smem:$0x3FAC]  }
0x3d: {  	_ =	shalt  }
0x3e: {  	_ =	shalt  }
0x3f: {  	_ =	shalt  }
0x40: {  	_ =	shalt  }
0x41: {  	_ =	shalt  }
0x42: {  	_ =	shalt  }
0x43: {  	_ =	shalt  }
0x44: {  	_ =	shalt  }
0x45: {  	_ =	shalt  }
0x46: {  	_ =	shalt  }
0x47: {  	_ =	shalt  }
0x48: {  	_ =	shalt  }
0x49: {  	_ =	shalt  }
0x4a: {  	_ =	shalt  }
0x4b: {  	_ =	shalt  }
0x4c: {  	_ =	shalt  }
0x4d: {  	_ =	shalt  }
0x4e: {  	_ =	shalt  }
0x4f: {  	_ =	shalt  }
0x50: {  	_ =	shalt  }
0x51: {  	_ =	shalt  }
0x52: {  	_ =	shalt  }
0x53: {  	_ =	shalt  }
0x54: {  	_ =	shalt  }
0x55: {  	_ =	shalt  }
0x56: {  	_ =	shalt  }
0x57: {  	_ =	shalt  }
0x58: {  	_ =	shalt  }
0x59: {  	_ =	shalt  }
0x5a: {  	_ =	shalt  }
0x5b: {  	_ =	shalt  }
0x5c: {  	_ =	shalt  }
0x5d: {  	_ =	shalt  }
0x5e: {  	_ =	shalt  }
0x5f: {  	_ =	shalt  }
0x60: {  	_ =	shalt  }
0x61: {  	_ =	shalt  }
0x62: {  	_ =	shalt  }
0x63: {  	_ =	shalt  }
0x64: {  	_ =	shalt  }
0x65: {  	_ =	shalt  }
0x66: {  	_ =	shalt  }
0x67: {  	_ =	shalt  }
0x68: {  	_ =	shalt  }
0x69: {  	_ =	shalt  }
0x6a: {  	_ =	shalt  }
0x6b: {  	_ =	shalt  }
0x6c: {  	_ =	shalt  }
0x6d: {  	_ =	shalt  }
0x6e: {  	_ =	shalt  }
0x6f: {  	_ =	shalt  }
0x70: {  	_ =	shalt  }
0x71: {  	_ =	shalt  }
0x72: {  	_ =	shalt  }
0x73: {  	_ =	shalt  }
0x74: {  	_ =	shalt  }
0x75: {  	_ =	shalt  }
0x76: {  	_ =	shalt  }
0x77: {  	_ =	shalt  }
0x78: {  	_ =	shalt  }
0x79: {  	_ =	shalt  }
0x7a: {  	_ =	shalt  }
0x7b: {  	_ =	shalt  }
0x7c: {  	_ =	shalt  }
0x7d: {  	_ =	shalt  }
0x7e: {  	_ =	shalt  }
0x7f: {  	_ =	shalt  }
0x80: {  	_ =	shalt  }
0x81: {  	_ =	shalt  }
0x82: {  	_ =	shalt  }
0x83: {  	_ =	shalt  }
0x84: {  	_ =	shalt  }
0x85: {  	_ =	shalt  }
0x86: {  	_ =	shalt  }
0x87: {  	_ =	shalt  }
.Lfunc_end0:
.L_simem_size_0:
called_computation_lowered:
.L_overlay_start_0:
0x88: {  	s2 =	sld [smem:$0x3FD9]  }
0x89: {  	s3 =	sld [smem:$0x3FFE];
	_ =	sdelay $0x1  }
0x8a: {  	s1 =	srdreg.scid  }
0x8b: {  	s0 =	sand.u32 $0x1, s1  }
0x8c: {  	s17 =	sshll.u32 s0, $0xA;
	s2 =	sadd.s32 s3, s2  }
0x8d: {  	s2 =	sadd.s32 s2, s17  }
0x8e: {  	[smem:$0x3FB8] =	sst s2  }
0x8f: {  	_ = 	snop  }
0x90: {  	s2 =	sld [smem:$0x3FD0];
	(tm) =	ssettm $0x1  }
0x91: {  	s18 =	sld [smem:$0x3FFB];
	_ =	sdelay $0x3  }
0x92: {  	_ =	strace s18  }
0x93: {  	s3 =	sld [smem:$0x3FFC];
	_ =	sdelay $0x3  }
0x94: {  	_ =	strace s3  }
0x95: {  	s3 =	sld [smem:$0x3FFD];
	_ =	sdelay $0x3  }
0x96: {  	_ =	strace s3  }
0x97: {  	_ =	strace $0x8FFFFFFF  }
0x98: {  	s19 =	sld [smem:$0x3FDB];
	_ =	sdelay $0x1  }
0x99: {  	s4 =	simm.s32 $_scs_section_size  }
0x9a: {  	s5 =	simm.s32 $_size__tile_overlayer_lowered;
	s6 =	simm.s32 $_tile_overlayer_lowered  }
0x9b: {  	s22 =	simm.s32 $0x1BFF;
	s21 =	sshll.u32 s6, $0x1;
	s3 =	sadd.s32 s4, s19  }
0x9c: {  	s7 =	simm.s32 $0x0;
	s20 =	sshll.u32 s5, $0x1;
	s5 =	sadd.s32 s21, s3  }
0x9d: {  	[timem:s7], [sflag:s22] =	dma.local [hbm:s5], s20  }
0x9e: {  	_ =	swait.ge [sflag:s22], s20  }
0x9f: {  	s4 =	ssub.s32 $0x0, s20;
	[sflag:s22] =	ssyncset.done $0x0  }
0xa0: {  	[sflag:s22] =	ssyncadd.s32 s4;
	_ =	sdelay $0x1  }
0xa1: {  	s23 =	simm.s32 $0x1B8B  }
0xa2: {  	_ =	swait.ge [sflag:s23], $0x1  }
0xa3: {  	[sflag:s23] =	ssyncset.done $0x0  }
0xa4: {  	s25 =	simm.s32 $0x1B8E;
	s24 =	sld [smem:$0x3FFE];
	[sflag:s23] =	ssyncadd.s32 $0xFFFFFFFF  }
0xa5: {  	s26 =	simm.s32 $execute0_lowered;
	[smem:$0x3FD2] =	sst s25  }
0xa6: {  	s5 =	sshll.u32 s26, $0x1;
	_ =	strace $0x80000046;
	[dreg:$0x1] =	wrdreg $0xFFFFFFFF  }
0xa7: {  	s28 =	simm.s32 $_size_execute0_lowered;
	s3 =	sadd.s32 s3, s5;
	[dreg:$0x0] =	wrdreg $0x0  }
0xa8: {  	s5 =	sshll.u32 s28, $0x1;
	[dreg:$0x2] =	wrdreg s3  }
0xa9: {  	[dreg:$0x3] =	wrdreg s5  }
0xaa: {  	[dreg:$0x4] =	wrdreg $0xC0  }
0xab: {  	_ =	task [dreg:s7], $0x5FFFF  }
0xac: {  	[dreg:$0x1] =	wrdreg $0xFFFFFFFF  }
0xad: {  	[dreg:$0x0] =	wrdreg $0x60  }
0xae: {  	[dreg:$0x2] =	wrdreg s24  }
0xaf: {  	[dreg:$0x3] =	wrdreg s2  }
0xb0: {  	[dreg:$0x4] =	wrdreg $0x59000  }
0xb1: {  	[dreg:$0x5] =	wrdreg $0x199000  }
0xb2: {  	[dreg:$0x6] =	wrdreg $0x9  }
0xb3: {  	_ =	task.clear_ibuf [dreg:s7], $0x7FFFF;
	_ =	strace $0x90000046  }
0xb4: {  	s29 =	simm.s32 $0x9;
	_ =	strace $0x80000048  }
0xb5: {  	_ =	swait.ge [sflag:s29], $0x1  }
0xb6: {  	[sflag:s29] =	ssyncadd.s32 $0xFFFFFFFF  }
0xb7: {  	_ =	strace $0x90000048  }
0xb8: {  	_ =	sfence  }
0xb9: {  	s30 =	sld [smem:$0x0];
	_ =	sdelay $0x2  }
0xba: {  	s31 =	sshll.u32 s1, $0xD;
	s1 =	sshrl.u32 s1, $0x2  }
0xbb: {  	s3 =	sand.u32 $0x4000, s31;
	s1 =	sadd.s32 s1, s30  }
0xbc: {  	s0 =	sor.u32 s3, s0;
	s1 =	sshll.u32 s1, $0x11  }
0xbd: {  	s0 =	sor.u32 s1, s0  }
0xbe: {  	s0 =	sadd.s32 $0x8F2B, s0  }
0xbf: {  	[sflag:s0] =	ssyncadd.remote.s32 $0x1  }
0xc0: {  	_ =	sfence.sel $0xFFFF  }
0xc1: {  	[dreg:$0x0] =	wrdreg $0xFFFFFFFF;
	(pc) =	sbr.abs _section_cstart, $3  }
0xc2: {  	[dreg:$0x1] =	wrdreg $0xFFFFFFFF  }
0xc3: {  	_ =	task.clear_ibuf [dreg:s7], $0x2FFFF;
	_ =	strace $0x9FFFFFFF  }
0xc4: {  	(tm) =	ssettm $0x7FFFFFFF  }
0xc5: {  	_ =	shalt  }
tec
execute0_lowered:
.L_overlay_start_1:
0x0: {  	(tag) =	ssettag $0x1  }
0x1: {  	s0 =	srdreg.scid  }
0x2: {  	s4 =	stileid.u32;
	s1 =	rddreg [dreg:$0x0];
	s2 =	sand.u32 $0x1, s0  }
0x3: {  	s26 =	stileid.u32;
	s10 =	smul.u32 $0x280, s4;
	s0 =	ssub.s32 $0x2, s2  }
0x4: {  	s11 =	sadd.s32 $0x98200, s1;
	s18 =	smul.u32 $0x140000, s2;
	s3 =	sshrl.u32 s0, $0x1  }
0x5: {  	s14 =	sor.u32 $0x40, s10;
	s15 =	sadd.s32 $0x80, s10;
	s16 =	sadd.s32 $0xC0, s10  }
0x6: {  	s17 =	sadd.s32 $0x100, s10;
	s19 =	sadd.s32 $0x140, s10;
	s20 =	sadd.s32 $0x180, s10  }
0x7: {  	s21 =	sadd.s32 $0x1C0, s10;
	s22 =	sadd.s32 $0x200, s10;
	s23 =	sadd.s32 $0x240, s10  }
0x8: {  	s0 =	ssub.s32 s0, s3;
	s3 =	smul.u32 $0x14000, s4;
	s6 =	sshll.u32 s14, $0x7  }
0x9: {  	s4 =	sshll.u32 s15, $0x7;
	s5 =	sshll.u32 s16, $0x7;
	s7 =	sshll.u32 s17, $0x7  }
0xa: {  	s9 =	sshll.u32 s19, $0x7;
	s8 =	sshll.u32 s20, $0x7;
	s14 =	sshll.u32 s14, $0x4  }
0xb: {  	s15 =	sshll.u32 s15, $0x4;
	s16 =	sshll.u32 s16, $0x4;
	s24 =	sadd.s32 s18, s6  }
0xc: {  	s17 =	sshll.u32 s17, $0x4;
	s12 =	sadd.s32 s3, s18;
	s10 =	sshrl.u32 s24, $0x3  }
0xd: {  	s25 =	sadd.s32 s18, s4;
	s12 =	sshrl.u32 s12, $0x3;
	s10 =	sadd.s32 s11, s10  }
0xe: {  	s24 =	sshrl.u32 s25, $0x3;
	s13 =	sadd.s32 s11, s12;
	[dreg:$0x6] =	wrdreg s10  }
0xf: {  	s19 =	sshll.u32 s19, $0x4;
	s10 =	sadd.s32 s11, s24;
	[dreg:$0x5] =	wrdreg s13  }
0x10: {  	s24 =	sadd.s32 s18, s9;
	s13 =	sadd.s32 s18, s5;
	[dreg:$0x7] =	wrdreg s10  }
0x11: {  	s24 =	sshrl.u32 s24, $0x3;
	s25 =	sshrl.u32 s13, $0x3;
	s13 =	sadd.s32 s18, s7  }
0x12: {  	s12 =	sadd.s32 s11, s25;
	s10 =	sshrl.u32 s13, $0x3;
	s25 =	sadd.s32 s18, s8  }
0x13: {  	[dreg:$0x8] =	wrdreg s12;
	s10 =	sadd.s32 s11, s10;
	s25 =	sshrl.u32 s25, $0x3  }
0x14: {  	s12 =	sshll.u32 s22, $0x7;
	[dreg:$0x9] =	wrdreg s10;
	s13 =	sadd.s32 s11, s25  }
0x15: {  	s10 =	sadd.s32 s11, s24;
	[dreg:$0xb] =	wrdreg s13;
	s13 =	sshll.u32 s21, $0x7  }
0x16: {  	[dreg:$0xa] =	wrdreg s10;
	s10 =	sshll.u32 s23, $0x7;
	s24 =	sadd.s32 s18, s13  }
0x17: {  	s25 =	sadd.s32 s18, s12;
	s18 =	sadd.s32 s18, s10;
	s24 =	sshrl.u32 s24, $0x3  }
0x18: {  	[smem:$0x7F9] =	sst s0;
	s18 =	sshrl.u32 s18, $0x3;
	s24 =	sadd.s32 s11, s24  }
0x19: {  	[dreg:$0xc] =	wrdreg s24;
	s24 =	sadd.s32 s11, s18;
	s18 =	smul.u32 $0x2800, s26  }
0x1a: {  	s0 =	sshrl.u32 s25, $0x3;
	[dreg:$0xe] =	wrdreg s24;
	s24 =	smul.u32 $0x28000, s2  }
0x1b: {  	s31 =	sshll.u32 s20, $0x4;
	s21 =	sshll.u32 s21, $0x4;
	s25 =	sadd.s32 s11, s0  }
0x1c: {  	s0 =	sshll.u32 s22, $0x4;
	[dreg:$0xd] =	wrdreg s25;
	s25 =	sadd.s32 s18, s24  }
0x1d: {  	s26 =	sadd.s32 s24, s14;
	s20 =	sshrl.u32 s25, $0x3;
	s25 =	rddreg [dreg:$0x1]  }
0x1e: {  	s11 =	simm.s32 $0x0;
	s26 =	sshrl.u32 s26, $0x3;
	s20 =	sadd.s32 s25, s20  }
0x1f: {  	s22 =	sadd.s32 s24, s15;
	[dreg:$0xf] =	wrdreg s20;
	s20 =	sadd.s32 s25, s26  }
0x20: {  	s26 =	sadd.s32 s24, s16;
	[dreg:$0x10] =	wrdreg s20;
	s20 =	sshrl.u32 s22, $0x3  }
0x21: {  	s22 =	sshrl.u32 s26, $0x3;
	s26 =	sadd.s32 s24, s17;
	s20 =	sadd.s32 s25, s20  }
0x22: {  	s22 =	sadd.s32 s25, s22;
	s26 =	sshrl.u32 s26, $0x3;
	[dreg:$0x11] =	wrdreg s20  }
0x23: {  	[dreg:$0x12] =	wrdreg s22;
	s20 =	sadd.s32 s25, s26;
	s22 =	sadd.s32 s24, s19  }
0x24: {  	s26 =	sadd.s32 s24, s31;
	[dreg:$0x13] =	wrdreg s20;
	s20 =	sshrl.u32 s22, $0x3  }
0x25: {  	[smem:$0x7FF] =	sst s11;
	s22 =	sshrl.u32 s26, $0x3;
	s20 =	sadd.s32 s25, s20  }
0x26: {  	s26 =	sadd.s32 s24, s21;
	s22 =	sadd.s32 s25, s22;
	[dreg:$0x14] =	wrdreg s20  }
0x27: {  	s23 =	sshll.u32 s23, $0x4;
	[dreg:$0x15] =	wrdreg s22;
	s22 =	sshrl.u32 s26, $0x3  }
0x28: {  	s26 =	sadd.s32 s24, s0;
	s20 =	sadd.s32 s25, s22;
	s22 =	rddreg [dreg:$0x3]  }
0x29: {  	s24 =	sadd.s32 s24, s23;
	s26 =	sshrl.u32 s26, $0x3;
	[dreg:$0x16] =	wrdreg s20  }
0x2a: {  	s24 =	sshrl.u32 s24, $0x3;
	s20 =	rddreg [dreg:$0x2];
	s26 =	sadd.s32 s25, s26  }
0x2b: {  	s24 =	sadd.s32 s25, s24;
	[dreg:$0x17] =	wrdreg s26  }
0x2c: {  	[dreg:$0x18] =	wrdreg s24;
	s4 =	sadd.s32 s4, s20  }
0x2d: {  	s7 =	sadd.s32 s7, s20;
	_ =	strace $0x80000047;
	[dreg:$0x1d] =	wrdreg s4  }
0x2e: {  	s28 =	sadd.s32 $0x52200, s1;
	s0 =	sadd.s32 s0, s22;
	[smem:$0x7ED] =	sst s7  }
0x2f: {  	s29 =	sadd.s32 $0x93200, s1;
	s18 =	sadd.s32 s18, s22;
	[smem:$0x7F4] =	sst s0  }
0x30: {  	s30 =	sadd.s32 $0x8E200, s1;
	s14 =	sadd.s32 s14, s22;
	[dreg:$0x1a] =	wrdreg s18  }
0x31: {  	s2 =	sshll.u32 s2, $0x4;
	s15 =	sadd.s32 s15, s22;
	[dreg:$0x1c] =	wrdreg s14  }
0x32: {  	s25 =	sadd.s32 $0x7A200, s1;
	s16 =	sadd.s32 s16, s22;
	[dreg:$0x1e] =	wrdreg s15  }
0x33: {  	s17 =	sadd.s32 s17, s22;
	s26 =	sadd.s32 $0x84200, s1;
	[smem:$0x7FB] =	sst s16  }
0x34: {  	s24 =	stileid.u32;
	s13 =	sadd.s32 s13, s20;
	[smem:$0x7FC] =	sst s17  }
0x35: {  	s1 =	sor.u32 s24, s2;
	s24 =	sadd.s32 s3, s20;
	[smem:$0x7FD] =	sst s13  }
0x36: {  	s3 =	sadd.s32 s6, s20;
	[dreg:$0x19] =	wrdreg s24  }
0x37: {  	s6 =	sadd.s32 s5, s20;
	[dreg:$0x1b] =	wrdreg s3  }
0x38: {  	s4 =	sadd.s32 s8, s20;
	[dreg:$0x1f] =	wrdreg s6  }
0x39: {  	s5 =	sadd.s32 s31, s22;
	[smem:$0x7F0] =	sst s4  }
0x3a: {  	s7 =	sadd.s32 s12, s20;
	[smem:$0x7F1] =	sst s5  }
0x3b: {  	s12 =	sadd.s32 s23, s22;
	[smem:$0x7F3] =	sst s7  }
0x3c: {  	s31 =	simm.s32 $0x3;
	s2 =	simm.s32 $0x480;
	[smem:$0x7F6] =	sst s12  }
0x3d: {  	s24 =	sadd.s32 s9, s20;
	s3 =	sadd.s32 s19, s22;
	s23 =	sld [smem:$0x7F9]  }
0x3e: {  	s6 =	sadd.s32 s21, s22;
	s8 =	smul.u32 $0x4F0, s1;
	[smem:$0x7EE] =	sst s24  }
0x3f: {  	s9 =	sadd.s32 s10, s20;
	s10 =	smul.u32 $0x9E, s1;
	[smem:$0x7EF] =	sst s3  }
0x40: {  	s1 =	simm.s32 $0x80;
	s4 =	simm.s32 $0x2CC0;
	[smem:$0x7F2] =	sst s6  }
0x41: {  	s5 =	simm.s32 $0x3500;
	s7 =	simm.s32 $0x0;
	[smem:$0x7F5] =	sst s9  }
0x42: {  	s3 =	simm.s32 $0x2C80;
	s9 =	simm.s32 $0x2;
	s19 =	sadd.s32 s25, s8  }
0x43: {  	s21 =	sadd.s32 s26, s8;
	s24 =	sor.u32 $0x1, s10;
	[smem:$0x7F7] =	sst s19  }
0x44: {  	v0 =	vimm.f32 $0.0e+00;
	v3 =	vimm.s32 $0x0;
	v4 =	vimm.s32 $0x1;
	s8 =	simm.s32 $0x1;
	[smem:$0x7F8] =	sst s21;
	s19 =	sadd.s32 $0x2, s10  }
0x45: {  	v5 =	vimm.s32 $0x2;
	v6 =	vimm.s32 $0x3;
	v7 =	vimm.s32 $0x4;
	s0 =	smax.u32 s23, $0x1;
	s23 =	simm.s32 $0x880;
	s21 =	simm.s32 $0x2880  }
0x46: {  	v8 =	vimm.s32 $0x5;
	v1 =	vimm.s32 $0x6;
	v2 =	vimm.s32 $0x7;
	s10 =	simm.s32 $0x5500;
	[smem:$0x7FA] =	sst s0;
	s0 =	simm.s32 $0x40  }
.LBB2_1:
0x47: {  	s6 =	simm.s32 $0x8C0  }
0x48: {  	[tilespmem:s6+$0xFFFFFFD0] =	vst v0  }
0x49: {  	[tilespmem:s6+$0xFFFFFFE0] =	vst v0  }
0x4a: {  	[tilespmem:s6+$0xFFFFFFF0] =	vst v0  }
0x4b: {  	[tilespmem:s6+$0x0] =	vst v0  }
0x4c: {  	[tilespmem:s6+$0x10] =	vst v0  }
0x4d: {  	[tilespmem:s6+$0x20] =	vst v0  }
0x4e: {  	[tilespmem:s6+$0x30] =	vst v0  }
0x4f: {  	[smem:$0x7EC] =	sst s7;
	s12 =	simm.s32 $0x0;
	s7 =	simm.s32 $0x40;
	[tilespmem:s6+$0xFFFFFFC0] =	vst v0  }
.LBB2_2:
0x50: {  	p0 =	sne.s32 s7, $0xFC0;
	[tilespmem:s12+$0x2880] =	vst v0;
	s6 =	sadd.s32 $0x80, s6  }
0x51: {  	[tilespmem:s6+$0xFFFFFFD0] =	vst v0  }
0x52: {  	[tilespmem:s6+$0xFFFFFFE0] =	vst v0  }
0x53: {  	[tilespmem:s6+$0xFFFFFFF0] =	vst v0  }
.Ltmp0:
0x54: {  	[tilespmem:s6+$0x0] =	vst v0;
	(pc) =	sbr.rel @p0 .LBB2_2-.Ltmp0, $4  }
0x55: {  	[tilespmem:s6+$0x10] =	vst v0  }
0x56: {  	[tilespmem:s6+$0x20] =	vst v0  }
0x57: {  	[tilespmem:s6+$0x30] =	vst v0  }
0x58: {  	s12 =	sshra.s32 s7, $0x2;
	s7 =	sadd.s32 $0x40, s7;
	[tilespmem:s6+$0xFFFFFFC0] =	vst v0  }
0x59: {  	[tilespmem:s12+$0x2880] =	vst v0;
	s6 =	rddreg [dreg:$0x19]  }
0x5a: {  	[spmem:s6] =	stream.linear.scatter [tilespmem:s23], [sflag:$0x3], $0x2000, $0x38;
	[tilespmem:$0x1C100] =	vst v63  }
0x5b: {  	_ =	swait.ge [sflag:s31], $0x2000  }
0x5c: {  	[sflag:s31] =	ssyncset.done $0x0  }
0x5d: {  	[sflag:s31] =	ssyncadd.s32 $0xFFFFE000  }
0x5e: {  	[spmem:s18] =	stream.linear.scatter [tilespmem:s21], [sflag:$0x3], $0x400, $0x38;
	[tilespmem:$0x1C100] =	vst v63  }
0x5f: {  	_ =	swait.ge [sflag:s31], $0x400  }
0x60: {  	[sflag:s31] =	ssyncset.done $0x0  }
0x61: {  	s7 =	rddreg [dreg:$0x1b];
	[sflag:s31] =	ssyncadd.s32 $0xFFFFFC00  }
0x62: {  	[spmem:s7] =	stream.linear.scatter [tilespmem:s23], [sflag:$0x3], $0x2000, $0x38;
	[tilespmem:$0x1C100] =	vst v63  }
0x63: {  	_ =	swait.ge [sflag:s31], $0x2000  }
0x64: {  	[sflag:s31] =	ssyncset.done $0x0  }
0x65: {  	[sflag:s31] =	ssyncadd.s32 $0xFFFFE000  }
0x66: {  	[spmem:s14] =	stream.linear.scatter [tilespmem:s21], [sflag:$0x3], $0x400, $0x38;
	[tilespmem:$0x1C100] =	vst v63  }
0x67: {  	_ =	swait.ge [sflag:s31], $0x400  }
0x68: {  	[sflag:s31] =	ssyncset.done $0x0  }
0x69: {  	s12 =	rddreg [dreg:$0x1d];
	[sflag:s31] =	ssyncadd.s32 $0xFFFFFC00  }
0x6a: {  	[spmem:s12] =	stream.linear.scatter [tilespmem:s23], [sflag:$0x3], $0x2000, $0x38;
	[tilespmem:$0x1C100] =	vst v63  }
0x6b: {  	_ =	swait.ge [sflag:s31], $0x2000  }
0x6c: {  	[sflag:s31] =	ssyncset.done $0x0  }
0x6d: {  	[sflag:s31] =	ssyncadd.s32 $0xFFFFE000  }
0x6e: {  	[spmem:s15] =	stream.linear.scatter [tilespmem:s21], [sflag:$0x3], $0x400, $0x38;
	[tilespmem:$0x1C100] =	vst v63  }
0x6f: {  	_ =	swait.ge [sflag:s31], $0x400  }
0x70: {  	[sflag:s31] =	ssyncset.done $0x0  }
0x71: {  	s14 =	rddreg [dreg:$0x1f];
	[sflag:s31] =	ssyncadd.s32 $0xFFFFFC00  }
0x72: {  	[spmem:s14] =	stream.linear.scatter [tilespmem:s23], [sflag:$0x3], $0x2000, $0x38;
	[tilespmem:$0x1C100] =	vst v63  }
0x73: {  	_ =	swait.ge [sflag:s31], $0x2000  }
0x74: {  	[sflag:s31] =	ssyncset.done $0x0  }
0x75: {  	[sflag:s31] =	ssyncadd.s32 $0xFFFFE000  }
0x76: {  	[spmem:s16] =	stream.linear.scatter [tilespmem:s21], [sflag:$0x3], $0x400, $0x38;
	[tilespmem:$0x1C100] =	vst v63  }
0x77: {  	_ =	swait.ge [sflag:s31], $0x400  }
0x78: {  	s15 =	sld [smem:$0x7ED]  }
0x79: {  	[sflag:s31] =	ssyncset.done $0x0  }
0x7a: {  	[sflag:s31] =	ssyncadd.s32 $0xFFFFFC00  }
0x7b: {  	[spmem:s15] =	stream.linear.scatter [tilespmem:s23], [sflag:$0x3], $0x2000, $0x38;
	[tilespmem:$0x1C100] =	vst v63  }
0x7c: {  	_ =	swait.ge [sflag:s31], $0x2000  }
0x7d: {  	[sflag:s31] =	ssyncset.done $0x0  }
0x7e: {  	[sflag:s31] =	ssyncadd.s32 $0xFFFFE000  }
0x7f: {  	[spmem:s17] =	stream.linear.scatter [tilespmem:s21], [sflag:$0x3], $0x400, $0x38;
	[tilespmem:$0x1C100] =	vst v63  }
0x80: {  	_ =	swait.ge [sflag:s31], $0x400  }
0x81: {  	s16 =	sld [smem:$0x7EE]  }
0x82: {  	[sflag:s31] =	ssyncset.done $0x0  }
0x83: {  	[sflag:s31] =	ssyncadd.s32 $0xFFFFFC00  }
0x84: {  	[spmem:s16] =	stream.linear.scatter [tilespmem:s23], [sflag:$0x3], $0x2000, $0x38;
	[tilespmem:$0x1C100] =	vst v63  }
0x85: {  	_ =	swait.ge [sflag:s31], $0x2000  }
0x86: {  	s17 =	sld [smem:$0x7EF]  }
0x87: {  	[sflag:s31] =	ssyncset.done $0x0  }
0x88: {  	[sflag:s31] =	ssyncadd.s32 $0xFFFFE000  }
0x89: {  	[spmem:s17] =	stream.linear.scatter [tilespmem:s21], [sflag:$0x3], $0x400, $0x38;
	[tilespmem:$0x1C100] =	vst v63  }
0x8a: {  	_ =	swait.ge [sflag:s31], $0x400  }
0x8b: {  	s18 =	sld [smem:$0x7F0]  }
0x8c: {  	[sflag:s31] =	ssyncset.done $0x0  }
0x8d: {  	[sflag:s31] =	ssyncadd.s32 $0xFFFFFC00  }
0x8e: {  	[spmem:s18] =	stream.linear.scatter [tilespmem:s23], [sflag:$0x3], $0x2000, $0x38;
	[tilespmem:$0x1C100] =	vst v63  }
0x8f: {  	_ =	swait.ge [sflag:s31], $0x2000  }
0x90: {  	s7 =	sld [smem:$0x7F1]  }
0x91: {  	[sflag:s31] =	ssyncset.done $0x0  }
0x92: {  	[sflag:s31] =	ssyncadd.s32 $0xFFFFE000  }
0x93: {  	[spmem:s7] =	stream.linear.scatter [tilespmem:s21], [sflag:$0x3], $0x400, $0x38;
	[tilespmem:$0x1C100] =	vst v63  }
0x94: {  	_ =	swait.ge [sflag:s31], $0x400  }
0x95: {  	[sflag:s31] =	ssyncset.done $0x0  }
0x96: {  	[sflag:s31] =	ssyncadd.s32 $0xFFFFFC00  }
0x97: {  	[spmem:s13] =	stream.linear.scatter [tilespmem:s23], [sflag:$0x3], $0x2000, $0x38;
	[tilespmem:$0x1C100] =	vst v63  }
0x98: {  	_ =	swait.ge [sflag:s31], $0x2000  }
0x99: {  	s12 =	sld [smem:$0x7F2]  }
0x9a: {  	[sflag:s31] =	ssyncset.done $0x0  }
0x9b: {  	[sflag:s31] =	ssyncadd.s32 $0xFFFFE000  }
0x9c: {  	[spmem:s12] =	stream.linear.scatter [tilespmem:s21], [sflag:$0x3], $0x400, $0x38;
	[tilespmem:$0x1C100] =	vst v63  }
0x9d: {  	_ =	swait.ge [sflag:s31], $0x400  }
0x9e: {  	s13 =	sld [smem:$0x7F3]  }
0x9f: {  	[sflag:s31] =	ssyncset.done $0x0  }
0xa0: {  	[sflag:s31] =	ssyncadd.s32 $0xFFFFFC00  }
0xa1: {  	[spmem:s13] =	stream.linear.scatter [tilespmem:s23], [sflag:$0x3], $0x2000, $0x38;
	[tilespmem:$0x1C100] =	vst v63  }
0xa2: {  	_ =	swait.ge [sflag:s31], $0x2000  }
0xa3: {  	s14 =	sld [smem:$0x7F4]  }
0xa4: {  	[sflag:s31] =	ssyncset.done $0x0  }
0xa5: {  	[sflag:s31] =	ssyncadd.s32 $0xFFFFE000  }
0xa6: {  	[spmem:s14] =	stream.linear.scatter [tilespmem:s21], [sflag:$0x3], $0x400, $0x38;
	[tilespmem:$0x1C100] =	vst v63  }
0xa7: {  	_ =	swait.ge [sflag:s31], $0x400  }
0xa8: {  	s15 =	sld [smem:$0x7F5]  }
0xa9: {  	[sflag:s31] =	ssyncset.done $0x0  }
0xaa: {  	[sflag:s31] =	ssyncadd.s32 $0xFFFFFC00  }
0xab: {  	[spmem:s15] =	stream.linear.scatter [tilespmem:s23], [sflag:$0x3], $0x2000, $0x38;
	[tilespmem:$0x1C100] =	vst v63  }
0xac: {  	_ =	swait.ge [sflag:s31], $0x2000  }
0xad: {  	s16 =	sld [smem:$0x7F6]  }
0xae: {  	[sflag:s31] =	ssyncset.done $0x0  }
0xaf: {  	[sflag:s31] =	ssyncadd.s32 $0xFFFFE000  }
0xb0: {  	[spmem:s16] =	stream.linear.scatter [tilespmem:s21], [sflag:$0x3], $0x400, $0x38;
	[tilespmem:$0x1C100] =	vst v63  }
0xb1: {  	_ =	swait.ge [sflag:s31], $0x400  }
0xb2: {  	[sflag:s31] =	ssyncset.done $0x0  }
0xb3: {  	[sflag:s31] =	ssyncadd.s32 $0xFFFFFC00  }
0xb4: {  	[bflag:$0x0] =	sbarrier.arrive $0xFFFF  }
0xb5: {  	s17 =	sld [smem:$0x7F7];
	_ =	sdelay $0x1  }
0xb6: {  	s13 =	simm.s32 $0x0  }
0xb7: {  	[tilespmem:s13], [sflag:$0x3] =	stream.linear.gather [hbm4b:s17+s13], $0x40, $0x38;
	[tilespmem:$0x1C100] =	vst v63  }
0xb8: {  	_ =	swait.ge [sflag:s31], $0x40  }
0xb9: {  	s18 =	sld [smem:$0x7F8]  }
0xba: {  	[sflag:s31] =	ssyncset.done $0x0  }
0xbb: {  	[sflag:s31] =	ssyncadd.s32 $0xFFFFFFC0  }
0xbc: {  	[tilespmem:s0], [sflag:$0x3] =	stream.linear.gather [hbm4b:s18+s13], $0x40, $0x38;
	[tilespmem:$0x1C100] =	vst v63  }
0xbd: {  	_ =	swait.ge [sflag:s31], $0x40  }
0xbe: {  	[sflag:s31] =	ssyncset.done $0x0  }
0xbf: {  	[sflag:s31] =	ssyncadd.s32 $0xFFFFFFC0  }
0xc0: {  	[tilespmem:s23], [sflag:$0x1] =	stream.indirect.gather [hbm4b:s28+s0], $0x80, s13, s0, $0xb8;
	[tilespmem:$0x1C100] =	vst v63  }
0xc1: {  	_ = 	snop  }
0xc2: {  	[tilespmem:s1], [sflag:$0x1] =	stream.indirect.gather [hbm4b:s29+s0], $0x10, s13, s0, $0xb8;
	[tilespmem:$0x1C100] =	vst v63  }
0xc3: {  	_ = 	snop  }
0xc4: {  	[tilespmem:s2], [sflag:$0x1] =	stream.indirect.gather [hbm4b:s30+s0], $0x10, s0, s0, $0xb8;
	[tilespmem:$0x1C100] =	vst v63  }
.LBB2_4:
0xc5: {  	s14 =	sshll.u32 s13, $0x1  }
0xc6: {  	s6 =	sadd.s32 s14, s24  }
0xc7: {  	s6 =	sshll.u32 s6, $0x3  }
0xc8: {  	s6 =	sand.u32 $0x1FFFFFF8, s6  }
0xc9: {  	s7 =	sadd.s32 s25, s6  }
0xca: {  	[tilespmem:s3], [sflag:$0x3] =	stream.linear.gather [hbm4b:s7+s11], $0x40, $0x38;
	[tilespmem:$0x1C100] =	vst v63  }
0xcb: {  	_ =	swait.ge [sflag:s31], $0x40  }
0xcc: {  	[sflag:s31] =	ssyncset.done $0x0  }
0xcd: {  	s6 =	sadd.s32 s26, s6;
	[sflag:s31] =	ssyncadd.s32 $0xFFFFFFC0  }
0xce: {  	[tilespmem:s4], [sflag:$0x3] =	stream.linear.gather [hbm4b:s6+s11], $0x40, $0x38;
	[tilespmem:$0x1C100] =	vst v63  }
0xcf: {  	_ =	swait.ge [sflag:s31], $0x40  }
0xd0: {  	[sflag:s31] =	ssyncset.done $0x0  }
0xd1: {  	[sflag:s31] =	ssyncadd.s32 $0xFFFFFFC0  }
0xd2: {  	[tilespmem:s5], [sflag:$0x2] =	stream.indirect.gather [hbm4b:s28+s0], $0x80, s3, s0, $0xb8;
	[tilespmem:$0x1C100] =	vst v63  }
0xd3: {  	s7 =	simm.s32 $0x2D00  }
0xd4: {  	[tilespmem:s7], [sflag:$0x2] =	stream.indirect.gather [hbm4b:s29+s0], $0x10, s3, s0, $0xb8;
	[tilespmem:$0x1C100] =	vst v63  }
0xd5: {  	s12 =	simm.s32 $0x3100  }
0xd6: {  	[tilespmem:s12], [sflag:$0x2] =	stream.indirect.gather [hbm4b:s30+s0], $0x10, s4, s0, $0xb8;
	[tilespmem:$0x1C100] =	vst v63  }
0xd7: {  	_ =	swait.ge [sflag:s8], $0x2000  }
0xd8: {  	[sflag:s8] =	ssyncset.done $0x0  }
0xd9: {  	[sflag:s8] =	ssyncadd.s32 $0xFFFFE000  }
0xda: {  	_ =	swait.ge [sflag:s8], $0x400  }
0xdb: {  	[sflag:s8] =	ssyncset.done $0x0  }
0xdc: {  	[sflag:s8] =	ssyncadd.s32 $0xFFFFFC00  }
0xdd: {  	_ =	swait.ge [sflag:s8], $0x400  }
0xde: {  	[sflag:s8] =	ssyncset.done $0x0  }
0xdf: {  	s15 =	simm.s32 $0xA0;
	[sflag:s8] =	ssyncadd.s32 $0xFFFFFC00  }
0xe0: {  	s16 =	simm.s32 $0x4A0;
	v0 =	vld [tilespmem:s15+$0x10]  }
0xe1: {  	v9 =	vld [tilespmem:s16+$0x10];
	_ =	sdelay $0x1  }
0xe2: {  	v10 =	vld [tilespmem:s16+$0xFFFFFFE0]  }
0xe3: {  	v11 =	vld [tilespmem:s15+$0xFFFFFFF0]  }
0xe4: {  	v12 =	vld [tilespmem:s16+$0xFFFFFFF0]  }
0xe5: {  	v13 =	vld [tilespmem:s15+$0x0];
	v0 =	vadd.f32 v9, v0  }
0xe6: {  	v14 =	vld [tilespmem:s16+$0x0]  }
0xe7: {  	v9 =	vld [tilespmem:s15+$0xFFFFFFE0];
	v15 =	vmul.f32 $2.000000030e-01, v0  }
0xe8: {  	vm0 =	vgt.f32 v0, $0.0e+00  }
0xe9: {  	v11 =	vadd.f32 v12, v11;
	v0 =	vsel vm0, v0, v15  }
0xea: {  	v0 =	vmul.f32 $1.442695020e+00, v0  }
0xeb: {  	v12 =	vadd.f32 v14, v13;
	v13 =	vmul.f32 $2.000000030e-01, v11  }
0xec: {  	vm11 =	vgt.f32 v11, $0.0e+00;
	v9 =	vadd.f32 v10, v9;
	(erf) = vpow2.f32 v0  }
0xed: {  	v11 =	vsel vm11, v11, v13;
	v10 =	vmul.f32 $2.000000030e-01, v12  }
0xee: {  	vm1 =	vgt.f32 v12, $0.0e+00;
	v11 =	vmul.f32 $1.442695020e+00, v11;
	v0 =	vmul.f32 $2.000000030e-01, v9  }
0xef: {  	s18 =	simm.s32 $0xE0;
	vm12 =	vgt.f32 v9, $0.0e+00;
	v10 =	vsel vm1, v12, v10  }
0xf0: {  	v49 =	vld [tilespmem:s18+$0x10];
	(erf) = vpow2.f32 v11;
	v0 =	vsel vm12, v9, v0;
	v9 =	vmul.f32 $1.442695020e+00, v10  }
0xf1: {  	v58 =	vld [tilespmem:s18+$0xFFFFFFF0];
	v0 =	vmul.f32 $1.442695020e+00, v0  }
0xf2: {  	s16 =	simm.s32 $0x4E0;
	v61 =	vld [tilespmem:s18+$0x0];
	(erf) = vpow2.f32 v9  }
0xf3: {  	v52 =	vld [tilespmem:s16+$0x10]  }
0xf4: {  	v55 =	vld [tilespmem:s16+$0xFFFFFFE0];
	(erf) = vpow2.f32 v0  }
0xf5: {  	s17 =	simm.s32 $0x28A0;
	v60 =	vld [tilespmem:s16+$0xFFFFFFF0];
	v0 =	vpop (erf)  }
0xf6: {  	v62 =	vld [tilespmem:s16+$0x0];
	s15 =	simm.s32 $0x980;
	[tilespmem:s17+$0x10] =	vst v0;
	v19 =	vperm.xlane v0, v3;
	v22 =	vperm.xlane v0, v4  }
0xf7: {  	v23 =	vperm.xlane v0, v5;
	v10 =	vperm.xlane v0, v6;
	v13 =	vld [tilespmem:s15+$0xF0]  }
0xf8: {  	v9 =	vperm.xlane v0, v7;
	v12 =	vperm.xlane v0, v8;
	v14 =	vld [tilespmem:s15+$0x80]  }
0xf9: {  	v16 =	vpop (erf);
	v11 =	vperm.xlane v0, v1;
	v0 =	vperm.xlane v0, v2;
	v15 =	vld [tilespmem:s15+$0x90]  }
0xfa: {  	[tilespmem:s17+$0xFFFFFFF0] =	vst v16;
	v17 =	vld [tilespmem:s15+$0xA0];
	v27 =	vperm.xlane v16, v3;
	v29 =	vperm.xlane v16, v4  }
0xfb: {  	v30 =	vperm.xlane v16, v5;
	v43 =	vperm.xlane v16, v6;
	v20 =	vld [tilespmem:s15+$0xFFFFFF80];
	v18 =	vpop (erf)  }
0xfc: {  	v45 =	vperm.xlane v16, v7;
	v24 =	vld [tilespmem:s15+$0xFFFFFF90];
	v50 =	vperm.xlane v18, v3  }
0xfd: {  	v44 =	vld [tilespmem:s15+$0xFFFFFFA0];
	v21 =	vpop (erf);
	v51 =	vperm.xlane v18, v4;
	v53 =	vperm.xlane v18, v5  }
0xfe: {  	v1 =	vimm.s32 $0x6;
	v47 =	vld [tilespmem:s15+$0xFFFFFFB0];
	v54 =	vperm.xlane v18, v6;
	v56 =	vperm.xlane v18, v7;
	[tilespmem:s17+$0xFFFFFFE0] =	vst v21  }
0xff: {  	v57 =	vperm.xlane v18, v8;
	v59 =	vperm.xlane v18, v1;
	v25 =	vld [tilespmem:s15+$0xFFFFFF00]  }
0x100: {  	v32 =	vperm.xlane v21, v3;
	v34 =	vperm.xlane v21, v4;
	v26 =	vld [tilespmem:s15+$0xFFFFFF10]  }
0x101: {  	v35 =	vperm.xlane v21, v5;
	v37 =	vperm.xlane v21, v6;
	v28 =	vld [tilespmem:s15+$0xFFFFFF20]  }
0x102: {  	v2 =	vimm.s32 $0x7;
	v38 =	vperm.xlane v21, v7;
	v40 =	vperm.xlane v21, v8;
	v42 =	vld [tilespmem:s15+$0xFFFFFF70]  }
0x103: {  	v41 =	vperm.xlane v21, v1;
	v21 =	vperm.xlane v21, v2;
	v31 =	vld [tilespmem:s15+$0xFFFFFF30]  }
0x104: {  	v0 =	vmul.f32 v13, v0;
	v33 =	vld [tilespmem:s15+$0xFFFFFF40];
	v13 =	vperm.xlane v18, v2  }
0x105: {  	v36 =	vld [tilespmem:s15+$0xFFFFFF50];
	v14 =	vmul.f32 v14, v19;
	v15 =	vmul.f32 v15, v22  }
0x106: {  	[tilespmem:s17+$0x0] =	vst v18;
	v39 =	vld [tilespmem:s15+$0xFFFFFF60];
	v17 =	vmul.f32 v17, v23;
	v20 =	vmul.f32 v20, v27;
	v27 =	vadd.f32 v52, v49  }
0x107: {  	v19 =	vld [tilespmem:s15+$0xFFFFFFE0];
	[tilespmem:s15+$0xF0] =	vst v0;
	v18 =	vmul.f32 v42, v21;
	v21 =	vmul.f32 v24, v29  }
0x108: {  	v23 =	vld [tilespmem:s15+$0xFFFFFFF0];
	[tilespmem:s15+$0x80] =	vst v14;
	v29 =	vmul.f32 v44, v30;
	v30 =	vmul.f32 $2.000000030e-01, v27  }
0x109: {  	v46 =	vperm.xlane v16, v8;
	v52 =	vld [tilespmem:s15+$0xFFFFFFC0];
	v0 =	vmul.f32 v47, v43;
	[tilespmem:s15+$0x90] =	vst v15;
	vm13 =	vgt.f32 v27, $0.0e+00  }
0x10a: {  	v15 =	vld [tilespmem:s15+$0xB0];
	[tilespmem:s15+$0xFFFFFF80] =	vst v20;
	v20 =	vadd.f32 v60, v58;
	v25 =	vmul.f32 v25, v32;
	v22 =	vsel vm13, v27, v30  }
0x10b: {  	[tilespmem:s15+$0xA0] =	vst v17;
	v63 =	vmul.f32 v36, v40;
	v40 =	vld [tilespmem:s18+$0xFFFFFFE0];
	v22 =	vmul.f32 $1.442695020e+00, v22  }
0x10c: {  	v48 =	vperm.xlane v16, v1;
	v17 =	vld [tilespmem:s15+$0xE0];
	[tilespmem:s15+$0xFFFFFF00] =	vst v25;
	v25 =	vmul.f32 $2.000000030e-01, v20  }
0x10d: {  	[tilespmem:s15+$0xFFFFFFB0] =	vst v0;
	v26 =	vmul.f32 v26, v34;
	v24 =	vld [tilespmem:s15+$0xFFFFFFD0];
	vm14 =	vgt.f32 v20, $0.0e+00;
	(erf) = vpow2.f32 v22  }
0x10e: {  	v16 =	vperm.xlane v16, v2;
	v31 =	vmul.f32 v31, v37;
	[tilespmem:s15+$0xFFFFFF90] =	vst v21;
	v27 =	vld [tilespmem:s15+$0x0];
	v20 =	vsel vm14, v20, v25  }
0x10f: {  	v28 =	vmul.f32 v28, v35;
	v21 =	vadd.f32 v62, v61;
	[tilespmem:s15+$0xFFFFFF10] =	vst v26;
	v30 =	vld [tilespmem:s15+$0x10];
	v20 =	vmul.f32 $1.442695020e+00, v20  }
0x110: {  	v33 =	vmul.f32 v33, v38;
	v41 =	vmul.f32 v39, v41;
	[tilespmem:s15+$0xFFFFFF30] =	vst v31;
	v31 =	vld [tilespmem:s15+$0x30];
	v26 =	vadd.f32 v55, v40  }
0x111: {  	[tilespmem:s15+$0xFFFFFF20] =	vst v28;
	v61 =	vld [tilespmem:s15+$0x60];
	v28 =	vmul.f32 $2.000000030e-01, v21;
	(erf) = vpow2.f32 v20  }
0x112: {  	[tilespmem:s15+$0xFFFFFF40] =	vst v33;
	v62 =	vmul.f32 v23, v16;
	v16 =	vld [tilespmem:s15+$0xD0];
	vm15 =	vgt.f32 v21, $0.0e+00;
	v22 =	vmul.f32 $2.000000030e-01, v26  }
0x113: {  	[tilespmem:s15+$0xFFFFFF50] =	vst v63;
	v25 =	vld [tilespmem:s15+$0x20];
	v21 =	vsel vm15, v21, v28;
	vm2 =	vgt.f32 v26, $0.0e+00  }
0x114: {  	[tilespmem:s15+$0xFFFFFF60] =	vst v41;
	v21 =	vmul.f32 $1.442695020e+00, v21;
	v20 =	vld [tilespmem:s15+$0x50];
	v22 =	vsel vm2, v26, v22  }
0x115: {  	[tilespmem:s15+$0xFFFFFF70] =	vst v18;
	v26 =	vmul.f32 v24, v46;
	v24 =	vld [tilespmem:s15+$0x40];
	v14 =	vmul.f32 $1.442695020e+00, v22  }
0x116: {  	s12 =	simm.s32 $0x28E0;
	[tilespmem:s15+$0xFFFFFFA0] =	vst v29;
	v28 =	vmul.f32 v52, v45;
	(erf) = vpow2.f32 v21;
	v22 =	vld [tilespmem:s15+$0x70];
	v29 =	vpop (erf)  }
0x117: {  	s17 =	simm.s32 $0xB80;
	(erf) = vpow2.f32 v14;
	v14 =	vld [tilespmem:s15+$0xC0];
	[tilespmem:s12+$0x10] =	vst v29  }
0x118: {  	v33 =	vmul.f32 v61, v59;
	[tilespmem:s15+$0xFFFFFFC0] =	vst v28;
	v0 =	vld [tilespmem:s17+$0xF0]  }
0x119: {  	v60 =	vmul.f32 v19, v48;
	v63 =	vmul.f32 v27, v50;
	[tilespmem:s15+$0xFFFFFFD0] =	vst v26;
	v27 =	vld [tilespmem:s17+$0x80]  }
0x11a: {  	v30 =	vmul.f32 v30, v51;
	v31 =	vmul.f32 v31, v54;
	v28 =	vld [tilespmem:s17+$0x90];
	v26 =	vpop (erf);
	[tilespmem:$0x1FFF0] =	vst v33  }
0x11b: {  	v37 =	vmul.f32 v25, v53;
	v47 =	vmul.f32 v20, v57;
	[tilespmem:s12+$0xFFFFFFF0] =	vst v26  }
0x11c: {  	v46 =	vmul.f32 v24, v56;
	v25 =	vperm.xlane v29, v3;
	[tilespmem:s15+$0xFFFFFFE0] =	vst v60  }
0x11d: {  	v24 =	vperm.xlane v29, v4;
	v23 =	vperm.xlane v29, v5;
	[tilespmem:s15+$0xFFFFFFF0] =	vst v62  }
0x11e: {  	v20 =	vperm.xlane v29, v6;
	v21 =	vperm.xlane v29, v7;
	[tilespmem:s15+$0x0] =	vst v63  }
0x11f: {  	v18 =	vperm.xlane v29, v8;
	v19 =	vperm.xlane v29, v1;
	v35 =	vld [tilespmem:s17+$0xA0];
	[tilespmem:s15+$0x10] =	vst v30  }
0x120: {  	v29 =	vperm.xlane v29, v2;
	v41 =	vperm.xlane v26, v3;
	[tilespmem:s15+$0x20] =	vst v37;
	v44 =	vpop (erf);
	v43 =	vld [tilespmem:s17+$0xFFFFFF80]  }
0x121: {  	v42 =	vperm.xlane v26, v4;
	v40 =	vperm.xlane v26, v5;
	[tilespmem:s15+$0x50] =	vst v47;
	v48 =	vld [tilespmem:s17+$0xFFFFFF90];
	v45 =	vpop (erf)  }
0x122: {  	v49 =	vperm.xlane v26, v6;
	v39 =	vperm.xlane v26, v7;
	v47 =	vld [tilespmem:s17+$0xFFFFFFA0];
	[tilespmem:s12+$0xFFFFFFE0] =	vst v45  }
0x123: {  	[tilespmem:s15+$0x30] =	vst v31;
	v38 =	vperm.xlane v26, v8;
	v37 =	vperm.xlane v26, v1;
	v56 =	vld [tilespmem:s17+$0xFFFFFF00]  }
0x124: {  	v36 =	vperm.xlane v26, v2;
	[tilespmem:s15+$0x40] =	vst v46;
	v0 =	vmul.f32 v0, v29;
	v59 =	vld [tilespmem:s17+$0xFFFFFF10]  }
0x125: {  	[tilespmem:s12+$0x0] =	vst v44;
	v31 =	vperm.xlane v44, v3;
	v32 =	vperm.xlane v44, v5;
	v60 =	vld [tilespmem:s17+$0xFFFFFF20]  }
0x126: {  	v50 =	vperm.xlane v45, v3;
	v57 =	vperm.xlane v45, v4;
	v61 =	vld [tilespmem:s17+$0xFFFFFF30];
	[tilespmem:s17+$0xF0] =	vst v0  }
0x127: {  	v54 =	vperm.xlane v45, v5;
	v58 =	vperm.xlane v45, v6;
	v0 =	vld [tilespmem:$0x1FFF0]  }
0x128: {  	v53 =	vperm.xlane v45, v7;
	v55 =	vperm.xlane v45, v8;
	v62 =	vld [tilespmem:s17+$0xFFFFFF40]  }
0x129: {  	v51 =	vperm.xlane v45, v1;
	v52 =	vperm.xlane v45, v2;
	v45 =	vld [tilespmem:s17+$0xFFFFFF50]  }
0x12a: {  	v30 =	vperm.xlane v44, v6;
	v34 =	vperm.xlane v44, v7;
	v46 =	vld [tilespmem:s17+$0xFFFFFF60]  }
0x12b: {  	v33 =	vperm.xlane v44, v8;
	v26 =	vperm.xlane v44, v1;
	v63 =	vld [tilespmem:s17+$0xFFFFFF70]  }
0x12c: {  	s6 =	simm.s32 $0x4;
	s7 =	simm.s32 $0x120;
	s18 =	simm.s32 $0xB80;
	v29 =	vperm.xlane v44, v4;
	v44 =	vperm.xlane v44, v2;
	[tilespmem:s15+$0x60] =	vst v0;
	v0 =	vld [tilespmem:s17+$0xFFFFFFB0]  }
.LBB2_5:
0x12d: {  	v1 =	vld [tilespmem:s7+$0x10];
	v50 =	vmul.f32 v56, v50;
	v56 =	vmul.f32 v59, v57;
	s16 =	sadd.s32 $0x40, s16  }
0x12e: {  	s6 =	sadd.s32 $0x4, s6;
	v54 =	vmul.f32 v60, v54;
	v58 =	vmul.f32 v61, v58;
	v57 =	vld [tilespmem:s16+$0x10]  }
0x12f: {  	v45 =	vmul.f32 v45, v55;
	p0 =	slt.u32 s6, $0x3C;
	v59 =	vld [tilespmem:s16+$0xFFFFFFE0];
	[tilespmem:s17+$0xFFFFFF00] =	vst v50;
	v50 =	vmul.f32 v62, v53  }
0x130: {  	v46 =	vmul.f32 v46, v51;
	v51 =	vmul.f32 v63, v52;
	v53 =	vld [tilespmem:s7+$0xFFFFFFF0];
	[tilespmem:s17+$0xFFFFFF10] =	vst v56  }
0x131: {  	v41 =	vmul.f32 v43, v41;
	v42 =	vmul.f32 v48, v42;
	v52 =	vld [tilespmem:s16+$0xFFFFFFF0];
	[tilespmem:s17+$0xFFFFFF20] =	vst v54  }
0x132: {  	v40 =	vmul.f32 v47, v40;
	v0 =	vmul.f32 v0, v49;
	v43 =	vld [tilespmem:s7+$0x0];
	[tilespmem:s17+$0xFFFFFF30] =	vst v58  }
0x133: {  	v25 =	vmul.f32 v27, v25;
	v22 =	vmul.f32 v22, v13;
	v48 =	vld [tilespmem:s16+$0x0];
	v1 =	vadd.f32 v57, v1;
	[tilespmem:s17+$0xFFFFFF40] =	vst v50  }
0x134: {  	v24 =	vmul.f32 v28, v24;
	v23 =	vmul.f32 v35, v23;
	v13 =	vmov v44;
	v27 =	vld [tilespmem:s7+$0xFFFFFFE0];
	[tilespmem:s17+$0xFFFFFF50] =	vst v45  }
0x135: {  	v45 =	vmul.f32 v15, v10;
	v10 =	vmov v20;
	v28 =	vmul.f32 $2.000000030e-01, v1;
	[tilespmem:s17+$0xFFFFFF60] =	vst v46;
	v35 =	vld [tilespmem:s17+$0xFFFFFFC0]  }
0x136: {  	vm0 =	vgt.f32 v1, $0.0e+00;
	v46 =	vmul.f32 v14, v9;
	v9 =	vmovc v21;
	v15 =	vadd.f32 v52, v53;
	[tilespmem:s17+$0xFFFFFF70] =	vst v51;
	v20 =	vld [tilespmem:s17+$0xFFFFFFD0]  }
0x137: {  	v44 =	vmul.f32 v17, v11;
	v47 =	vmul.f32 v16, v12;
	v1 =	vsel vm0, v1, v28;
	[tilespmem:s17+$0xFFFFFF80] =	vst v41;
	v14 =	vld [tilespmem:s17+$0xFFFFFFE0]  }
0x138: {  	v11 =	vmovc v19;
	v12 =	vmovc v18;
	v16 =	vmul.f32 $2.000000030e-01, v15;
	v17 =	vadd.f32 v48, v43;
	v1 =	vmul.f32 $1.442695020e+00, v1;
	[tilespmem:s17+$0xFFFFFF90] =	vst v42;
	v21 =	vld [tilespmem:s17+$0xFFFFFFF0]  }
0x139: {  	vm0 =	vgt.f32 v15, $0.0e+00;
	v18 =	vadd.f32 v59, v27;
	[tilespmem:s17+$0xFFFFFFA0] =	vst v40;
	v19 =	vld [tilespmem:s17+$0x0]  }
0x13a: {  	vm1 =	vgt.f32 v17, $0.0e+00;
	v27 =	vmul.f32 $2.000000030e-01, v17;
	(erf) = vpow2.f32 v1;
	[tilespmem:s17+$0xFFFFFFB0] =	vst v0;
	v0 =	vld [tilespmem:s17+$0x10]  }
0x13b: {  	v15 =	vsel vm0, v15, v16;
	vm2 =	vgt.f32 v18, $0.0e+00;
	v1 =	vmul.f32 $2.000000030e-01, v18;
	v16 =	vld [tilespmem:s17+$0x20];
	[tilespmem:s15+$0x70] =	vst v22  }
0x13c: {  	v15 =	vmul.f32 $1.442695020e+00, v15;
	v22 =	vmul.f32 v35, v39;
	v17 =	vsel vm1, v17, v27;
	v27 =	vld [tilespmem:s17+$0x30];
	[tilespmem:s17+$0x80] =	vst v25  }
0x13d: {  	v1 =	vsel vm2, v18, v1;
	v17 =	vmul.f32 $1.442695020e+00, v17;
	v18 =	vmul.f32 v20, v38;
	v20 =	vld [tilespmem:s17+$0x40];
	[tilespmem:s17+$0x90] =	vst v24  }
0x13e: {  	v1 =	vmul.f32 $1.442695020e+00, v1;
	(erf) = vpow2.f32 v15;
	[tilespmem:s17+$0xFFFFFFC0] =	vst v22;
	v24 =	vld [tilespmem:s17+$0x50]  }
0x13f: {  	v14 =	vmul.f32 v14, v37;
	(erf) = vpow2.f32 v17;
	[tilespmem:s17+$0xFFFFFFD0] =	vst v18;
	v35 =	vld [tilespmem:s17+$0x60]  }
0x140: {  	(erf) = vpow2.f32 v1;
	v1 =	vmul.f32 v21, v36;
	v22 =	vld [tilespmem:s17+$0x70];
	[tilespmem:s17+$0xA0] =	vst v23  }
0x141: {  	v17 =	vmul.f32 v19, v31;
	v0 =	vmul.f32 v0, v29;
	[tilespmem:s17+$0xFFFFFFE0] =	vst v14;
	v15 =	vld [tilespmem:s17+$0xB0]  }
0x142: {  	v63 =	vimm.s32 $0x0;
	v29 =	vmul.f32 v27, v30;
	[tilespmem:s17+$0xFFFFFFF0] =	vst v1;
	v1 =	vmul.f32 v16, v32;
	v14 =	vld [tilespmem:s17+$0xC0]  }
0x143: {  	s12 =	sadd.s32 $0x40, s12;
	v31 =	vmul.f32 v20, v34;
	v34 =	vimm.s32 $0x1;
	v30 =	vpop (erf);
	[tilespmem:s17+$0x0] =	vst v17;
	v32 =	vmul.f32 v24, v33;
	v16 =	vld [tilespmem:s17+$0xD0]  }
0x144: {  	s17 =	sadd.s32 $0x200, s17;
	[tilespmem:s12+$0x10] =	vst v30;
	v25 =	vperm.xlane v30, v63;
	v24 =	vperm.xlane v30, v34;
	v17 =	vld [tilespmem:s18+$0xE0]  }
0x145: {  	v23 =	vperm.xlane v30, v5;
	v20 =	vperm.xlane v30, v6;
	v33 =	vld [tilespmem:s17+$0xF0];
	[tilespmem:s18+$0x10] =	vst v0  }
0x146: {  	v3 =	vimm.s32 $0x6;
	v21 =	vperm.xlane v30, v7;
	v18 =	vperm.xlane v30, v8;
	v27 =	vld [tilespmem:s17+$0x80];
	[tilespmem:s18+$0x20] =	vst v1  }
0x147: {  	v4 =	vimm.s32 $0x7;
	v19 =	vperm.xlane v30, v3;
	v1 =	vmul.f32 v35, v26;
	v28 =	vld [tilespmem:s17+$0x90];
	v0 =	vpop (erf);
	[tilespmem:s18+$0x30] =	vst v29  }
0x148: {  	v26 =	vperm.xlane v30, v4;
	[tilespmem:s12+$0xFFFFFFF0] =	vst v0;
	v41 =	vperm.xlane v0, v63;
	v35 =	vld [tilespmem:s17+$0xA0];
	v2 =	vpop (erf)  }
0x149: {  	v42 =	vperm.xlane v0, v34;
	v40 =	vperm.xlane v0, v5;
	v43 =	vld [tilespmem:s17+$0xFFFFFF80];
	[tilespmem:s12+$0x0] =	vst v2;
	v29 =	vpop (erf)  }
0x14a: {  	[tilespmem:s12+$0xFFFFFFE0] =	vst v29;
	v50 =	vperm.xlane v29, v63;
	v48 =	vld [tilespmem:s17+$0xFFFFFF90];
	v26 =	vmul.f32 v33, v26  }
0x14b: {  	v57 =	vperm.xlane v29, v34;
	v54 =	vperm.xlane v29, v5;
	v56 =	vld [tilespmem:s17+$0xFFFFFF00];
	[tilespmem:s18+$0x40] =	vst v31  }
0x14c: {  	v58 =	vperm.xlane v29, v6;
	v53 =	vperm.xlane v29, v7;
	v59 =	vld [tilespmem:s17+$0xFFFFFF10];
	[tilespmem:s17+$0xF0] =	vst v26  }
0x14d: {  	v55 =	vperm.xlane v29, v8;
	v51 =	vperm.xlane v29, v3;
	v60 =	vld [tilespmem:s17+$0xFFFFFF20];
	[tilespmem:s18+$0x50] =	vst v32  }
0x14e: {  	v49 =	vperm.xlane v0, v6;
	v52 =	vperm.xlane v29, v4;
	v61 =	vld [tilespmem:s17+$0xFFFFFF30];
	[tilespmem:s18+$0x60] =	vst v1  }
0x14f: {  	v39 =	vperm.xlane v0, v7;
	v38 =	vperm.xlane v0, v8;
	v62 =	vld [tilespmem:s17+$0xFFFFFF40];
	[tilespmem:s15+$0xB0] =	vst v45  }
.Ltmp1:
0x150: {  	v37 =	vperm.xlane v0, v3;
	v36 =	vperm.xlane v0, v4;
	v45 =	vld [tilespmem:s17+$0xFFFFFF50];
	[tilespmem:s15+$0xC0] =	vst v46;
	(pc) =	sbr.rel @p0 .LBB2_5-.Ltmp1, $4  }
0x151: {  	v29 =	vperm.xlane v2, v34;
	v31 =	vperm.xlane v2, v63;
	v46 =	vld [tilespmem:s17+$0xFFFFFF60];
	[tilespmem:s15+$0xD0] =	vst v47  }
0x152: {  	v30 =	vperm.xlane v2, v6;
	v32 =	vperm.xlane v2, v5;
	v63 =	vld [tilespmem:s17+$0xFFFFFF70];
	[tilespmem:s15+$0xE0] =	vst v44;
	s15 =	smov.u32 s18;
	s18 =	smov.u32 s17  }
0x153: {  	v34 =	vperm.xlane v2, v7;
	v33 =	vperm.xlane v2, v8;
	v47 =	vld [tilespmem:s17+$0xFFFFFFA0]  }
0x154: {  	s7 =	sadd.s32 $0x40, s7;
	v26 =	vperm.xlane v2, v3;
	v44 =	vperm.xlane v2, v4;
	v0 =	vld [tilespmem:s17+$0xFFFFFFB0]  }
0x155: {  	v1 =	vmul.f32 v56, v50  }
0x156: {  	v2 =	vmul.f32 v59, v57  }
0x157: {  	v59 =	vmul.f32 v60, v54;
	[tilespmem:s17+$0xFFFFFF00] =	vst v1  }
0x158: {  	v45 =	vmul.f32 v45, v55;
	[tilespmem:s17+$0xFFFFFF10] =	vst v2  }
0x159: {  	v42 =	vmul.f32 v48, v42;
	[tilespmem:s17+$0xFFFFFF20] =	vst v59  }
0x15a: {  	v13 =	vmul.f32 v22, v13;
	[tilespmem:s17+$0xFFFFFF50] =	vst v45  }
0x15b: {  	v22 =	vmul.f32 v27, v25;
	[tilespmem:s17+$0xFFFFFF90] =	vst v42  }
0x15c: {  	v60 =	vmul.f32 v46, v51;
	[tilespmem:s15+$0x70] =	vst v13  }
0x15d: {  	v1 =	vmul.f32 v61, v58;
	[tilespmem:s17+$0x80] =	vst v22  }
0x15e: {  	v2 =	vmul.f32 v62, v53;
	[tilespmem:s17+$0xFFFFFF60] =	vst v60  }
0x15f: {  	v61 =	vld [tilespmem:s17+$0xFFFFFFD0];
	v40 =	vmul.f32 v47, v40;
	[tilespmem:s17+$0xFFFFFF30] =	vst v1  }
0x160: {  	v1 =	vmul.f32 v43, v41;
	[tilespmem:s17+$0xFFFFFF40] =	vst v2  }
0x161: {  	v2 =	vld [tilespmem:s17+$0xFFFFFFC0];
	v0 =	vmul.f32 v0, v49;
	[tilespmem:s17+$0xFFFFFFA0] =	vst v40  }
0x162: {  	v62 =	vld [tilespmem:s17+$0xFFFFFFE0];
	[tilespmem:s17+$0xFFFFFF80] =	vst v1;
	v1 =	vmul.f32 v63, v52  }
0x163: {  	[tilespmem:s17+$0xFFFFFFB0] =	vst v0;
	v0 =	vmul.f32 v28, v24;
	v24 =	vld [tilespmem:s17+$0x0]  }
0x164: {  	v25 =	vmul.f32 v61, v38;
	[tilespmem:s17+$0xFFFFFF70] =	vst v1;
	v1 =	vld [tilespmem:s17+$0xFFFFFFF0]  }
0x165: {  	v13 =	vld [tilespmem:s17+$0x10];
	[tilespmem:s17+$0x90] =	vst v0;
	v0 =	vmul.f32 v35, v23  }
0x166: {  	v22 =	vld [tilespmem:s17+$0x20];
	v2 =	vmul.f32 v2, v39;
	[tilespmem:s17+$0xFFFFFFD0] =	vst v25  }
0x167: {  	v23 =	vld [tilespmem:s17+$0x30];
	v25 =	vmul.f32 v62, v37;
	[tilespmem:s17+$0xA0] =	vst v0  }
0x168: {  	v0 =	vld [tilespmem:s17+$0x60];
	[tilespmem:s17+$0xFFFFFFC0] =	vst v2;
	v24 =	vmul.f32 v24, v31  }
0x169: {  	v2 =	vld [tilespmem:s17+$0x40];
	[tilespmem:s17+$0xFFFFFFE0] =	vst v25;
	v1 =	vmul.f32 v1, v36  }
0x16a: {  	v27 =	vld [tilespmem:s17+$0x50];
	v13 =	vmul.f32 v13, v29;
	[tilespmem:s17+$0x0] =	vst v24  }
0x16b: {  	[tilespmem:s17+$0xFFFFFFF0] =	vst v1;
	v1 =	vmul.f32 v22, v32  }
0x16c: {  	v25 =	vld [tilespmem:s17+$0x70];
	[tilespmem:s18+$0x10] =	vst v13;
	v22 =	vmul.f32 v23, v30  }
0x16d: {  	v0 =	vmul.f32 v0, v26;
	[tilespmem:s18+$0x20] =	vst v1  }
0x16e: {  	v2 =	vmul.f32 v2, v34;
	[tilespmem:s18+$0x30] =	vst v22  }
0x16f: {  	v1 =	vmul.f32 v27, v33;
	[tilespmem:s18+$0x60] =	vst v0  }
0x170: {  	v0 =	vmul.f32 v16, v12;
	v12 =	vld [tilespmem:s17+$0xD0];
	[tilespmem:s18+$0x40] =	vst v2  }
0x171: {  	v2 =	vmul.f32 v15, v10;
	v10 =	vld [tilespmem:s17+$0xB0];
	[tilespmem:s18+$0x50] =	vst v1  }
0x172: {  	v1 =	vmul.f32 v14, v9;
	v9 =	vld [tilespmem:s17+$0xC0];
	[tilespmem:s15+$0xD0] =	vst v0  }
0x173: {  	v0 =	vmul.f32 v25, v44;
	[tilespmem:s15+$0xB0] =	vst v2;
	v2 =	vmul.f32 v17, v11;
	v11 =	vld [tilespmem:s18+$0xE0]  }
0x174: {  	[tilespmem:s15+$0xC0] =	vst v1  }
0x175: {  	[tilespmem:s18+$0x70] =	vst v0;
	v0 =	vmul.f32 v12, v18  }
0x176: {  	[tilespmem:s15+$0xE0] =	vst v2;
	v1 =	vmul.f32 v10, v20  }
0x177: {  	v2 =	vmul.f32 v9, v21;
	[tilespmem:s18+$0xD0] =	vst v0  }
0x178: {  	[tilespmem:s18+$0xB0] =	vst v1;
	v1 =	vmul.f32 v11, v19  }
0x179: {  	[tilespmem:s18+$0xC0] =	vst v2  }
0x17a: {  	[tilespmem:s18+$0xE0] =	vst v1  }
0x17b: {  	[spmem:s22] =	stream.indirect.scatter.add.f32 [tilespmem:s21], [sflag:$0x3], $0x10, s0, s0, $0xb8;
	[tilespmem:$0x1C100] =	vst v63  }
0x17c: {  	_ =	swait.ge [sflag:s31], $0x400  }
0x17d: {  	[sflag:s31] =	ssyncset.done $0x0  }
0x17e: {  	s6 =	sadd.s32 s14, s19;
	[sflag:s31] =	ssyncadd.s32 $0xFFFFFC00  }
0x17f: {  	[spmem:s20] =	stream.indirect.scatter.add.f32 [tilespmem:s23], [sflag:$0x3], $0x80, s0, s0, $0xb8;
	[tilespmem:$0x1C100] =	vst v63  }
0x180: {  	s6 =	sshll.u32 s6, $0x3;
	_ =	swait.ge [sflag:s31], $0x2000  }
0x181: {  	s6 =	sand.u32 $0x1FFFFFF0, s6;
	[sflag:s31] =	ssyncset.done $0x0  }
0x182: {  	s7 =	sadd.s32 s25, s6;
	[sflag:s31] =	ssyncadd.s32 $0xFFFFE000  }
0x183: {  	[tilespmem:s11], [sflag:$0x3] =	stream.linear.gather [hbm4b:s7+s11], $0x40, $0x38;
	[tilespmem:$0x1C100] =	vst v63  }
0x184: {  	_ =	swait.ge [sflag:s31], $0x40  }
0x185: {  	[sflag:s31] =	ssyncset.done $0x0  }
0x186: {  	s6 =	sadd.s32 s26, s6;
	[sflag:s31] =	ssyncadd.s32 $0xFFFFFFC0  }
0x187: {  	[tilespmem:s0], [sflag:$0x3] =	stream.linear.gather [hbm4b:s6+s11], $0x40, $0x38;
	[tilespmem:$0x1C100] =	vst v63  }
0x188: {  	_ =	swait.ge [sflag:s31], $0x40  }
0x189: {  	[sflag:s31] =	ssyncset.done $0x0  }
0x18a: {  	[sflag:s31] =	ssyncadd.s32 $0xFFFFFFC0  }
0x18b: {  	[tilespmem:s23], [sflag:$0x1] =	stream.indirect.gather [hbm4b:s28+s0], $0x80, s11, s0, $0xb8;
	[tilespmem:$0x1C100] =	vst v63  }
0x18c: {  	_ = 	snop  }
0x18d: {  	[tilespmem:s1], [sflag:$0x1] =	stream.indirect.gather [hbm4b:s29+s0], $0x10, s11, s0, $0xb8;
	[tilespmem:$0x1C100] =	vst v63  }
0x18e: {  	_ = 	snop  }
0x18f: {  	[tilespmem:s2], [sflag:$0x1] =	stream.indirect.gather [hbm4b:s30+s0], $0x10, s0, s0, $0xb8;
	[tilespmem:$0x1C100] =	vst v63  }
0x190: {  	_ =	swait.ge [sflag:s9], $0x2000  }
0x191: {  	[sflag:s9] =	ssyncset.done $0x0  }
0x192: {  	[sflag:s9] =	ssyncadd.s32 $0xFFFFE000  }
0x193: {  	_ =	swait.ge [sflag:s9], $0x400  }
0x194: {  	[sflag:s9] =	ssyncset.done $0x0  }
0x195: {  	[sflag:s9] =	ssyncadd.s32 $0xFFFFFC00  }
0x196: {  	_ =	swait.ge [sflag:s9], $0x400  }
0x197: {  	[sflag:s9] =	ssyncset.done $0x0  }
0x198: {  	s15 =	simm.s32 $0x2D20;
	[sflag:s9] =	ssyncadd.s32 $0xFFFFFC00  }
0x199: {  	s16 =	simm.s32 $0x3120;
	v0 =	vld [tilespmem:s15+$0x10]  }
0x19a: {  	v1 =	vld [tilespmem:s16+$0x10]  }
0x19b: {  	v2 =	vld [tilespmem:s16+$0xFFFFFFE0]  }
0x19c: {  	v9 =	vld [tilespmem:s15+$0xFFFFFFF0]  }
0x19d: {  	v10 =	vld [tilespmem:s16+$0xFFFFFFF0]  }
0x19e: {  	v11 =	vld [tilespmem:s15+$0x0]  }
0x19f: {  	v12 =	vld [tilespmem:s16+$0x0];
	v0 =	vadd.f32 v1, v0  }
0x1a0: {  	v1 =	vld [tilespmem:s15+$0xFFFFFFE0]  }
0x1a1: {  	v13 =	vmul.f32 $2.000000030e-01, v0  }
0x1a2: {  	vm0 =	vgt.f32 v0, $0.0e+00  }
0x1a3: {  	v9 =	vadd.f32 v10, v9;
	v0 =	vsel vm0, v0, v13  }
0x1a4: {  	v10 =	vadd.f32 v12, v11;
	v0 =	vmul.f32 $1.442695020e+00, v0  }
0x1a5: {  	v11 =	vmul.f32 $2.000000030e-01, v9;
	v1 =	vadd.f32 v2, v1  }
0x1a6: {  	vm11 =	vgt.f32 v9, $0.0e+00;
	v2 =	vmul.f32 $2.000000030e-01, v10;
	(erf) = vpow2.f32 v0  }
0x1a7: {  	vm1 =	vgt.f32 v10, $0.0e+00;
	v9 =	vsel vm11, v9, v11;
	v0 =	vmul.f32 $2.000000030e-01, v1  }
0x1a8: {  	v9 =	vmul.f32 $1.442695020e+00, v9;
	vm12 =	vgt.f32 v1, $0.0e+00;
	v2 =	vsel vm1, v10, v2  }
0x1a9: {  	v0 =	vsel vm12, v1, v0;
	v1 =	vmul.f32 $1.442695020e+00, v2  }
0x1aa: {  	(erf) = vpow2.f32 v9;
	v0 =	vmul.f32 $1.442695020e+00, v0  }
0x1ab: {  	(erf) = vpow2.f32 v1  }
0x1ac: {  	(erf) = vpow2.f32 v0;
	_ =	sdelay $0x2  }
0x1ad: {  	s17 =	simm.s32 $0x5520;
	v0 =	vpop (erf)  }
0x1ae: {  	s14 =	simm.s32 $0x3600;
	[tilespmem:s17+$0x10] =	vst v0  }
0x1af: {  	v1 =	vld [tilespmem:s14+$0xF0]  }
0x1b0: {  	v2 =	vld [tilespmem:s14+$0x80]  }
0x1b1: {  	v13 =	vpop (erf);
	v14 =	vld [tilespmem:s14+$0x90]  }
0x1b2: {  	[tilespmem:s17+$0xFFFFFFF0] =	vst v13;
	v15 =	vld [tilespmem:s14+$0xA0];
	v16 =	vpop (erf)  }
0x1b3: {  	v10 =	vimm.s32 $0x0;
	v3 =	vperm.xlane v0, v8;
	v18 =	vld [tilespmem:s14+$0xFFFFFF80];
	v19 =	vpop (erf)  }
0x1b4: {  	v4 =	vimm.s32 $0x1;
	v9 =	vimm.s32 $0x6;
	v17 =	vperm.xlane v0, v10;
	v22 =	vld [tilespmem:s14+$0xFFFFFF90];
	[tilespmem:s17+$0xFFFFFFE0] =	vst v19  }
0x1b5: {  	v20 =	vperm.xlane v0, v4;
	v23 =	vld [tilespmem:s14+$0xFFFFFF00];
	[tilespmem:$0x1FFD0] =	vst v3;
	v3 =	vperm.xlane v0, v9  }
0x1b6: {  	v21 =	vperm.xlane v0, v5;
	v12 =	vperm.xlane v0, v6  }
0x1b7: {  	v11 =	vperm.xlane v0, v7;
	v25 =	vperm.xlane v13, v10;
	[tilespmem:$0x1FFE0] =	vst v3  }
0x1b8: {  	v27 =	vperm.xlane v13, v4;
	v28 =	vperm.xlane v13, v5;
	v24 =	vld [tilespmem:s14+$0xFFFFFF10]  }
0x1b9: {  	v40 =	vperm.xlane v13, v6;
	v42 =	vperm.xlane v13, v7;
	v26 =	vld [tilespmem:s14+$0xFFFFFF20]  }
0x1ba: {  	v43 =	vperm.xlane v13, v8;
	v45 =	vperm.xlane v13, v9;
	v29 =	vld [tilespmem:s14+$0xFFFFFF30]  }
0x1bb: {  	v48 =	vperm.xlane v16, v10;
	v49 =	vperm.xlane v16, v4;
	v33 =	vld [tilespmem:s14+$0xFFFFFF50]  }
0x1bc: {  	v51 =	vperm.xlane v16, v5;
	v52 =	vperm.xlane v16, v6;
	v36 =	vld [tilespmem:s14+$0xFFFFFF60]  }
0x1bd: {  	v54 =	vperm.xlane v16, v7;
	v55 =	vperm.xlane v16, v8;
	v39 =	vld [tilespmem:s14+$0xFFFFFF70]  }
0x1be: {  	v57 =	vperm.xlane v16, v9;
	v30 =	vperm.xlane v19, v10;
	v41 =	vld [tilespmem:s14+$0xFFFFFFA0]  }
0x1bf: {  	s18 =	simm.s32 $0x2D60;
	v31 =	vperm.xlane v19, v4;
	v32 =	vperm.xlane v19, v5;
	v44 =	vld [tilespmem:s14+$0xFFFFFFB0]  }
0x1c0: {  	s15 =	simm.s32 $0x3160;
	v34 =	vperm.xlane v19, v6;
	v35 =	vperm.xlane v19, v7;
	v47 =	vld [tilespmem:s18+$0x10]  }
0x1c1: {  	v63 =	vperm.xlane v19, v8;
	v38 =	vperm.xlane v19, v9;
	v60 =	vld [tilespmem:s15+$0x10]  }
0x1c2: {  	v2 =	vmul.f32 v2, v17;
	v14 =	vmul.f32 v14, v20;
	v53 =	vld [tilespmem:s15+$0xFFFFFFE0]  }
0x1c3: {  	v15 =	vmul.f32 v15, v21;
	v18 =	vmul.f32 v18, v25;
	v3 =	vimm.s32 $0x7;
	v61 =	vld [tilespmem:s18+$0xFFFFFFF0]  }
0x1c4: {  	v0 =	vperm.xlane v0, v3;
	v19 =	vperm.xlane v19, v3;
	v62 =	vld [tilespmem:s15+$0xFFFFFFF0]  }
0x1c5: {  	v46 =	vperm.xlane v13, v3;
	v13 =	vperm.xlane v16, v3;
	v37 =	vld [tilespmem:s18+$0xFFFFFFE0]  }
0x1c6: {  	v17 =	vld [tilespmem:s14+$0xFFFFFFE0];
	v0 =	vmul.f32 v1, v0;
	v23 =	vmul.f32 v23, v30  }
0x1c7: {  	v1 =	vld [tilespmem:s14+$0xFFFFFF40];
	v24 =	vmul.f32 v24, v31;
	v26 =	vmul.f32 v26, v32  }
0x1c8: {  	[tilespmem:s17+$0x0] =	vst v16;
	v30 =	vld [tilespmem:s18+$0x0];
	v29 =	vmul.f32 v29, v34;
	v63 =	vmul.f32 v33, v63;
	v25 =	vadd.f32 v60, v47  }
0x1c9: {  	[tilespmem:s14+$0xFFFFFF80] =	vst v18;
	v31 =	vld [tilespmem:s15+$0x0];
	v16 =	vmul.f32 v39, v19;
	v19 =	vmul.f32 v22, v27  }
0x1ca: {  	v21 =	vld [tilespmem:s14+$0xFFFFFFF0];
	[tilespmem:s14+$0xF0] =	vst v0;
	v27 =	vmul.f32 v41, v28;
	v18 =	vadd.f32 v62, v61;
	v28 =	vmul.f32 $2.000000030e-01, v25  }
0x1cb: {  	[tilespmem:s14+$0xFFFFFF00] =	vst v23;
	v59 =	vmul.f32 v36, v38;
	v60 =	vld [tilespmem:s14+$0xFFFFFFC0];
	v0 =	vmul.f32 v44, v40;
	vm13 =	vgt.f32 v25, $0.0e+00  }
0x1cc: {  	v22 =	vld [tilespmem:s14+$0xFFFFFFD0];
	[tilespmem:s14+$0xFFFFFF10] =	vst v24;
	v23 =	vmul.f32 $2.000000030e-01, v18;
	v24 =	vadd.f32 v53, v37;
	v20 =	vsel vm13, v25, v28  }
0x1cd: {  	v1 =	vmul.f32 v1, v35;
	vm14 =	vgt.f32 v18, $0.0e+00;
	[tilespmem:s14+$0xFFFFFF30] =	vst v29;
	v29 =	vld [tilespmem:s14+$0x40];
	v20 =	vmul.f32 $1.442695020e+00, v20  }
0x1ce: {  	[tilespmem:s14+$0xFFFFFF90] =	vst v19;
	v25 =	vld [tilespmem:s14+$0x0];
	v28 =	vmul.f32 $2.000000030e-01, v24;
	v18 =	vsel vm14, v18, v23;
	v19 =	vadd.f32 v31, v30  }
0x1cf: {  	v23 =	vld [tilespmem:s14+$0x20];
	[tilespmem:s14+$0xFFFFFF40] =	vst v1;
	v1 =	vmul.f32 $1.442695020e+00, v18;
	(erf) = vpow2.f32 v20  }
0x1d0: {  	[tilespmem:s14+$0xFFFFFF20] =	vst v26;
	vm2 =	vgt.f32 v24, $0.0e+00;
	v30 =	vmul.f32 v17, v45;
	v31 =	vld [tilespmem:s14+$0x60];
	v26 =	vmul.f32 $2.000000030e-01, v19  }
0x1d1: {  	[tilespmem:s14+$0x80] =	vst v2;
	v24 =	vsel vm2, v24, v28;
	v28 =	vmul.f32 v22, v43;
	vm15 =	vgt.f32 v19, $0.0e+00;
	v20 =	vld [tilespmem:s14+$0x10]  }
0x1d2: {  	[tilespmem:s14+$0x90] =	vst v14;
	v2 =	vmul.f32 $1.442695020e+00, v24;
	(erf) = vpow2.f32 v1;
	v1 =	vld [tilespmem:s14+$0x50];
	v18 =	vsel vm15, v19, v26  }
0x1d3: {  	[tilespmem:s14+$0xA0] =	vst v15;
	v29 =	vmul.f32 v29, v54;
	v26 =	vld [tilespmem:s14+$0x30];
	v18 =	vmul.f32 $1.442695020e+00, v18  }
0x1d4: {  	[tilespmem:s14+$0xFFFFFF50] =	vst v63;
	v19 =	vmul.f32 v60, v42;
	v61 =	vmul.f32 v25, v48  }
0x1d5: {  	[tilespmem:s14+$0xFFFFFF60] =	vst v59;
	v34 =	vmul.f32 v23, v51;
	(erf) = vpow2.f32 v18  }
0x1d6: {  	v15 =	vld [tilespmem:s14+$0xB0];
	[tilespmem:s14+$0xFFFFFF70] =	vst v16;
	v62 =	vmul.f32 v20, v49;
	(erf) = vpow2.f32 v2  }
0x1d7: {  	v14 =	vld [tilespmem:s14+$0xC0];
	[tilespmem:s14+$0xFFFFFFA0] =	vst v27;
	v2 =	vmul.f32 v21, v46;
	v47 =	vmul.f32 v1, v55  }
0x1d8: {  	v16 =	vld [tilespmem:s14+$0xD0];
	[tilespmem:s14+$0xFFFFFFB0] =	vst v0;
	v37 =	vmul.f32 v26, v52;
	v26 =	vmul.f32 v31, v57;
	v63 =	vpop (erf)  }
0x1d9: {  	s12 =	simm.s32 $0x5560;
	v17 =	vld [tilespmem:s14+$0xE0];
	[tilespmem:s14+$0xFFFFFFE0] =	vst v30;
	v25 =	vperm.xlane v63, v10;
	v24 =	vperm.xlane v63, v4  }
0x1da: {  	s16 =	simm.s32 $0x3800;
	v22 =	vld [tilespmem:s14+$0x70];
	[tilespmem:s12+$0x10] =	vst v63;
	v23 =	vperm.xlane v63, v5;
	v20 =	vperm.xlane v63, v6  }
0x1db: {  	[tilespmem:s14+$0xFFFFFFD0] =	vst v28;
	v21 =	vperm.xlane v63, v7;
	v18 =	vperm.xlane v63, v8;
	v0 =	vld [tilespmem:s16+$0xF0]  }
0x1dc: {  	[tilespmem:s14+$0xFFFFFFC0] =	vst v19;
	v19 =	vperm.xlane v63, v9;
	v44 =	vpop (erf);
	v31 =	vperm.xlane v63, v3;
	v27 =	vld [tilespmem:s16+$0x80]  }
0x1dd: {  	[tilespmem:s14+$0x40] =	vst v29;
	v28 =	vld [tilespmem:s16+$0x90];
	v41 =	vperm.xlane v44, v10;
	v42 =	vperm.xlane v44, v4  }
0x1de: {  	[tilespmem:s12+$0xFFFFFFF0] =	vst v44;
	v35 =	vld [tilespmem:s16+$0xA0];
	v40 =	vperm.xlane v44, v5;
	v49 =	vperm.xlane v44, v6  }
0x1df: {  	[tilespmem:s14+$0x50] =	vst v47;
	v39 =	vperm.xlane v44, v7;
	v38 =	vperm.xlane v44, v8;
	v43 =	vld [tilespmem:s16+$0xFFFFFF80];
	v1 =	vpop (erf)  }
0x1e0: {  	[tilespmem:s14+$0x30] =	vst v37;
	v37 =	vperm.xlane v44, v9;
	v36 =	vperm.xlane v44, v3;
	v48 =	vld [tilespmem:s16+$0xFFFFFF90];
	v30 =	vpop (erf)  }
0x1e1: {  	v47 =	vld [tilespmem:s16+$0xFFFFFFA0];
	v29 =	vperm.xlane v1, v4;
	v32 =	vperm.xlane v1, v5;
	[tilespmem:s12+$0xFFFFFFE0] =	vst v30  }
0x1e2: {  	[tilespmem:s14+$0x20] =	vst v34;
	v34 =	vperm.xlane v1, v7;
	v33 =	vperm.xlane v1, v8;
	v56 =	vld [tilespmem:s16+$0xFFFFFF00]  }
0x1e3: {  	[tilespmem:s14+$0x60] =	vst v26;
	v26 =	vperm.xlane v1, v9;
	v44 =	vperm.xlane v1, v3;
	v59 =	vld [tilespmem:s16+$0xFFFFFF10]  }
0x1e4: {  	v50 =	vperm.xlane v30, v10;
	v0 =	vmul.f32 v0, v31;
	v60 =	vld [tilespmem:s16+$0xFFFFFF20]  }
0x1e5: {  	[tilespmem:s14+$0x0] =	vst v61;
	v57 =	vperm.xlane v30, v4;
	v54 =	vperm.xlane v30, v5;
	v61 =	vld [tilespmem:s16+$0xFFFFFF30]  }
0x1e6: {  	[tilespmem:s14+$0x10] =	vst v62;
	v58 =	vperm.xlane v30, v6;
	v53 =	vperm.xlane v30, v7;
	v62 =	vld [tilespmem:s16+$0xFFFFFF40]  }
0x1e7: {  	v55 =	vperm.xlane v30, v8;
	v51 =	vperm.xlane v30, v9;
	v45 =	vld [tilespmem:s16+$0xFFFFFF50]  }
0x1e8: {  	[tilespmem:s14+$0xFFFFFFF0] =	vst v2;
	v52 =	vperm.xlane v30, v3;
	v31 =	vperm.xlane v1, v10;
	v46 =	vld [tilespmem:s16+$0xFFFFFF60]  }
0x1e9: {  	[tilespmem:s12+$0x0] =	vst v1;
	v30 =	vperm.xlane v1, v6;
	v9 =	vimm.s32 $0x5;
	v8 =	vimm.s32 $0x4;
	v63 =	vld [tilespmem:s16+$0xFFFFFF70]  }
0x1ea: {  	s7 =	simm.s32 $0x2DA0;
	s6 =	simm.s32 $0x4;
	s17 =	simm.s32 $0x3800;
	v7 =	vimm.s32 $0x3;
	v6 =	vimm.s32 $0x2;
	v4 =	vimm.s32 $0x0;
	[tilespmem:s16+$0xF0] =	vst v0;
	v0 =	vld [tilespmem:s16+$0xFFFFFFB0]  }
.LBB2_7:
0x1eb: {  	v1 =	vld [tilespmem:s7+$0x10]  }
0x1ec: {  	s15 =	sadd.s32 $0x40, s15;
	v3 =	vld [tilespmem:$0x1FFD0]  }
0x1ed: {  	v2 =	vmul.f32 v56, v50;
	v56 =	vld [tilespmem:s15+$0x10]  }
0x1ee: {  	v50 =	vmul.f32 v59, v57;
	v61 =	vmul.f32 v61, v58;
	v58 =	vld [tilespmem:s15+$0xFFFFFFE0]  }
0x1ef: {  	v54 =	vmul.f32 v60, v54;
	v59 =	vld [tilespmem:s15+$0xFFFFFFF0];
	[tilespmem:s16+$0xFFFFFF00] =	vst v2  }
0x1f0: {  	v41 =	vmul.f32 v43, v41;
	v60 =	vld [tilespmem:s7+$0x0];
	[tilespmem:s16+$0xFFFFFF10] =	vst v50  }
0x1f1: {  	v40 =	vmul.f32 v47, v40;
	v24 =	vmul.f32 v28, v24;
	v28 =	vld [tilespmem:s16+$0xFFFFFFC0];
	[tilespmem:s16+$0xFFFFFF20] =	vst v54  }
0x1f2: {  	v47 =	vmul.f32 v16, v3;
	v3 =	vld [tilespmem:$0x1FFE0];
	v2 =	vmul.f32 v62, v53;
	[tilespmem:s16+$0xFFFFFF30] =	vst v61  }
0x1f3: {  	v22 =	vmul.f32 v22, v13;
	v42 =	vmul.f32 v48, v42;
	v62 =	vld [tilespmem:s7+$0xFFFFFFF0];
	[tilespmem:s16+$0xFFFFFF80] =	vst v41  }
0x1f4: {  	v45 =	vmul.f32 v45, v55;
	v46 =	vmul.f32 v46, v51;
	v61 =	vld [tilespmem:s15+$0x0];
	[tilespmem:s16+$0xFFFFFF40] =	vst v2;
	v1 =	vadd.f32 v56, v1  }
0x1f5: {  	v55 =	vmul.f32 v63, v52;
	[tilespmem:s16+$0xFFFFFF90] =	vst v42;
	v2 =	vmul.f32 v27, v25;
	v25 =	vld [tilespmem:s7+$0xFFFFFFE0]  }
0x1f6: {  	v13 =	vmov v44;
	v0 =	vmul.f32 v0, v49;
	[tilespmem:s16+$0xFFFFFFA0] =	vst v40;
	v27 =	vmul.f32 $2.000000030e-01, v1  }
0x1f7: {  	v5 =	vmovc v20;
	v23 =	vmul.f32 v35, v23;
	[tilespmem:s16+$0xFFFFFF50] =	vst v45;
	v45 =	vmul.f32 v15, v12;
	vm0 =	vgt.f32 v1, $0.0e+00  }
0x1f8: {  	v20 =	vld [tilespmem:s16+$0xFFFFFFD0];
	[tilespmem:s16+$0xFFFFFF60] =	vst v46;
	v46 =	vmul.f32 v14, v11;
	v15 =	vadd.f32 v59, v62;
	v1 =	vsel vm0, v1, v27  }
0x1f9: {  	[tilespmem:s16+$0xFFFFFFB0] =	vst v0;
	v0 =	vld [tilespmem:s16+$0x10];
	v44 =	vmul.f32 v17, v3;
	v3 =	vmovc v18;
	v17 =	vadd.f32 v61, v60;
	v1 =	vmul.f32 $1.442695020e+00, v1  }
0x1fa: {  	[tilespmem:s14+$0x70] =	vst v22;
	v14 =	vld [tilespmem:s16+$0xFFFFFFE0];
	v22 =	vmul.f32 v28, v39;
	v16 =	vmul.f32 $2.000000030e-01, v15;
	v18 =	vadd.f32 v58, v25  }
0x1fb: {  	[tilespmem:s16+$0x90] =	vst v24;
	v12 =	vmovc v21;
	v21 =	vld [tilespmem:s16+$0xFFFFFFF0];
	vm15 =	vgt.f32 v15, $0.0e+00;
	v25 =	vmul.f32 $2.000000030e-01, v17;
	(erf) = vpow2.f32 v1  }
0x1fc: {  	[tilespmem:$0x1FFD0] =	vst v3;
	v3 =	vmovc v19;
	v19 =	vld [tilespmem:s16+$0x0];
	vm1 =	vgt.f32 v17, $0.0e+00;
	v15 =	vsel vm15, v15, v16;
	v1 =	vmul.f32 $2.000000030e-01, v18  }
0x1fd: {  	[tilespmem:s16+$0xA0] =	vst v23;
	v16 =	vld [tilespmem:s16+$0x20];
	vm2 =	vgt.f32 v18, $0.0e+00;
	v15 =	vmul.f32 $1.442695020e+00, v15;
	v17 =	vsel vm1, v17, v25  }
0x1fe: {  	[tilespmem:s16+$0x80] =	vst v2;
	v25 =	vld [tilespmem:s16+$0x30];
	v2 =	vmul.f32 $1.442695020e+00, v17;
	v17 =	vmul.f32 v20, v38;
	v1 =	vsel vm2, v18, v1  }
0x1ff: {  	[tilespmem:s16+$0xFFFFFF70] =	vst v55;
	v20 =	vld [tilespmem:s16+$0x50];
	(erf) = vpow2.f32 v15;
	v1 =	vmul.f32 $1.442695020e+00, v1  }
0x200: {  	[tilespmem:s16+$0xFFFFFFC0] =	vst v22;
	v18 =	vld [tilespmem:s16+$0x40];
	(erf) = vpow2.f32 v2;
	v2 =	vmul.f32 v14, v37  }
0x201: {  	v62 =	vld [tilespmem:s16+$0x60];
	[tilespmem:s16+$0xFFFFFFD0] =	vst v17;
	(erf) = vpow2.f32 v1;
	v1 =	vmul.f32 v21, v36  }
0x202: {  	v22 =	vld [tilespmem:s16+$0x70];
	[tilespmem:s16+$0xFFFFFFE0] =	vst v2;
	v2 =	vmul.f32 v19, v31  }
0x203: {  	v0 =	vmul.f32 v0, v29;
	v15 =	vld [tilespmem:s16+$0xB0];
	[tilespmem:s16+$0xFFFFFFF0] =	vst v1  }
0x204: {  	s12 =	sadd.s32 $0x40, s12;
	v14 =	vld [tilespmem:s16+$0xC0];
	v29 =	vmul.f32 v25, v30;
	v1 =	vmul.f32 v16, v32;
	[tilespmem:s16+$0x0] =	vst v2;
	v30 =	vpop (erf)  }
0x205: {  	v31 =	vmul.f32 v20, v33;
	v2 =	vmul.f32 v18, v34;
	v16 =	vld [tilespmem:s16+$0xD0];
	[tilespmem:s12+$0x10] =	vst v30  }
0x206: {  	v33 =	vimm.s32 $0x1;
	s16 =	sadd.s32 $0x200, s16;
	[tilespmem:s17+$0x20] =	vst v1;
	v1 =	vmul.f32 v62, v26;
	v25 =	vperm.xlane v30, v4;
	v17 =	vld [tilespmem:s17+$0xE0]  }
0x207: {  	v24 =	vperm.xlane v30, v33;
	v23 =	vperm.xlane v30, v6;
	v63 =	vld [tilespmem:s16+$0xF0]  }
0x208: {  	v10 =	vimm.s32 $0x6;
	v20 =	vperm.xlane v30, v7;
	v21 =	vperm.xlane v30, v8;
	v27 =	vld [tilespmem:s16+$0x80]  }
0x209: {  	[tilespmem:s17+$0x10] =	vst v0;
	v18 =	vperm.xlane v30, v9;
	v19 =	vperm.xlane v30, v10;
	v28 =	vld [tilespmem:s16+$0x90];
	v0 =	vpop (erf)  }
0x20a: {  	v35 =	vld [tilespmem:s16+$0xA0];
	[tilespmem:s12+$0xFFFFFFF0] =	vst v0;
	v41 =	vperm.xlane v0, v4;
	v42 =	vperm.xlane v0, v33  }
0x20b: {  	[tilespmem:$0x1FFE0] =	vst v3;
	v3 =	vpop (erf);
	v40 =	vperm.xlane v0, v6;
	v49 =	vperm.xlane v0, v7;
	v43 =	vld [tilespmem:s16+$0xFFFFFF80]  }
0x20c: {  	v11 =	vimm.s32 $0x7;
	[tilespmem:s17+$0x30] =	vst v29;
	v39 =	vperm.xlane v0, v8;
	v38 =	vperm.xlane v0, v9;
	v48 =	vld [tilespmem:s16+$0xFFFFFF90];
	v29 =	vpop (erf)  }
0x20d: {  	v37 =	vperm.xlane v0, v10;
	v36 =	vperm.xlane v0, v11;
	v0 =	vld [tilespmem:s16+$0xFFFFFFB0];
	[tilespmem:s12+$0xFFFFFFE0] =	vst v29  }
0x20e: {  	v26 =	vperm.xlane v30, v11;
	[tilespmem:s14+$0xB0] =	vst v45;
	v32 =	vperm.xlane v3, v6;
	v56 =	vld [tilespmem:s16+$0xFFFFFF00]  }
0x20f: {  	[tilespmem:s12+$0x0] =	vst v3;
	v30 =	vperm.xlane v3, v7;
	v34 =	vperm.xlane v3, v8;
	v59 =	vld [tilespmem:s16+$0xFFFFFF10]  }
0x210: {  	s6 =	sadd.s32 $0x4, s6;
	[tilespmem:s17+$0x50] =	vst v31;
	v31 =	vperm.xlane v3, v4;
	v50 =	vperm.xlane v29, v4;
	v60 =	vld [tilespmem:s16+$0xFFFFFF20]  }
0x211: {  	p0 =	slt.u32 s6, $0x3C;
	[tilespmem:s17+$0x40] =	vst v2;
	v57 =	vperm.xlane v29, v33;
	v26 =	vmul.f32 v63, v26;
	v61 =	vld [tilespmem:s16+$0xFFFFFF30]  }
.Ltmp2:
0x212: {  	[tilespmem:s17+$0x60] =	vst v1;
	v54 =	vperm.xlane v29, v6;
	v58 =	vperm.xlane v29, v7;
	v62 =	vld [tilespmem:s16+$0xFFFFFF40];
	(pc) =	sbr.rel @p0 .LBB2_7-.Ltmp2, $4  }
0x213: {  	v53 =	vperm.xlane v29, v8;
	v55 =	vperm.xlane v29, v9;
	v45 =	vld [tilespmem:s16+$0xFFFFFF50];
	[tilespmem:s16+$0xF0] =	vst v26  }
0x214: {  	v51 =	vperm.xlane v29, v10;
	v52 =	vperm.xlane v29, v11;
	v63 =	vld [tilespmem:s16+$0xFFFFFF70];
	[tilespmem:s14+$0xC0] =	vst v46  }
0x215: {  	v29 =	vperm.xlane v3, v33;
	v33 =	vperm.xlane v3, v9;
	v46 =	vld [tilespmem:s16+$0xFFFFFF60];
	[tilespmem:s14+$0xD0] =	vst v47  }
0x216: {  	s7 =	sadd.s32 $0x40, s7;
	v26 =	vperm.xlane v3, v10;
	[tilespmem:s14+$0xE0] =	vst v44;
	s14 =	smov.u32 s17;
	s17 =	smov.u32 s16;
	v47 =	vld [tilespmem:s16+$0xFFFFFFA0];
	v44 =	vperm.xlane v3, v11;
	v11 =	vmovc v12;
	v12 =	vmov v5  }
0x217: {  	v1 =	vmul.f32 v56, v50  }
0x218: {  	v2 =	vmul.f32 v59, v57  }
0x219: {  	v3 =	vmul.f32 v60, v54;
	[tilespmem:s16+$0xFFFFFF00] =	vst v1  }
0x21a: {  	v42 =	vmul.f32 v48, v42;
	[tilespmem:s16+$0xFFFFFF10] =	vst v2  }
0x21b: {  	v0 =	vmul.f32 v0, v49;
	[tilespmem:s16+$0xFFFFFF20] =	vst v3  }
0x21c: {  	v13 =	vmul.f32 v22, v13;
	[tilespmem:s16+$0xFFFFFF90] =	vst v42  }
0x21d: {  	v57 =	vmul.f32 v27, v25;
	[tilespmem:s16+$0xFFFFFFB0] =	vst v0  }
0x21e: {  	v1 =	vmul.f32 v61, v58;
	[tilespmem:s14+$0x70] =	vst v13  }
0x21f: {  	v2 =	vmul.f32 v62, v53;
	[tilespmem:s16+$0x80] =	vst v57  }
0x220: {  	v3 =	vmul.f32 v45, v55;
	[tilespmem:s16+$0xFFFFFF30] =	vst v1  }
0x221: {  	v1 =	vmul.f32 v43, v41;
	[tilespmem:s16+$0xFFFFFF40] =	vst v2  }
0x222: {  	v0 =	vmul.f32 v28, v24;
	[tilespmem:s16+$0xFFFFFF50] =	vst v3;
	v3 =	vld [tilespmem:s16+$0xFFFFFFD0]  }
0x223: {  	v2 =	vld [tilespmem:s16+$0xFFFFFFC0];
	[tilespmem:s16+$0xFFFFFF80] =	vst v1;
	v1 =	vmul.f32 v63, v52  }
0x224: {  	v56 =	vld [tilespmem:s16+$0xFFFFFFE0];
	v55 =	vmul.f32 v46, v51;
	[tilespmem:s16+$0x90] =	vst v0  }
0x225: {  	v40 =	vmul.f32 v47, v40;
	[tilespmem:s16+$0xFFFFFF70] =	vst v1;
	v1 =	vld [tilespmem:s16+$0xFFFFFFF0]  }
0x226: {  	v58 =	vld [tilespmem:s16+$0x0];
	v0 =	vmul.f32 v35, v23;
	[tilespmem:s16+$0xFFFFFF60] =	vst v55  }
0x227: {  	v59 =	vld [tilespmem:s16+$0x10];
	[tilespmem:s16+$0xFFFFFFA0] =	vst v40;
	v3 =	vmul.f32 v3, v38  }
0x228: {  	[tilespmem:s16+$0xA0] =	vst v0;
	v0 =	vld [tilespmem:s16+$0x60];
	v2 =	vmul.f32 v2, v39  }
0x229: {  	v60 =	vld [tilespmem:s16+$0x20];
	[tilespmem:s16+$0xFFFFFFD0] =	vst v3;
	v3 =	vmul.f32 v56, v37  }
0x22a: {  	v61 =	vld [tilespmem:s16+$0x30];
	[tilespmem:s16+$0xFFFFFFC0] =	vst v2;
	v1 =	vmul.f32 v1, v36  }
0x22b: {  	v2 =	vld [tilespmem:s16+$0x40];
	[tilespmem:s16+$0xFFFFFFE0] =	vst v3;
	v3 =	vmul.f32 v58, v31  }
0x22c: {  	v62 =	vld [tilespmem:s16+$0x50];
	v13 =	vmul.f32 v59, v29;
	[tilespmem:s16+$0xFFFFFFF0] =	vst v1  }
0x22d: {  	v0 =	vmul.f32 v0, v26;
	[tilespmem:s16+$0x0] =	vst v3  }
0x22e: {  	v63 =	vld [tilespmem:s16+$0x70];
	v1 =	vmul.f32 v60, v32;
	[tilespmem:s17+$0x10] =	vst v13  }
0x22f: {  	v3 =	vmul.f32 v61, v30;
	[tilespmem:s17+$0x60] =	vst v0  }
0x230: {  	v2 =	vmul.f32 v2, v34;
	[tilespmem:s17+$0x20] =	vst v1  }
0x231: {  	v1 =	vmul.f32 v62, v33;
	[tilespmem:s17+$0x30] =	vst v3;
	v3 =	vld [tilespmem:s16+$0xB0]  }
0x232: {  	[tilespmem:s17+$0x40] =	vst v2;
	v2 =	vmul.f32 v15, v12  }
0x233: {  	[tilespmem:s17+$0x50] =	vst v1;
	v1 =	vmul.f32 v14, v11;
	v11 =	vld [tilespmem:s17+$0xE0]  }
0x234: {  	v0 =	vld [tilespmem:$0x1FFD0];
	[tilespmem:s14+$0xB0] =	vst v2  }
0x235: {  	v2 =	vld [tilespmem:$0x1FFE0]  }
0x236: {  	[tilespmem:s14+$0xC0] =	vst v1;
	v1 =	vmul.f32 v3, v20  }
0x237: {  	v9 =	vld [tilespmem:s16+$0xC0]  }
0x238: {  	v10 =	vld [tilespmem:s16+$0xD0];
	[tilespmem:s17+$0xB0] =	vst v1;
	v1 =	vmul.f32 v11, v19  }
0x239: {  	v0 =	vmul.f32 v16, v0  }
0x23a: {  	v2 =	vmul.f32 v17, v2;
	[tilespmem:s17+$0xE0] =	vst v1  }
0x23b: {  	[tilespmem:s14+$0xD0] =	vst v0;
	v0 =	vmul.f32 v63, v44  }
0x23c: {  	[tilespmem:s14+$0xE0] =	vst v2;
	v2 =	vmul.f32 v9, v21  }
0x23d: {  	[tilespmem:s17+$0x70] =	vst v0;
	v0 =	vmul.f32 v10, v18  }
0x23e: {  	[tilespmem:s17+$0xC0] =	vst v2  }
0x23f: {  	[tilespmem:s17+$0xD0] =	vst v0  }
0x240: {  	[spmem:s22] =	stream.indirect.scatter.add.f32 [tilespmem:s10], [sflag:$0x3], $0x10, s4, s0, $0xb8;
	[tilespmem:$0x1C100] =	vst v63  }
0x241: {  	s13 =	sadd.s32 $0x1, s13;
	_ =	swait.ge [sflag:s31], $0x400  }
0x242: {  	p0 =	sne.s32 s13, $0x4F;
	[sflag:s31] =	ssyncset.done $0x0  }
.Ltmp3:
0x243: {  	[sflag:s31] =	ssyncadd.s32 $0xFFFFFC00;
	(pc) =	sbr.rel @p0 .LBB2_4-.Ltmp3, $4  }
0x244: {  	[spmem:s20] =	stream.indirect.scatter.add.f32 [tilespmem:s5], [sflag:$0x3], $0x80, s4, s0, $0xb8;
	[tilespmem:$0x1C100] =	vst v63  }
0x245: {  	v4 =	vimm.s32 $0x1;
	v5 =	vimm.s32 $0x2;
	_ =	swait.ge [sflag:s31], $0x2000  }
0x246: {  	v6 =	vimm.s32 $0x3;
	v7 =	vimm.s32 $0x4;
	v8 =	vimm.s32 $0x5;
	[sflag:s31] =	ssyncset.done $0x0  }
0x247: {  	v3 =	vimm.s32 $0x0;
	v1 =	vimm.s32 $0x6;
	v2 =	vimm.s32 $0x7;
	[sflag:s31] =	ssyncadd.s32 $0xFFFFE000  }
0x248: {  	_ =	swait.ge [sflag:s8], $0x2000  }
0x249: {  	[sflag:s8] =	ssyncset.done $0x0  }
0x24a: {  	[sflag:s8] =	ssyncadd.s32 $0xFFFFE000  }
0x24b: {  	_ =	swait.ge [sflag:s8], $0x400  }
0x24c: {  	[sflag:s8] =	ssyncset.done $0x0  }
0x24d: {  	[sflag:s8] =	ssyncadd.s32 $0xFFFFFC00  }
0x24e: {  	_ =	swait.ge [sflag:s8], $0x400  }
0x24f: {  	[sflag:s8] =	ssyncset.done $0x0  }
0x250: {  	[sflag:s8] =	ssyncadd.s32 $0xFFFFFC00  }
0x251: {  	[bflag:$0x0] =	sbarrier.arrive $0xFFFF  }
0x252: {  	s6 =	rddreg [dreg:$0x19]  }
0x253: {  	[tilespmem:s23], [sflag:$0x3] =	stream.linear.gather [spmem:s6], $0x2000, $0x38;
	[tilespmem:$0x1C100] =	vst v63  }
0x254: {  	_ =	swait.ge [sflag:s31], $0x2000  }
0x255: {  	[sflag:s31] =	ssyncset.done $0x0  }
0x256: {  	s15 =	rddreg [dreg:$0x5];
	[sflag:s31] =	ssyncadd.s32 $0xFFFFE000  }
0x257: {  	[hbm4b:s15+s11] =	stream.linear.scatter [tilespmem:s23], [sflag:$0x3], $0x2000, $0x38;
	[tilespmem:$0x1C100] =	vst v63  }
0x258: {  	_ =	swait.ge [sflag:s31], $0x2000  }
0x259: {  	[sflag:s31] =	ssyncset.done $0x0  }
0x25a: {  	s18 =	rddreg [dreg:$0x1a];
	[sflag:s31] =	ssyncadd.s32 $0xFFFFE000  }
0x25b: {  	[tilespmem:s21], [sflag:$0x3] =	stream.linear.gather [spmem:s18], $0x400, $0x38;
	[tilespmem:$0x1C100] =	vst v63  }
0x25c: {  	_ =	swait.ge [sflag:s31], $0x400  }
0x25d: {  	[sflag:s31] =	ssyncset.done $0x0  }
0x25e: {  	s16 =	rddreg [dreg:$0xf];
	[sflag:s31] =	ssyncadd.s32 $0xFFFFFC00  }
0x25f: {  	[hbm4b:s16+s11] =	stream.linear.scatter [tilespmem:s21], [sflag:$0x3], $0x400, $0x38;
	[tilespmem:$0x1C100] =	vst v63  }
0x260: {  	_ =	swait.ge [sflag:s31], $0x400  }
0x261: {  	[sflag:s31] =	ssyncset.done $0x0  }
0x262: {  	s17 =	rddreg [dreg:$0x1b];
	[sflag:s31] =	ssyncadd.s32 $0xFFFFFC00  }
0x263: {  	[tilespmem:s23], [sflag:$0x3] =	stream.linear.gather [spmem:s17], $0x2000, $0x38;
	[tilespmem:$0x1C100] =	vst v63  }
0x264: {  	_ =	swait.ge [sflag:s31], $0x2000  }
0x265: {  	[sflag:s31] =	ssyncset.done $0x0  }
0x266: {  	s7 =	rddreg [dreg:$0x6];
	[sflag:s31] =	ssyncadd.s32 $0xFFFFE000  }
0x267: {  	[hbm4b:s7+s11] =	stream.linear.scatter [tilespmem:s23], [sflag:$0x3], $0x2000, $0x38;
	[tilespmem:$0x1C100] =	vst v63  }
0x268: {  	_ =	swait.ge [sflag:s31], $0x2000  }
0x269: {  	[sflag:s31] =	ssyncset.done $0x0  }
0x26a: {  	s14 =	rddreg [dreg:$0x1c];
	[sflag:s31] =	ssyncadd.s32 $0xFFFFE000  }
0x26b: {  	[tilespmem:s21], [sflag:$0x3] =	stream.linear.gather [spmem:s14], $0x400, $0x38;
	[tilespmem:$0x1C100] =	vst v63  }
0x26c: {  	_ =	swait.ge [sflag:s31], $0x400  }
0x26d: {  	[sflag:s31] =	ssyncset.done $0x0  }
0x26e: {  	s12 =	rddreg [dreg:$0x10];
	[sflag:s31] =	ssyncadd.s32 $0xFFFFFC00  }
0x26f: {  	[hbm4b:s12+s11] =	stream.linear.scatter [tilespmem:s21], [sflag:$0x3], $0x400, $0x38;
	[tilespmem:$0x1C100] =	vst v63  }
0x270: {  	_ =	swait.ge [sflag:s31], $0x400  }
0x271: {  	[sflag:s31] =	ssyncset.done $0x0  }
0x272: {  	s13 =	rddreg [dreg:$0x1d];
	[sflag:s31] =	ssyncadd.s32 $0xFFFFFC00  }
0x273: {  	[tilespmem:s23], [sflag:$0x3] =	stream.linear.gather [spmem:s13], $0x2000, $0x38;
	[tilespmem:$0x1C100] =	vst v63  }
0x274: {  	_ =	swait.ge [sflag:s31], $0x2000  }
0x275: {  	[sflag:s31] =	ssyncset.done $0x0  }
0x276: {  	s15 =	rddreg [dreg:$0x7];
	[sflag:s31] =	ssyncadd.s32 $0xFFFFE000  }
0x277: {  	[hbm4b:s15+s11] =	stream.linear.scatter [tilespmem:s23], [sflag:$0x3], $0x2000, $0x38;
	[tilespmem:$0x1C100] =	vst v63  }
0x278: {  	_ =	swait.ge [sflag:s31], $0x2000  }
0x279: {  	[sflag:s31] =	ssyncset.done $0x0  }
0x27a: {  	s15 =	rddreg [dreg:$0x1e];
	[sflag:s31] =	ssyncadd.s32 $0xFFFFE000  }
0x27b: {  	[tilespmem:s21], [sflag:$0x3] =	stream.linear.gather [spmem:s15], $0x400, $0x38;
	[tilespmem:$0x1C100] =	vst v63  }
0x27c: {  	_ =	swait.ge [sflag:s31], $0x400  }
0x27d: {  	[sflag:s31] =	ssyncset.done $0x0  }
0x27e: {  	s16 =	rddreg [dreg:$0x11];
	[sflag:s31] =	ssyncadd.s32 $0xFFFFFC00  }
0x27f: {  	[hbm4b:s16+s11] =	stream.linear.scatter [tilespmem:s21], [sflag:$0x3], $0x400, $0x38;
	[tilespmem:$0x1C100] =	vst v63  }
0x280: {  	_ =	swait.ge [sflag:s31], $0x400  }
0x281: {  	[sflag:s31] =	ssyncset.done $0x0  }
0x282: {  	s17 =	rddreg [dreg:$0x1f];
	[sflag:s31] =	ssyncadd.s32 $0xFFFFFC00  }
0x283: {  	[tilespmem:s23], [sflag:$0x3] =	stream.linear.gather [spmem:s17], $0x2000, $0x38;
	[tilespmem:$0x1C100] =	vst v63  }
0x284: {  	_ =	swait.ge [sflag:s31], $0x2000  }
0x285: {  	[sflag:s31] =	ssyncset.done $0x0  }
0x286: {  	s7 =	rddreg [dreg:$0x8];
	[sflag:s31] =	ssyncadd.s32 $0xFFFFE000  }
0x287: {  	[hbm4b:s7+s11] =	stream.linear.scatter [tilespmem:s23], [sflag:$0x3], $0x2000, $0x38;
	[tilespmem:$0x1C100] =	vst v63  }
0x288: {  	_ =	swait.ge [sflag:s31], $0x2000  }
0x289: {  	s16 =	sld [smem:$0x7FB]  }
0x28a: {  	[sflag:s31] =	ssyncset.done $0x0  }
0x28b: {  	[sflag:s31] =	ssyncadd.s32 $0xFFFFE000  }
0x28c: {  	[tilespmem:s21], [sflag:$0x3] =	stream.linear.gather [spmem:s16], $0x400, $0x38;
	[tilespmem:$0x1C100] =	vst v63  }
0x28d: {  	_ =	swait.ge [sflag:s31], $0x400  }
0x28e: {  	[sflag:s31] =	ssyncset.done $0x0  }
0x28f: {  	s12 =	rddreg [dreg:$0x12];
	[sflag:s31] =	ssyncadd.s32 $0xFFFFFC00  }
0x290: {  	[hbm4b:s12+s11] =	stream.linear.scatter [tilespmem:s21], [sflag:$0x3], $0x400, $0x38;
	[tilespmem:$0x1C100] =	vst v63  }
0x291: {  	_ =	swait.ge [sflag:s31], $0x400  }
0x292: {  	s13 =	sld [smem:$0x7ED]  }
0x293: {  	[sflag:s31] =	ssyncset.done $0x0  }
0x294: {  	[sflag:s31] =	ssyncadd.s32 $0xFFFFFC00  }
0x295: {  	[tilespmem:s23], [sflag:$0x3] =	stream.linear.gather [spmem:s13], $0x2000, $0x38;
	[tilespmem:$0x1C100] =	vst v63  }
0x296: {  	_ =	swait.ge [sflag:s31], $0x2000  }
0x297: {  	[sflag:s31] =	ssyncset.done $0x0  }
0x298: {  	s17 =	rddreg [dreg:$0x9];
	[sflag:s31] =	ssyncadd.s32 $0xFFFFE000  }
0x299: {  	[hbm4b:s17+s11] =	stream.linear.scatter [tilespmem:s23], [sflag:$0x3], $0x2000, $0x38;
	[tilespmem:$0x1C100] =	vst v63  }
0x29a: {  	_ =	swait.ge [sflag:s31], $0x2000  }
0x29b: {  	s17 =	sld [smem:$0x7FC]  }
0x29c: {  	[sflag:s31] =	ssyncset.done $0x0  }
0x29d: {  	[sflag:s31] =	ssyncadd.s32 $0xFFFFE000  }
0x29e: {  	[tilespmem:s21], [sflag:$0x3] =	stream.linear.gather [spmem:s17], $0x400, $0x38;
	[tilespmem:$0x1C100] =	vst v63  }
0x29f: {  	_ =	swait.ge [sflag:s31], $0x400  }
0x2a0: {  	[sflag:s31] =	ssyncset.done $0x0  }
0x2a1: {  	s7 =	rddreg [dreg:$0x13];
	[sflag:s31] =	ssyncadd.s32 $0xFFFFFC00  }
0x2a2: {  	[hbm4b:s7+s11] =	stream.linear.scatter [tilespmem:s21], [sflag:$0x3], $0x400, $0x38;
	[tilespmem:$0x1C100] =	vst v63  }
0x2a3: {  	_ =	swait.ge [sflag:s31], $0x400  }
0x2a4: {  	s12 =	sld [smem:$0x7EE]  }
0x2a5: {  	[sflag:s31] =	ssyncset.done $0x0  }
0x2a6: {  	[sflag:s31] =	ssyncadd.s32 $0xFFFFFC00  }
0x2a7: {  	[tilespmem:s23], [sflag:$0x3] =	stream.linear.gather [spmem:s12], $0x2000, $0x38;
	[tilespmem:$0x1C100] =	vst v63  }
0x2a8: {  	_ =	swait.ge [sflag:s31], $0x2000  }
0x2a9: {  	[sflag:s31] =	ssyncset.done $0x0  }
0x2aa: {  	s13 =	rddreg [dreg:$0xa];
	[sflag:s31] =	ssyncadd.s32 $0xFFFFE000  }
0x2ab: {  	[hbm4b:s13+s11] =	stream.linear.scatter [tilespmem:s23], [sflag:$0x3], $0x2000, $0x38;
	[tilespmem:$0x1C100] =	vst v63  }
0x2ac: {  	_ =	swait.ge [sflag:s31], $0x2000  }
0x2ad: {  	s7 =	sld [smem:$0x7EF]  }
0x2ae: {  	[sflag:s31] =	ssyncset.done $0x0  }
0x2af: {  	[sflag:s31] =	ssyncadd.s32 $0xFFFFE000  }
0x2b0: {  	[tilespmem:s21], [sflag:$0x3] =	stream.linear.gather [spmem:s7], $0x400, $0x38;
	[tilespmem:$0x1C100] =	vst v63  }
0x2b1: {  	_ =	swait.ge [sflag:s31], $0x400  }
0x2b2: {  	[sflag:s31] =	ssyncset.done $0x0  }
0x2b3: {  	s12 =	rddreg [dreg:$0x14];
	[sflag:s31] =	ssyncadd.s32 $0xFFFFFC00  }
0x2b4: {  	[hbm4b:s12+s11] =	stream.linear.scatter [tilespmem:s21], [sflag:$0x3], $0x400, $0x38;
	[tilespmem:$0x1C100] =	vst v63  }
0x2b5: {  	_ =	swait.ge [sflag:s31], $0x400  }
0x2b6: {  	s13 =	sld [smem:$0x7F0]  }
0x2b7: {  	[sflag:s31] =	ssyncset.done $0x0  }
0x2b8: {  	[sflag:s31] =	ssyncadd.s32 $0xFFFFFC00  }
0x2b9: {  	[tilespmem:s23], [sflag:$0x3] =	stream.linear.gather [spmem:s13], $0x2000, $0x38;
	[tilespmem:$0x1C100] =	vst v63  }
0x2ba: {  	_ =	swait.ge [sflag:s31], $0x2000  }
0x2bb: {  	[sflag:s31] =	ssyncset.done $0x0  }
0x2bc: {  	s7 =	rddreg [dreg:$0xb];
	[sflag:s31] =	ssyncadd.s32 $0xFFFFE000  }
0x2bd: {  	[hbm4b:s7+s11] =	stream.linear.scatter [tilespmem:s23], [sflag:$0x3], $0x2000, $0x38;
	[tilespmem:$0x1C100] =	vst v63  }
0x2be: {  	_ =	swait.ge [sflag:s31], $0x2000  }
0x2bf: {  	s12 =	sld [smem:$0x7F1]  }
0x2c0: {  	[sflag:s31] =	ssyncset.done $0x0  }
0x2c1: {  	[sflag:s31] =	ssyncadd.s32 $0xFFFFE000  }
0x2c2: {  	[tilespmem:s21], [sflag:$0x3] =	stream.linear.gather [spmem:s12], $0x400, $0x38;
	[tilespmem:$0x1C100] =	vst v63  }
0x2c3: {  	_ =	swait.ge [sflag:s31], $0x400  }
0x2c4: {  	[sflag:s31] =	ssyncset.done $0x0  }
0x2c5: {  	s13 =	rddreg [dreg:$0x15];
	[sflag:s31] =	ssyncadd.s32 $0xFFFFFC00  }
0x2c6: {  	[hbm4b:s13+s11] =	stream.linear.scatter [tilespmem:s21], [sflag:$0x3], $0x400, $0x38;
	[tilespmem:$0x1C100] =	vst v63  }
0x2c7: {  	_ =	swait.ge [sflag:s31], $0x400  }
0x2c8: {  	s13 =	sld [smem:$0x7FD]  }
0x2c9: {  	[sflag:s31] =	ssyncset.done $0x0  }
0x2ca: {  	[sflag:s31] =	ssyncadd.s32 $0xFFFFFC00  }
0x2cb: {  	[tilespmem:s23], [sflag:$0x3] =	stream.linear.gather [spmem:s13], $0x2000, $0x38;
	[tilespmem:$0x1C100] =	vst v63  }
0x2cc: {  	_ =	swait.ge [sflag:s31], $0x2000  }
0x2cd: {  	[sflag:s31] =	ssyncset.done $0x0  }
0x2ce: {  	s7 =	rddreg [dreg:$0xc];
	[sflag:s31] =	ssyncadd.s32 $0xFFFFE000  }
0x2cf: {  	[hbm4b:s7+s11] =	stream.linear.scatter [tilespmem:s23], [sflag:$0x3], $0x2000, $0x38;
	[tilespmem:$0x1C100] =	vst v63  }
0x2d0: {  	_ =	swait.ge [sflag:s31], $0x2000  }
0x2d1: {  	s12 =	sld [smem:$0x7F2]  }
0x2d2: {  	[sflag:s31] =	ssyncset.done $0x0  }
0x2d3: {  	[sflag:s31] =	ssyncadd.s32 $0xFFFFE000  }
0x2d4: {  	[tilespmem:s21], [sflag:$0x3] =	stream.linear.gather [spmem:s12], $0x400, $0x38;
	[tilespmem:$0x1C100] =	vst v63  }
0x2d5: {  	_ =	swait.ge [sflag:s31], $0x400  }
0x2d6: {  	[sflag:s31] =	ssyncset.done $0x0  }
0x2d7: {  	s7 =	rddreg [dreg:$0x16];
	[sflag:s31] =	ssyncadd.s32 $0xFFFFFC00  }
0x2d8: {  	[hbm4b:s7+s11] =	stream.linear.scatter [tilespmem:s21], [sflag:$0x3], $0x400, $0x38;
	[tilespmem:$0x1C100] =	vst v63  }
0x2d9: {  	_ =	swait.ge [sflag:s31], $0x400  }
0x2da: {  	s12 =	sld [smem:$0x7F3]  }
0x2db: {  	[sflag:s31] =	ssyncset.done $0x0  }
0x2dc: {  	[sflag:s31] =	ssyncadd.s32 $0xFFFFFC00  }
0x2dd: {  	[tilespmem:s23], [sflag:$0x3] =	stream.linear.gather [spmem:s12], $0x2000, $0x38;
	[tilespmem:$0x1C100] =	vst v63  }
0x2de: {  	_ =	swait.ge [sflag:s31], $0x2000  }
0x2df: {  	[sflag:s31] =	ssyncset.done $0x0  }
0x2e0: {  	s7 =	rddreg [dreg:$0xd];
	[sflag:s31] =	ssyncadd.s32 $0xFFFFE000  }
0x2e1: {  	[hbm4b:s7+s11] =	stream.linear.scatter [tilespmem:s23], [sflag:$0x3], $0x2000, $0x38;
	[tilespmem:$0x1C100] =	vst v63  }
0x2e2: {  	_ =	swait.ge [sflag:s31], $0x2000  }
0x2e3: {  	s12 =	sld [smem:$0x7F4]  }
0x2e4: {  	[sflag:s31] =	ssyncset.done $0x0  }
0x2e5: {  	[sflag:s31] =	ssyncadd.s32 $0xFFFFE000  }
0x2e6: {  	[tilespmem:s21], [sflag:$0x3] =	stream.linear.gather [spmem:s12], $0x400, $0x38;
	[tilespmem:$0x1C100] =	vst v63  }
0x2e7: {  	_ =	swait.ge [sflag:s31], $0x400  }
0x2e8: {  	[sflag:s31] =	ssyncset.done $0x0  }
0x2e9: {  	s7 =	rddreg [dreg:$0x17];
	[sflag:s31] =	ssyncadd.s32 $0xFFFFFC00  }
0x2ea: {  	[hbm4b:s7+s11] =	stream.linear.scatter [tilespmem:s21], [sflag:$0x3], $0x400, $0x38;
	[tilespmem:$0x1C100] =	vst v63  }
0x2eb: {  	_ =	swait.ge [sflag:s31], $0x400  }
0x2ec: {  	s12 =	sld [smem:$0x7F5]  }
0x2ed: {  	[sflag:s31] =	ssyncset.done $0x0  }
0x2ee: {  	[sflag:s31] =	ssyncadd.s32 $0xFFFFFC00  }
0x2ef: {  	[tilespmem:s23], [sflag:$0x3] =	stream.linear.gather [spmem:s12], $0x2000, $0x38;
	[tilespmem:$0x1C100] =	vst v63  }
0x2f0: {  	_ =	swait.ge [sflag:s31], $0x2000  }
0x2f1: {  	[sflag:s31] =	ssyncset.done $0x0  }
0x2f2: {  	s7 =	rddreg [dreg:$0xe];
	[sflag:s31] =	ssyncadd.s32 $0xFFFFE000  }
0x2f3: {  	[hbm4b:s7+s11] =	stream.linear.scatter [tilespmem:s23], [sflag:$0x3], $0x2000, $0x38;
	[tilespmem:$0x1C100] =	vst v63  }
0x2f4: {  	_ =	swait.ge [sflag:s31], $0x2000  }
0x2f5: {  	s12 =	sld [smem:$0x7F6]  }
0x2f6: {  	[sflag:s31] =	ssyncset.done $0x0  }
0x2f7: {  	[sflag:s31] =	ssyncadd.s32 $0xFFFFE000  }
0x2f8: {  	[tilespmem:s21], [sflag:$0x3] =	stream.linear.gather [spmem:s12], $0x400, $0x38;
	[tilespmem:$0x1C100] =	vst v63  }
0x2f9: {  	_ =	swait.ge [sflag:s31], $0x400  }
0x2fa: {  	[sflag:s31] =	ssyncset.done $0x0  }
0x2fb: {  	s7 =	rddreg [dreg:$0x18];
	[sflag:s31] =	ssyncadd.s32 $0xFFFFFC00  }
0x2fc: {  	[hbm4b:s7+s11] =	stream.linear.scatter [tilespmem:s21], [sflag:$0x3], $0x400, $0x38;
	[tilespmem:$0x1C100] =	vst v63  }
0x2fd: {  	_ =	swait.ge [sflag:s31], $0x400  }
0x2fe: {  	s7 =	sld [smem:$0x7EC]  }
0x2ff: {  	s12 =	sld [smem:$0x7FA];
	_ =	sdelay $0x1  }
0x300: {  	s7 =	sadd.s32 $0x1, s7  }
0x301: {  	p0 =	sne.s32 s7, s12  }
.Ltmp4:
0x302: {  	_ = 	snop;
	(pc) =	sbr.rel @p0 .LBB2_1-.Ltmp4, $3  }
0x303: {  	_ =	sdelay $0x1  }
0x304: {  	[sflag:s31] =	ssyncset.done $0x0  }
0x305: {  	v0 =	vimm.f32 $0.0e+00;
	[sflag:s31] =	ssyncadd.s32 $0xFFFFFC00  }
0x306: {  	_ =	sfence.sel $0x180000  }
0x307: {  	[bflag:$0x0] =	sbarrier.arrive $0xFFFF  }
0x308: {  	_ =	strace $0x90000047  }
0x309: {  	s0 =	stileid.u32;
	[bflag:$0x2] =	sbarrier.arrive $0xFFFF  }
0x30a: {  	p0 =	sne.s32 s0, $0x0;
	s0 =	rddreg [dreg:$0x4]  }
0x30b: {  	s0 =	sadd.s32 @!p0 $0x100000, s0  }
0x30c: {  	[sflag:s0] =	ssyncadd.tile.s32 @!p0 $0x1;
	_ =	shalt  }
.Lfunc_end2:
_tile_overlayer_lowered:
.L_overlay_start_2:
0x30d: {  	(tag) =	ssettag $0x2  }
0x30e: {  	s0 =	rddreg [dreg:$0x0];
	s2 =	stileid.u32  }
0x30f: {  	s1 =	rddreg [dreg:$0x1];
	p0 =	sne.s32 s2, $0x0  }
0x310: {  	s3 =	rddreg [dreg:$0x2];
	[bflag:$0x3] =	sbarrier.arrive $0xFFFF;
	s2 =	simm.s32 @!p0 $0x1C03  }
0x311: {  	[timem:s3], [sflag:s2] =	dma.local @!p0 [hbm:s0], s1  }
0x312: {  	s0 =	simm.s32 @!p0 $0x3  }
0x313: {  	_ =	swait.ge @!p0 [sflag:s0], s1  }
0x314: {  	s1 =	ssub.s32 @!p0 $0x0, s1;
	[sflag:s0] =	ssyncset.done @!p0 $0x0  }
0x315: {  	[sflag:s0] =	ssyncadd.s32 @!p0 s1  }
0x316: {  	[bflag:$0x3] =	sbarrier.arrive $0xFFFF  }
0x317: {  	_ =	shalt  }

</sc_bundles>
